<compile_context>
chip_gen: v7x
topology: tpu7x:2x2x1
jax: 0.10.2.dev20260603
libtpu: 0.0.44.dev20260713+nightly
codegen_flags: <defaults>
</compile_context>

<pallas_src>
import functools

import jax
import jax.numpy as jnp
from jax import lax
from jax.experimental import pallas as pl
from jax.experimental.pallas import tpu as pltpu
from jax.experimental.pallas import tpu_sc as plsc

N = 10000
E = 320000
D = 128
H = 128
HH = H // 2
C = 16
G = 64

NC = 2
NS = 16

CHUNK = 64
EP = E // NS
NCH = 316
EPAD = NCH * CHUNK
N_T = 10240
ROWS_PER_TILE = N_T // NS

R = 512
GRID = N_T // R

_mesh = plsc.VectorSubcoreMesh(core_axis_name="c", subcore_axis_name="s")


@functools.partial(
    pl.kernel,
    out_type=jax.ShapeDtypeStruct((NC, N_T), jnp.float32),
    mesh=_mesh,
    scratch_types=[
        pltpu.VMEM((NCH, CHUNK), jnp.int32),
        pltpu.VMEM((CHUNK,), jnp.float32),
        pltpu.VMEM((ROWS_PER_TILE,), jnp.float32),
        pltpu.VMEM_SHARED((N_T,), jnp.float32),
    ],
)
def _sc_degree(dst_hbm, out_hbm, didx, ones, zbuf, acc):
    cid = lax.axis_index("c")
    sid = lax.axis_index("s")

    @pl.loop(0, ROWS_PER_TILE, step=16)
    def _(j):
        zbuf[pl.ds(j, 16)] = jnp.zeros((16,), jnp.float32)

    @pl.loop(0, CHUNK, step=16)
    def _(j):
        ones[pl.ds(j, 16)] = jnp.ones((16,), jnp.float32)

    pltpu.sync_copy(zbuf, acc.at[pl.ds(sid * ROWS_PER_TILE, ROWS_PER_TILE)])
    pltpu.sync_copy(dst_hbm.at[sid], didx)
    plsc.subcore_barrier()

    @pl.loop(0, NCH)
    def _(j):
        pltpu.sync_copy(ones, acc.at[didx.at[j]], add=True)

    plsc.subcore_barrier()
    pltpu.sync_copy(acc.at[pl.ds(sid * ROWS_PER_TILE, ROWS_PER_TILE)], zbuf)
    pltpu.sync_copy(zbuf, out_hbm.at[cid, pl.ds(sid * ROWS_PER_TILE, ROWS_PER_TILE)])


@functools.partial(
    pl.kernel,
    out_type=jax.ShapeDtypeStruct((NC, N_T, HH), jnp.float32),
    mesh=_mesh,
    scratch_types=[
        pltpu.VMEM((NCH, CHUNK), jnp.int32),
        pltpu.VMEM((NCH, CHUNK), jnp.int32),
        pltpu.VMEM((CHUNK, HH), jnp.float32),
        pltpu.VMEM((CHUNK, HH), jnp.float32),
        pltpu.VMEM_SHARED((N_T, HH), jnp.float32),
        pltpu.SemaphoreType.DMA,
        pltpu.SemaphoreType.DMA,
    ],
    compiler_params=pltpu.CompilerParams(use_tc_tiling_on_sc=False),
)
def _sc_scatter(t_hbm, src_hbm, dst_hbm, out_hbm, sidx, didx, bufa, bufb, acc,
                sema, semb):
    cid = lax.axis_index("c")
    sid = lax.axis_index("s")

    @pl.loop(0, CHUNK)
    def _(i):
        @pl.loop(0, HH, step=16)
        def _(j):
            bufa[i, pl.ds(j, 16)] = jnp.zeros((16,), jnp.float32)

    @pl.loop(0, ROWS_PER_TILE, step=CHUNK)
    def _(r):
        pltpu.sync_copy(bufa, acc.at[pl.ds(sid * ROWS_PER_TILE + r, CHUNK)])

    pltpu.sync_copy(src_hbm.at[sid], sidx)
    pltpu.sync_copy(dst_hbm.at[sid], didx)

    off = (cid * N_T).astype(jnp.int32)

    @pl.loop(0, NCH)
    def _(i):
        @pl.loop(0, CHUNK, step=16)
        def _(j):
            sidx[i, pl.ds(j, 16)] = sidx[i, pl.ds(j, 16)] + off

    plsc.subcore_barrier()

    @pl.loop(0, NCH, step=2)
    def _(i):
        da = pltpu.async_copy(t_hbm.at[sidx.at[i]], bufa, sema)
        db = pltpu.async_copy(t_hbm.at[sidx.at[i + 1]], bufb, semb)
        da.wait()
        pltpu.sync_copy(bufa, acc.at[didx.at[i]], add=True)
        db.wait()
        pltpu.sync_copy(bufb, acc.at[didx.at[i + 1]], add=True)

    plsc.subcore_barrier()

    @pl.loop(0, ROWS_PER_TILE, step=CHUNK)
    def _(r):
        row0 = sid * ROWS_PER_TILE + r
        pltpu.sync_copy(acc.at[pl.ds(row0, CHUNK)], bufa)
        pltpu.sync_copy(bufa, out_hbm.at[cid, pl.ds(row0, CHUNK)])


def _pre_body(x_ref, w_ref, dp_ref, t_ref, dinv_ref):
    deg = dp_ref[:, 0:1] + 1.0
    dinv = lax.rsqrt(deg)
    xw = jnp.dot(x_ref[...], w_ref[...], preferred_element_type=jnp.float32)
    t = xw * dinv
    t_ref[0] = t[:, :HH]
    t_ref[1] = t[:, HH:]
    dinv_ref[...] = dinv


def _tc_pre(x, w, dp):
    return pl.pallas_call(
        _pre_body,
        grid=(GRID,),
        in_specs=[
            pl.BlockSpec((R, D), lambda i: (i, 0)),
            pl.BlockSpec((D, H), lambda i: (0, 0)),
            pl.BlockSpec((R, NC), lambda i: (i, 0)),
        ],
        out_specs=[
            pl.BlockSpec((NC, R, HH), lambda i: (0, i, 0)),
            pl.BlockSpec((R, 1), lambda i: (i, 0)),
        ],
        out_shape=[
            jax.ShapeDtypeStruct((NC, N_T, HH), jnp.float32),
            jax.ShapeDtypeStruct((N_T, 1), jnp.float32),
        ],
    )(x, w, dp)


def _mid_body(p_ref, t_ref, dinv_ref, b_ref, w_ref, tn_ref):
    dinv = dinv_ref[...]
    s = jnp.concatenate([p_ref[0] + t_ref[0], p_ref[1] + t_ref[1]], axis=1)
    u = jnp.maximum(s * dinv + b_ref[...], 0.0)
    tn = jnp.dot(u, w_ref[...], preferred_element_type=jnp.float32) * dinv
    tn_ref[0] = tn[:, :HH]
    tn_ref[1] = tn[:, HH:]


def _tc_mid(p, t, dinv, b, w):
    return pl.pallas_call(
        _mid_body,
        grid=(GRID,),
        in_specs=[
            pl.BlockSpec((NC, R, HH), lambda i: (0, i, 0)),
            pl.BlockSpec((NC, R, HH), lambda i: (0, i, 0)),
            pl.BlockSpec((R, 1), lambda i: (i, 0)),
            pl.BlockSpec((1, H), lambda i: (0, 0)),
            pl.BlockSpec((H, H), lambda i: (0, 0)),
        ],
        out_specs=pl.BlockSpec((NC, R, HH), lambda i: (0, i, 0)),
        out_shape=jax.ShapeDtypeStruct((NC, N_T, HH), jnp.float32),
    )(p, t, dinv, b, w)


def _post_body(p_ref, t_ref, dinv_ref, b_ref, batch_ref,
               wm1_ref, bm1_ref, wm2_ref, bm2_ref, wm3_ref, bm3_ref,
               out_ref, pooled_acc, cnt_acc):
    i = pl.program_id(0)
    s = jnp.concatenate([p_ref[0] + t_ref[0], p_ref[1] + t_ref[1]], axis=1)
    u = jnp.maximum(s * dinv_ref[...] + b_ref[...], 0.0)
    gid = batch_ref[...]
    oh = (gid == lax.broadcasted_iota(jnp.int32, (R, G), 1)).astype(jnp.float32)
    part = lax.dot_general(oh, u, (((0,), (0,)), ((), ())),
                           preferred_element_type=jnp.float32)
    cpart = jnp.sum(oh, axis=0, keepdims=True)

    @pl.when(i == 0)
    def _():
        pooled_acc[...] = part
        cnt_acc[...] = cpart

    @pl.when(i > 0)
    def _():
        pooled_acc[...] += part
        cnt_acc[...] += cpart

    @pl.when(i == GRID - 1)
    def _():
        cnt = jnp.maximum(cnt_acc[...], 1.0)
        pooled = pooled_acc[...] / cnt.reshape(G, 1)
        h1 = jnp.maximum(jnp.dot(pooled, wm1_ref[...],
                                 preferred_element_type=jnp.float32)
                         + bm1_ref[...], 0.0)
        h2 = jnp.maximum(jnp.dot(h1, wm2_ref[...],
                                 preferred_element_type=jnp.float32)
                         + bm2_ref[...], 0.0)
        h3 = jnp.maximum(jnp.dot(h2, wm3_ref[...],
                                 preferred_element_type=jnp.float32)
                         + bm3_ref[...], 0.0)
        out_ref[...] = h3


def _tc_post(p, t, dinv, b, batch2d, wm1, bm1, wm2, bm2, wm3, bm3):
    return pl.pallas_call(
        _post_body,
        grid=(GRID,),
        in_specs=[
            pl.BlockSpec((NC, R, HH), lambda i: (0, i, 0)),
            pl.BlockSpec((NC, R, HH), lambda i: (0, i, 0)),
            pl.BlockSpec((R, 1), lambda i: (i, 0)),
            pl.BlockSpec((1, H), lambda i: (0, 0)),
            pl.BlockSpec((R, 1), lambda i: (i, 0)),
            pl.BlockSpec((H, 64), lambda i: (0, 0)),
            pl.BlockSpec((1, 64), lambda i: (0, 0)),
            pl.BlockSpec((64, 32), lambda i: (0, 0)),
            pl.BlockSpec((1, 32), lambda i: (0, 0)),
            pl.BlockSpec((32, C), lambda i: (0, 0)),
            pl.BlockSpec((1, C), lambda i: (0, 0)),
        ],
        out_specs=pl.BlockSpec((G, C), lambda i: (0, 0)),
        out_shape=jax.ShapeDtypeStruct((G, C), jnp.float32),
        scratch_shapes=[
            pltpu.VMEM((G, H), jnp.float32),
            pltpu.VMEM((1, G), jnp.float32),
        ],
    )(p, t, dinv, b, batch2d, wm1, bm1, wm2, bm2, wm3, bm3)


def kernel(x, edge_index, batch, W1, b1, W2, b2, Wm1, bm1, Wm2, bm2, Wm3, bm3):
    src = edge_index[0].reshape(NS, EP)
    dst = edge_index[1].reshape(NS, EP)
    srcp = jnp.pad(src, ((0, 0), (0, EPAD - EP))).reshape(NS, NCH, CHUNK)
    pad_dst = N + (jnp.arange(EPAD - EP, dtype=jnp.int32) % (N_T - N))
    dstp = jnp.concatenate(
        [dst, jnp.broadcast_to(pad_dst, (NS, EPAD - EP))],
        axis=1).reshape(NS, NCH, CHUNK)

    xp = jnp.pad(x, ((0, N_T - N), (0, 0)))
    batch2d = jnp.pad(batch, (0, N_T - N), constant_values=G).reshape(N_T, 1)
    b1r = b1.reshape(1, H)
    b2r = b2.reshape(1, H)

    dp = _sc_degree(dstp)
    t, dinv = _tc_pre(xp, W1, jnp.transpose(dp))

    def flat(t2):
        return t2.reshape(NC * N_T, HH)

    p = _sc_scatter(flat(t), srcp, dstp)
    t = _tc_mid(p, t, dinv, b1r, W2)
    p = _sc_scatter(flat(t), srcp, dstp)
    t = _tc_mid(p, t, dinv, b2r, W2)
    p = _sc_scatter(flat(t), srcp, dstp)
    t = _tc_mid(p, t, dinv, b2r, W2)
    p = _sc_scatter(flat(t), srcp, dstp)

    return _tc_post(p, t, dinv, b2r, batch2d,
                    Wm1, bm1.reshape(1, 64), Wm2, bm2.reshape(1, 32),
                    Wm3, bm3.reshape(1, C))

# --- scband reference (transcript-rebuilt; emitter-appended) ---
"""Pipeline reference for scband-simple-gcn-50766513438884 (READ-ONLY COPY).

The authoritative reference and input builder live on the scoring server;
editing this copy changes nothing except your own understanding.
"""

import jax, jax.numpy as jnp
import numpy as np

N = 10000
E = 320000
D = 128
H = 128
C = 16
G = 64
# MLP dims from ratio = (C/H)**(1/3) = 0.5 -> int(H*0.5)=64, int(H*0.25)=32
M1D, M2D = 64, 32


def setup_inputs(seed: int = 0) -> dict:
    key = jax.random.key(seed)
    ks = jax.random.split(key, 12)
    x = jax.random.normal(ks[0], (N, D), dtype=jnp.float32)
    edge_index = jax.random.randint(ks[1], (2, E), 0, N, dtype=jnp.int32)
    batch = jnp.sort(jax.random.randint(ks[2], (N,), 0, G, dtype=jnp.int32))
    W1 = jax.random.normal(ks[3], (D, H), dtype=jnp.float32) * 0.05
    b1 = jnp.zeros((H,), dtype=jnp.float32)
    W2 = jax.random.normal(ks[4], (H, H), dtype=jnp.float32) * 0.05
    b2 = jnp.zeros((H,), dtype=jnp.float32)
    Wm1 = jax.random.normal(ks[5], (H, M1D), dtype=jnp.float32) * 0.05
    bm1 = jnp.zeros((M1D,), dtype=jnp.float32)
    Wm2 = jax.random.normal(ks[6], (M1D, M2D), dtype=jnp.float32) * 0.05
    bm2 = jnp.zeros((M2D,), dtype=jnp.float32)
    Wm3 = jax.random.normal(ks[7], (M2D, C), dtype=jnp.float32) * 0.05
    bm3 = jnp.zeros((C,), dtype=jnp.float32)
    return {"x": x, "edge_index": edge_index, "batch": batch,
            "W1": W1, "b1": b1, "W2": W2, "b2": b2,
            "Wm1": Wm1, "bm1": bm1, "Wm2": Wm2, "bm2": bm2, "Wm3": Wm3, "bm3": bm3}


def _gcn_norm(edge_index):
    # PyG gcn_norm with add_self_loops=True: A_hat = D^-1/2 (A+I) D^-1/2
    loop = jnp.arange(N, dtype=edge_index.dtype)
    src = jnp.concatenate([edge_index[0], loop])
    dst = jnp.concatenate([edge_index[1], loop])
    deg = jnp.zeros((N,), dtype=jnp.float32).at[dst].add(1.0)
    dinv = jnp.where(deg > 0, deg ** -0.5, 0.0)
    norm = dinv[src] * dinv[dst]
    return src, dst, norm


def _gcn_conv(x, src, dst, norm, W, b):
    h = x @ W
    msg = h[src] * norm[:, None]
    out = jnp.zeros((N, h.shape[1]), dtype=h.dtype).at[dst].add(msg)
    return out + b


def reference(x, edge_index, batch, W1, b1, W2, b2, Wm1, bm1, Wm2, bm2, Wm3, bm3):
    src, dst, norm = _gcn_norm(edge_index)
    h = jax.nn.relu(_gcn_conv(x, src, dst, norm, W1, b1))
    h = jax.nn.relu(_gcn_conv(h, src, dst, norm, W2, b2))
    h = jax.nn.relu(_gcn_conv(h, src, dst, norm, W2, b2))
    h = jax.nn.relu(_gcn_conv(h, src, dst, norm, W2, b2))
    # global mean pool over graph assignment `batch`
    sums = jax.ops.segment_sum(h, batch, num_segments=G)
    cnt = jax.ops.segment_sum(jnp.ones((N, 1), dtype=h.dtype), batch, num_segments=G)
    pooled = sums / jnp.clip(cnt, 1.0)
    # MLP (dropout is identity in eval mode)
    h = jax.nn.relu(pooled @ Wm1 + bm1)
    h = jax.nn.relu(h @ Wm2 + bm2)
    h = jax.nn.relu(h @ Wm3 + bm3)
    return h

if __name__ == "__main__":
    import jax
    _d = setup_inputs()
    print(jax.jit(kernel)(*tuple(_d.values())))

</pallas_src>

<mosaic_0001>
#map = affine_map<(d0, d1) -> (0, 0)>
#map1 = affine_map<(d0, d1) -> (0, 0, 0)>
module attributes {stable_mosaic.version = 14 : i64} {
  func.func @_sc_scatter(%arg0: i32, %arg1: i32, %arg2: memref<20480x64xf32, #tpu.memory_space<hbm>>, %arg3: memref<16x316x64xi32, #tpu.memory_space<hbm>>, %arg4: memref<16x316x64xi32, #tpu.memory_space<hbm>>, %arg5: memref<2x10240x64xf32, #tpu.memory_space<hbm>>, %arg6: memref<316x64xi32, #tpu.memory_space<vmem>>, %arg7: memref<316x64xi32, #tpu.memory_space<vmem>>, %arg8: memref<64x64xf32, #tpu.memory_space<vmem>>, %arg9: memref<64x64xf32, #tpu.memory_space<vmem>>, %arg10: memref<10240x64xf32, #tpu.memory_space<vmem_shared>>, %arg11: memref<!tpu.dma_semaphore, #tpu.memory_space<semaphore_mem>>, %arg12: memref<!tpu.dma_semaphore, #tpu.memory_space<semaphore_mem>>) attributes {dimension_semantics = [#tpu.dimension_semantics<core_parallel>, #tpu.dimension_semantics<subcore_parallel>], iteration_bounds = array<i64: 2, 16>, scalar_prefetch = 0 : i64, scratch_operands = 7 : i64, tpu.core_type = #tpu.core_type<sc_vector_subcore>, window_params = [{transform_indices = #map}, {transform_indices = #map1}, {transform_indices = #map1}, {transform_indices = #map1}]} {
    %scan3A = arith.constant 0 : i32
    %scan3A_0 = arith.constant 64 : i32
    %scan3A_1 = arith.addi %scan3A, %scan3A_0 : i32
    %scan3A_2 = arith.constant 1 : i32
    scf.for %scan3A_26 = %scan3A to %scan3A_1 step %scan3A_2  : i32 {
      %mul3A_27 = arith.constant 1 : i32
      %mul3A_28 = arith.muli %scan3A_26, %mul3A_27 : i32
      %add3A = arith.constant 0 : i32
      %add3A_29 = arith.addi %add3A, %mul3A_28 : i32
      %scan3A_30 = arith.constant 0 : i32
      %scan3A_31 = arith.constant 4 : i32
      %scan3A_32 = arith.addi %scan3A_30, %scan3A_31 : i32
      %scan3A_33 = arith.constant 1 : i32
      scf.for %scan3A_35 = %scan3A_30 to %scan3A_32 step %scan3A_33  : i32 {
        %mul3A_36 = arith.constant 16 : i32
        %mul3A_37 = arith.muli %scan3A_35, %mul3A_36 : i32
        %add3A_38 = arith.constant 0 : i32
        %add3A_39 = arith.addi %add3A_38, %mul3A_37 : i32
        %broadcast_in_dim3A = arith.constant 0.000000e+00 : f32
        %broadcast_in_dim3A_40 = vector.broadcast %broadcast_in_dim3A : f32 to vector<16xf32>
        %swap3A = arith.index_cast %add3A_29 : i32 to index
        %swap3A_41 = arith.index_cast %add3A_39 : i32 to index
        %swap3A_42 = tpu.vector_load %arg8[%swap3A, %swap3A_41] {strides = array<i32>} : memref<64x64xf32, #tpu.memory_space<vmem>>, vector<1x16xf32>,
        %swap3A_43 = vector.shape_cast %swap3A_42 : vector<1x16xf32> to vector<16xf32>
        %swap3A_44 = vector.shape_cast %broadcast_in_dim3A_40 : vector<16xf32> to vector<1x16xf32>
        tpu.vector_store %arg8[%swap3A, %swap3A_41], %swap3A_44 {strides = array<i32>} : memref<64x64xf32, #tpu.memory_space<vmem>>, vector<1x16xf32>,
      }
      %scan3A_34 = arith.constant 4 : i32
    }
    %scan3A_3 = arith.constant 64 : i32
    %scan3A_4 = arith.constant 0 : i32
    %scan3A_5 = arith.constant 10 : i32
    %scan3A_6 = arith.addi %scan3A_4, %scan3A_5 : i32
    %scan3A_7 = arith.constant 1 : i32
    scf.for %scan3A_26 = %scan3A_4 to %scan3A_6 step %scan3A_7  : i32 {
      %mul3A_27 = arith.constant 64 : i32
      %mul3A_28 = arith.muli %scan3A_26, %mul3A_27 : i32
      %add3A = arith.constant 0 : i32
      %add3A_29 = arith.addi %add3A, %mul3A_28 : i32
      %mul3A_30 = arith.constant 640 : i32
      %mul3A_31 = arith.muli %arg1, %mul3A_30 : i32
      %add3A_32 = arith.addi %mul3A_31, %add3A_29 : i32
      "tpu.region"() ({
        %run_scoped3A = tpu.sem_alloc : memref<!tpu.dma_semaphore, #tpu.memory_space<semaphore_mem>>
        %dma_start3A = arith.constant 0 : i32
        %dma_start3A_33 = tpu.memref_slice %arg10[%add3A_32, %dma_start3A] : memref<10240x64xf32, #tpu.memory_space<vmem_shared>> -> memref<64x64xf32, #tpu.memory_space<vmem_shared>>
        %dma_start3A_34 = arith.constant 0 : i32
        %dma_start3A_35 = tpu.memref_slice %arg10[%add3A_32, %dma_start3A_34] : memref<10240x64xf32, #tpu.memory_space<vmem_shared>> -> memref<64x64xf32, #tpu.memory_space<vmem_shared>>
        tpu.enqueue_dma source(%arg8 : memref<64x64xf32, #tpu.memory_space<vmem>>) target(%dma_start3A_35 : memref<64x64xf32, #tpu.memory_space<vmem_shared>>) target_semaphore(%run_scoped3A : memref<!tpu.dma_semaphore, #tpu.memory_space<semaphore_mem>>)
        %dma_wait3A = arith.constant 0 : i32
        %dma_wait3A_36 = tpu.memref_slice %arg10[%add3A_32, %dma_wait3A] : memref<10240x64xf32, #tpu.memory_space<vmem_shared>> -> memref<64x64xf32, #tpu.memory_space<vmem_shared>>
        %dma_wait3A_37 = arith.constant 0 : i32
        %dma_wait3A_38 = tpu.memref_slice %arg10[%add3A_32, %dma_wait3A_37] : memref<10240x64xf32, #tpu.memory_space<vmem_shared>> -> memref<64x64xf32, #tpu.memory_space<vmem_shared>>
        tpu.wait_dma2 semaphore(%run_scoped3A : memref<!tpu.dma_semaphore, #tpu.memory_space<semaphore_mem>>) src(%arg8 : memref<64x64xf32, #tpu.memory_space<vmem>>) dst(%dma_wait3A_38 : memref<64x64xf32, #tpu.memory_space<vmem_shared>>)
        tpu.yield
      }) : () -> ()
    }
    %scan3A_8 = arith.constant 10 : i32
    "tpu.region"() ({
      %run_scoped3A = tpu.sem_alloc : memref<!tpu.dma_semaphore, #tpu.memory_space<semaphore_mem>>
      %dma_start3A = arith.constant 0 : i32
      %dma_start3A_26 = arith.constant 0 : i32
      %dma_start3A_27 = tpu.memref_slice %arg3[%arg1, %dma_start3A, %dma_start3A_26] : memref<16x316x64xi32, #tpu.memory_space<hbm>> -> memref<1x316x64xi32, #tpu.memory_space<hbm>>
      %dma_start3A_28 = tpu.memref_squeeze %dma_start3A_27 : memref<1x316x64xi32, #tpu.memory_space<hbm>> -> memref<316x64xi32, #tpu.memory_space<hbm>>
      %dma_start3A_29 = arith.constant 0 : i32
      %dma_start3A_30 = arith.constant 0 : i32
      %dma_start3A_31 = tpu.memref_slice %arg3[%arg1, %dma_start3A_29, %dma_start3A_30] : memref<16x316x64xi32, #tpu.memory_space<hbm>> -> memref<1x316x64xi32, #tpu.memory_space<hbm>>
      %dma_start3A_32 = tpu.memref_squeeze %dma_start3A_31 : memref<1x316x64xi32, #tpu.memory_space<hbm>> -> memref<316x64xi32, #tpu.memory_space<hbm>>
      tpu.enqueue_dma source(%dma_start3A_32 : memref<316x64xi32, #tpu.memory_space<hbm>>) target(%arg6 : memref<316x64xi32, #tpu.memory_space<vmem>>) target_semaphore(%run_scoped3A : memref<!tpu.dma_semaphore, #tpu.memory_space<semaphore_mem>>)
      %dma_wait3A = arith.constant 0 : i32
      %dma_wait3A_33 = arith.constant 0 : i32
      %dma_wait3A_34 = tpu.memref_slice %arg3[%arg1, %dma_wait3A, %dma_wait3A_33] : memref<16x316x64xi32, #tpu.memory_space<hbm>> -> memref<1x316x64xi32, #tpu.memory_space<hbm>>
      %dma_wait3A_35 = tpu.memref_squeeze %dma_wait3A_34 : memref<1x316x64xi32, #tpu.memory_space<hbm>> -> memref<316x64xi32, #tpu.memory_space<hbm>>
      %dma_wait3A_36 = arith.constant 0 : i32
      %dma_wait3A_37 = arith.constant 0 : i32
      %dma_wait3A_38 = tpu.memref_slice %arg3[%arg1, %dma_wait3A_36, %dma_wait3A_37] : memref<16x316x64xi32, #tpu.memory_space<hbm>> -> memref<1x316x64xi32, #tpu.memory_space<hbm>>
      %dma_wait3A_39 = tpu.memref_squeeze %dma_wait3A_38 : memref<1x316x64xi32, #tpu.memory_space<hbm>> -> memref<316x64xi32, #tpu.memory_space<hbm>>
      tpu.wait_dma2 semaphore(%run_scoped3A : memref<!tpu.dma_semaphore, #tpu.memory_space<semaphore_mem>>) src(%dma_wait3A_39 : memref<316x64xi32, #tpu.memory_space<hbm>>) dst(%arg6 : memref<316x64xi32, #tpu.memory_space<vmem>>)
      tpu.yield
    }) : () -> ()
    "tpu.region"() ({
      %run_scoped3A = tpu.sem_alloc : memref<!tpu.dma_semaphore, #tpu.memory_space<semaphore_mem>>
      %dma_start3A = arith.constant 0 : i32
      %dma_start3A_26 = arith.constant 0 : i32
      %dma_start3A_27 = tpu.memref_slice %arg4[%arg1, %dma_start3A, %dma_start3A_26] : memref<16x316x64xi32, #tpu.memory_space<hbm>> -> memref<1x316x64xi32, #tpu.memory_space<hbm>>
      %dma_start3A_28 = tpu.memref_squeeze %dma_start3A_27 : memref<1x316x64xi32, #tpu.memory_space<hbm>> -> memref<316x64xi32, #tpu.memory_space<hbm>>
      %dma_start3A_29 = arith.constant 0 : i32
      %dma_start3A_30 = arith.constant 0 : i32
      %dma_start3A_31 = tpu.memref_slice %arg4[%arg1, %dma_start3A_29, %dma_start3A_30] : memref<16x316x64xi32, #tpu.memory_space<hbm>> -> memref<1x316x64xi32, #tpu.memory_space<hbm>>
      %dma_start3A_32 = tpu.memref_squeeze %dma_start3A_31 : memref<1x316x64xi32, #tpu.memory_space<hbm>> -> memref<316x64xi32, #tpu.memory_space<hbm>>
      tpu.enqueue_dma source(%dma_start3A_32 : memref<316x64xi32, #tpu.memory_space<hbm>>) target(%arg7 : memref<316x64xi32, #tpu.memory_space<vmem>>) target_semaphore(%run_scoped3A : memref<!tpu.dma_semaphore, #tpu.memory_space<semaphore_mem>>)
      %dma_wait3A = arith.constant 0 : i32
      %dma_wait3A_33 = arith.constant 0 : i32
      %dma_wait3A_34 = tpu.memref_slice %arg4[%arg1, %dma_wait3A, %dma_wait3A_33] : memref<16x316x64xi32, #tpu.memory_space<hbm>> -> memref<1x316x64xi32, #tpu.memory_space<hbm>>
      %dma_wait3A_35 = tpu.memref_squeeze %dma_wait3A_34 : memref<1x316x64xi32, #tpu.memory_space<hbm>> -> memref<316x64xi32, #tpu.memory_space<hbm>>
      %dma_wait3A_36 = arith.constant 0 : i32
      %dma_wait3A_37 = arith.constant 0 : i32
      %dma_wait3A_38 = tpu.memref_slice %arg4[%arg1, %dma_wait3A_36, %dma_wait3A_37] : memref<16x316x64xi32, #tpu.memory_space<hbm>> -> memref<1x316x64xi32, #tpu.memory_space<hbm>>
      %dma_wait3A_39 = tpu.memref_squeeze %dma_wait3A_38 : memref<1x316x64xi32, #tpu.memory_space<hbm>> -> memref<316x64xi32, #tpu.memory_space<hbm>>
      tpu.wait_dma2 semaphore(%run_scoped3A : memref<!tpu.dma_semaphore, #tpu.memory_space<semaphore_mem>>) src(%dma_wait3A_39 : memref<316x64xi32, #tpu.memory_space<hbm>>) dst(%arg7 : memref<316x64xi32, #tpu.memory_space<vmem>>)
      tpu.yield
    }) : () -> ()
    %mul3A = arith.constant 10240 : i32
    %mul3A_9 = arith.muli %arg0, %mul3A : i32
    %scan3A_10 = arith.constant 0 : i32
    %scan3A_11 = arith.constant 316 : i32
    %scan3A_12 = arith.addi %scan3A_10, %scan3A_11 : i32
    %scan3A_13 = arith.constant 1 : i32
    scf.for %scan3A_26 = %scan3A_10 to %scan3A_12 step %scan3A_13  : i32 {
      %mul3A_27 = arith.constant 1 : i32
      %mul3A_28 = arith.muli %scan3A_26, %mul3A_27 : i32
      %add3A = arith.constant 0 : i32
      %add3A_29 = arith.addi %add3A, %mul3A_28 : i32
      %scan3A_30 = arith.constant 0 : i32
      %scan3A_31 = arith.constant 4 : i32
      %scan3A_32 = arith.addi %scan3A_30, %scan3A_31 : i32
      %scan3A_33 = arith.constant 1 : i32
      scf.for %scan3A_35 = %scan3A_30 to %scan3A_32 step %scan3A_33  : i32 {
        %mul3A_36 = arith.constant 16 : i32
        %mul3A_37 = arith.muli %scan3A_35, %mul3A_36 : i32
        %add3A_38 = arith.constant 0 : i32
        %add3A_39 = arith.addi %add3A_38, %mul3A_37 : i32
        %get3A = arith.index_cast %add3A_29 : i32 to index
        %get3A_40 = arith.index_cast %add3A_39 : i32 to index
        %get3A_41 = tpu.vector_load %arg6[%get3A, %get3A_40] {strides = array<i32>} : memref<316x64xi32, #tpu.memory_space<vmem>>, vector<1x16xi32>,
        %get3A_42 = vector.shape_cast %get3A_41 : vector<1x16xi32> to vector<16xi32>
        %add3A_43 = vector.broadcast %mul3A_9 : i32 to vector<16xi32>
        %add3A_44 = arith.addi %get3A_42, %add3A_43 : vector<16xi32>
        %swap3A = arith.index_cast %add3A_29 : i32 to index
        %swap3A_45 = arith.index_cast %add3A_39 : i32 to index
        %swap3A_46 = tpu.vector_load %arg6[%swap3A, %swap3A_45] {strides = array<i32>} : memref<316x64xi32, #tpu.memory_space<vmem>>, vector<1x16xi32>,
        %swap3A_47 = vector.shape_cast %swap3A_46 : vector<1x16xi32> to vector<16xi32>
        %swap3A_48 = vector.shape_cast %add3A_44 : vector<16xi32> to vector<1x16xi32>
        tpu.vector_store %arg6[%swap3A, %swap3A_45], %swap3A_48 {strides = array<i32>} : memref<316x64xi32, #tpu.memory_space<vmem>>, vector<1x16xi32>,
      }
      %scan3A_34 = arith.constant 4 : i32
    }
    %scan3A_14 = arith.constant 316 : i32
    %barrier3A = arith.constant 0 : index
    tpu.barrier barrier_id(%barrier3A)
    %scan3A_15 = arith.constant 0 : i32
    %scan3A_16 = arith.constant 158 : i32
    %scan3A_17 = arith.addi %scan3A_15, %scan3A_16 : i32
    %scan3A_18 = arith.constant 1 : i32
    scf.for %scan3A_26 = %scan3A_15 to %scan3A_17 step %scan3A_18  : i32 {
      %mul3A_27 = arith.constant 2 : i32
      %mul3A_28 = arith.muli %scan3A_26, %mul3A_27 : i32
      %add3A = arith.constant 0 : i32
      %add3A_29 = arith.addi %add3A, %mul3A_28 : i32
      %dma_start3A = arith.constant 0 : i32
      %dma_start3A_30 = tpu.memref_slice %arg6[%add3A_29, %dma_start3A] : memref<316x64xi32, #tpu.memory_space<vmem>> -> memref<1x64xi32, #tpu.memory_space<vmem>>
      %dma_start3A_31 = tpu.memref_squeeze %dma_start3A_30 : memref<1x64xi32, #tpu.memory_space<vmem>> -> memref<64xi32, #tpu.memory_space<vmem>>
      %dma_start3A_32 = arith.constant 0 : i32
      %dma_start3A_33 = arith.constant 0 : i32
      %dma_start3A_34 = tpu.memref_slice %arg2[%dma_start3A_32, %dma_start3A_33] : memref<20480x64xf32, #tpu.memory_space<hbm>> -> memref<20480x64xf32, #tpu.memory_space<hbm>>
      tpu.enqueue_indirect_dma source(%dma_start3A_34 : memref<20480x64xf32, #tpu.memory_space<hbm>>) target(%arg8 : memref<64x64xf32, #tpu.memory_space<vmem>>) offsets(%dma_start3A_31 : memref<64xi32, #tpu.memory_space<vmem>>) semaphore(%arg11 : memref<!tpu.dma_semaphore, #tpu.memory_space<semaphore_mem>>)
      %add3A_35 = arith.constant 1 : i32
      %add3A_36 = arith.addi %add3A_29, %add3A_35 : i32
      %dma_start3A_37 = arith.constant 0 : i32
      %dma_start3A_38 = tpu.memref_slice %arg6[%add3A_36, %dma_start3A_37] : memref<316x64xi32, #tpu.memory_space<vmem>> -> memref<1x64xi32, #tpu.memory_space<vmem>>
      %dma_start3A_39 = tpu.memref_squeeze %dma_start3A_38 : memref<1x64xi32, #tpu.memory_space<vmem>> -> memref<64xi32, #tpu.memory_space<vmem>>
      %dma_start3A_40 = arith.constant 0 : i32
      %dma_start3A_41 = arith.constant 0 : i32
      %dma_start3A_42 = tpu.memref_slice %arg2[%dma_start3A_40, %dma_start3A_41] : memref<20480x64xf32, #tpu.memory_space<hbm>> -> memref<20480x64xf32, #tpu.memory_space<hbm>>
      tpu.enqueue_indirect_dma source(%dma_start3A_42 : memref<20480x64xf32, #tpu.memory_space<hbm>>) target(%arg9 : memref<64x64xf32, #tpu.memory_space<vmem>>) offsets(%dma_start3A_39 : memref<64xi32, #tpu.memory_space<vmem>>) semaphore(%arg12 : memref<!tpu.dma_semaphore, #tpu.memory_space<semaphore_mem>>)
      %dma_wait3A = arith.constant 0 : i32
      %dma_wait3A_43 = tpu.memref_slice %arg6[%add3A_29, %dma_wait3A] : memref<316x64xi32, #tpu.memory_space<vmem>> -> memref<1x64xi32, #tpu.memory_space<vmem>>
      %dma_wait3A_44 = tpu.memref_squeeze %dma_wait3A_43 : memref<1x64xi32, #tpu.memory_space<vmem>> -> memref<64xi32, #tpu.memory_space<vmem>>
      %dma_wait3A_45 = arith.constant 0 : i32
      %dma_wait3A_46 = arith.constant 0 : i32
      %dma_wait3A_47 = tpu.memref_slice %arg2[%dma_wait3A_45, %dma_wait3A_46] : memref<20480x64xf32, #tpu.memory_space<hbm>> -> memref<20480x64xf32, #tpu.memory_space<hbm>>
      tpu.wait_indirect_dma semaphore(%arg11 : memref<!tpu.dma_semaphore, #tpu.memory_space<semaphore_mem>>) src(%dma_wait3A_47 : memref<20480x64xf32, #tpu.memory_space<hbm>>) dst(%arg8 : memref<64x64xf32, #tpu.memory_space<vmem>>)
      "tpu.region"() ({
        %run_scoped3A = tpu.sem_alloc : memref<!tpu.dma_semaphore, #tpu.memory_space<semaphore_mem>>
        %dma_start3A_56 = arith.constant 0 : i32
        %dma_start3A_57 = tpu.memref_slice %arg7[%add3A_29, %dma_start3A_56] : memref<316x64xi32, #tpu.memory_space<vmem>> -> memref<1x64xi32, #tpu.memory_space<vmem>>
        %dma_start3A_58 = tpu.memref_squeeze %dma_start3A_57 : memref<1x64xi32, #tpu.memory_space<vmem>> -> memref<64xi32, #tpu.memory_space<vmem>>
        %dma_start3A_59 = arith.constant 0 : i32
        %dma_start3A_60 = arith.constant 0 : i32
        %dma_start3A_61 = tpu.memref_slice %arg10[%dma_start3A_59, %dma_start3A_60] : memref<10240x64xf32, #tpu.memory_space<vmem_shared>> -> memref<10240x64xf32, #tpu.memory_space<vmem_shared>>
        tpu.enqueue_indirect_dma source(%arg8 : memref<64x64xf32, #tpu.memory_space<vmem>>) target(%dma_start3A_61 : memref<10240x64xf32, #tpu.memory_space<vmem_shared>>) offsets(%dma_start3A_58 : memref<64xi32, #tpu.memory_space<vmem>>) semaphore(%run_scoped3A : memref<!tpu.dma_semaphore, #tpu.memory_space<semaphore_mem>>) {add = true}
        %dma_wait3A_62 = arith.constant 0 : i32
        %dma_wait3A_63 = tpu.memref_slice %arg7[%add3A_29, %dma_wait3A_62] : memref<316x64xi32, #tpu.memory_space<vmem>> -> memref<1x64xi32, #tpu.memory_space<vmem>>
        %dma_wait3A_64 = tpu.memref_squeeze %dma_wait3A_63 : memref<1x64xi32, #tpu.memory_space<vmem>> -> memref<64xi32, #tpu.memory_space<vmem>>
        %dma_wait3A_65 = arith.constant 0 : i32
        %dma_wait3A_66 = arith.constant 0 : i32
        %dma_wait3A_67 = tpu.memref_slice %arg10[%dma_wait3A_65, %dma_wait3A_66] : memref<10240x64xf32, #tpu.memory_space<vmem_shared>> -> memref<10240x64xf32, #tpu.memory_space<vmem_shared>>
        tpu.wait_indirect_dma semaphore(%run_scoped3A : memref<!tpu.dma_semaphore, #tpu.memory_space<semaphore_mem>>) src(%arg8 : memref<64x64xf32, #tpu.memory_space<vmem>>) dst(%dma_wait3A_67 : memref<10240x64xf32, #tpu.memory_space<vmem_shared>>)
        tpu.yield
      }) : () -> ()
      %dma_wait3A_48 = arith.constant 0 : i32
      %dma_wait3A_49 = tpu.memref_slice %arg6[%add3A_36, %dma_wait3A_48] : memref<316x64xi32, #tpu.memory_space<vmem>> -> memref<1x64xi32, #tpu.memory_space<vmem>>
      %dma_wait3A_50 = tpu.memref_squeeze %dma_wait3A_49 : memref<1x64xi32, #tpu.memory_space<vmem>> -> memref<64xi32, #tpu.memory_space<vmem>>
      %dma_wait3A_51 = arith.constant 0 : i32
      %dma_wait3A_52 = arith.constant 0 : i32
      %dma_wait3A_53 = tpu.memref_slice %arg2[%dma_wait3A_51, %dma_wait3A_52] : memref<20480x64xf32, #tpu.memory_space<hbm>> -> memref<20480x64xf32, #tpu.memory_space<hbm>>
      tpu.wait_indirect_dma semaphore(%arg12 : memref<!tpu.dma_semaphore, #tpu.memory_space<semaphore_mem>>) src(%dma_wait3A_53 : memref<20480x64xf32, #tpu.memory_space<hbm>>) dst(%arg9 : memref<64x64xf32, #tpu.memory_space<vmem>>)
      %add3A_54 = arith.constant 1 : i32
      %add3A_55 = arith.addi %add3A_29, %add3A_54 : i32
      "tpu.region"() ({
        %run_scoped3A = tpu.sem_alloc : memref<!tpu.dma_semaphore, #tpu.memory_space<semaphore_mem>>
        %dma_start3A_56 = arith.constant 0 : i32
        %dma_start3A_57 = tpu.memref_slice %arg7[%add3A_55, %dma_start3A_56] : memref<316x64xi32, #tpu.memory_space<vmem>> -> memref<1x64xi32, #tpu.memory_space<vmem>>
        %dma_start3A_58 = tpu.memref_squeeze %dma_start3A_57 : memref<1x64xi32, #tpu.memory_space<vmem>> -> memref<64xi32, #tpu.memory_space<vmem>>
        %dma_start3A_59 = arith.constant 0 : i32
        %dma_start3A_60 = arith.constant 0 : i32
        %dma_start3A_61 = tpu.memref_slice %arg10[%dma_start3A_59, %dma_start3A_60] : memref<10240x64xf32, #tpu.memory_space<vmem_shared>> -> memref<10240x64xf32, #tpu.memory_space<vmem_shared>>
        tpu.enqueue_indirect_dma source(%arg9 : memref<64x64xf32, #tpu.memory_space<vmem>>) target(%dma_start3A_61 : memref<10240x64xf32, #tpu.memory_space<vmem_shared>>) offsets(%dma_start3A_58 : memref<64xi32, #tpu.memory_space<vmem>>) semaphore(%run_scoped3A : memref<!tpu.dma_semaphore, #tpu.memory_space<semaphore_mem>>) {add = true}
        %dma_wait3A_62 = arith.constant 0 : i32
        %dma_wait3A_63 = tpu.memref_slice %arg7[%add3A_55, %dma_wait3A_62] : memref<316x64xi32, #tpu.memory_space<vmem>> -> memref<1x64xi32, #tpu.memory_space<vmem>>
        %dma_wait3A_64 = tpu.memref_squeeze %dma_wait3A_63 : memref<1x64xi32, #tpu.memory_space<vmem>> -> memref<64xi32, #tpu.memory_space<vmem>>
        %dma_wait3A_65 = arith.constant 0 : i32
        %dma_wait3A_66 = arith.constant 0 : i32
        %dma_wait3A_67 = tpu.memref_slice %arg10[%dma_wait3A_65, %dma_wait3A_66] : memref<10240x64xf32, #tpu.memory_space<vmem_shared>> -> memref<10240x64xf32, #tpu.memory_space<vmem_shared>>
        tpu.wait_indirect_dma semaphore(%run_scoped3A : memref<!tpu.dma_semaphore, #tpu.memory_space<semaphore_mem>>) src(%arg9 : memref<64x64xf32, #tpu.memory_space<vmem>>) dst(%dma_wait3A_67 : memref<10240x64xf32, #tpu.memory_space<vmem_shared>>)
        tpu.yield
      }) : () -> ()
    }
    %scan3A_19 = arith.constant 158 : i32
    %barrier3A_20 = arith.constant 0 : index
    tpu.barrier barrier_id(%barrier3A_20)
    %scan3A_21 = arith.constant 0 : i32
    %scan3A_22 = arith.constant 10 : i32
    %scan3A_23 = arith.addi %scan3A_21, %scan3A_22 : i32
    %scan3A_24 = arith.constant 1 : i32
    scf.for %scan3A_26 = %scan3A_21 to %scan3A_23 step %scan3A_24  : i32 {
      %mul3A_27 = arith.constant 64 : i32
      %mul3A_28 = arith.muli %scan3A_26, %mul3A_27 : i32
      %add3A = arith.constant 0 : i32
      %add3A_29 = arith.addi %add3A, %mul3A_28 : i32
      %mul3A_30 = arith.constant 640 : i32
      %mul3A_31 = arith.muli %arg1, %mul3A_30 : i32
      %add3A_32 = arith.addi %mul3A_31, %add3A_29 : i32
      "tpu.region"() ({
        %run_scoped3A = tpu.sem_alloc : memref<!tpu.dma_semaphore, #tpu.memory_space<semaphore_mem>>
        %dma_start3A = arith.constant 0 : i32
        %dma_start3A_33 = tpu.memref_slice %arg10[%add3A_32, %dma_start3A] : memref<10240x64xf32, #tpu.memory_space<vmem_shared>> -> memref<64x64xf32, #tpu.memory_space<vmem_shared>>
        %dma_start3A_34 = arith.constant 0 : i32
        %dma_start3A_35 = tpu.memref_slice %arg10[%add3A_32, %dma_start3A_34] : memref<10240x64xf32, #tpu.memory_space<vmem_shared>> -> memref<64x64xf32, #tpu.memory_space<vmem_shared>>
        tpu.enqueue_dma source(%dma_start3A_35 : memref<64x64xf32, #tpu.memory_space<vmem_shared>>) target(%arg8 : memref<64x64xf32, #tpu.memory_space<vmem>>) target_semaphore(%run_scoped3A : memref<!tpu.dma_semaphore, #tpu.memory_space<semaphore_mem>>)
        %dma_wait3A = arith.constant 0 : i32
        %dma_wait3A_36 = tpu.memref_slice %arg10[%add3A_32, %dma_wait3A] : memref<10240x64xf32, #tpu.memory_space<vmem_shared>> -> memref<64x64xf32, #tpu.memory_space<vmem_shared>>
        %dma_wait3A_37 = arith.constant 0 : i32
        %dma_wait3A_38 = tpu.memref_slice %arg10[%add3A_32, %dma_wait3A_37] : memref<10240x64xf32, #tpu.memory_space<vmem_shared>> -> memref<64x64xf32, #tpu.memory_space<vmem_shared>>
        tpu.wait_dma2 semaphore(%run_scoped3A : memref<!tpu.dma_semaphore, #tpu.memory_space<semaphore_mem>>) src(%dma_wait3A_38 : memref<64x64xf32, #tpu.memory_space<vmem_shared>>) dst(%arg8 : memref<64x64xf32, #tpu.memory_space<vmem>>)
        tpu.yield
      }) : () -> ()
      "tpu.region"() ({
        %run_scoped3A = tpu.sem_alloc : memref<!tpu.dma_semaphore, #tpu.memory_space<semaphore_mem>>
        %dma_start3A = arith.constant 0 : i32
        %dma_start3A_33 = tpu.memref_slice %arg5[%arg0, %add3A_32, %dma_start3A] : memref<2x10240x64xf32, #tpu.memory_space<hbm>> -> memref<1x64x64xf32, #tpu.memory_space<hbm>>
        %dma_start3A_34 = tpu.memref_squeeze %dma_start3A_33 : memref<1x64x64xf32, #tpu.memory_space<hbm>> -> memref<64x64xf32, #tpu.memory_space<hbm>>
        %dma_start3A_35 = arith.constant 0 : i32
        %dma_start3A_36 = tpu.memref_slice %arg5[%arg0, %add3A_32, %dma_start3A_35] : memref<2x10240x64xf32, #tpu.memory_space<hbm>> -> memref<1x64x64xf32, #tpu.memory_space<hbm>>
        %dma_start3A_37 = tpu.memref_squeeze %dma_start3A_36 : memref<1x64x64xf32, #tpu.memory_space<hbm>> -> memref<64x64xf32, #tpu.memory_space<hbm>>
        tpu.enqueue_dma source(%arg8 : memref<64x64xf32, #tpu.memory_space<vmem>>) target(%dma_start3A_37 : memref<64x64xf32, #tpu.memory_space<hbm>>) target_semaphore(%run_scoped3A : memref<!tpu.dma_semaphore, #tpu.memory_space<semaphore_mem>>)
        %dma_wait3A = arith.constant 0 : i32
        %dma_wait3A_38 = tpu.memref_slice %arg5[%arg0, %add3A_32, %dma_wait3A] : memref<2x10240x64xf32, #tpu.memory_space<hbm>> -> memref<1x64x64xf32, #tpu.memory_space<hbm>>
        %dma_wait3A_39 = tpu.memref_squeeze %dma_wait3A_38 : memref<1x64x64xf32, #tpu.memory_space<hbm>> -> memref<64x64xf32, #tpu.memory_space<hbm>>
        %dma_wait3A_40 = arith.constant 0 : i32
        %dma_wait3A_41 = tpu.memref_slice %arg5[%arg0, %add3A_32, %dma_wait3A_40] : memref<2x10240x64xf32, #tpu.memory_space<hbm>> -> memref<1x64x64xf32, #tpu.memory_space<hbm>>
        %dma_wait3A_42 = tpu.memref_squeeze %dma_wait3A_41 : memref<1x64x64xf32, #tpu.memory_space<hbm>> -> memref<64x64xf32, #tpu.memory_space<hbm>>
        tpu.wait_dma2 semaphore(%run_scoped3A : memref<!tpu.dma_semaphore, #tpu.memory_space<semaphore_mem>>) src(%arg8 : memref<64x64xf32, #tpu.memory_space<vmem>>) dst(%dma_wait3A_42 : memref<64x64xf32, #tpu.memory_space<hbm>>)
        tpu.yield
      }) : () -> ()
    }
    %scan3A_25 = arith.constant 10 : i32
    return
  }
}

#map = affine_map<(d0, d1) -> (0, 0, 0)>
#map1 = affine_map<(d0, d1) -> (0, 0)>
module attributes {stable_mosaic.version = 14 : i64} {
  func.func @_sc_degree(%arg0: i32, %arg1: i32, %arg2: memref<16x316x64xi32, #tpu.memory_space<hbm>>, %arg3: memref<2x10240xf32, #tpu.memory_space<hbm>>, %arg4: memref<316x64xi32, #tpu.memory_space<vmem>>, %arg5: memref<64xf32, #tpu.memory_space<vmem>>, %arg6: memref<640xf32, #tpu.memory_space<vmem>>, %arg7: memref<10240xf32, #tpu.memory_space<vmem_shared>>) attributes {dimension_semantics = [#tpu.dimension_semantics<core_parallel>, #tpu.dimension_semantics<subcore_parallel>], iteration_bounds = array<i64: 2, 16>, scalar_prefetch = 0 : i64, scratch_operands = 4 : i64, tpu.core_type = #tpu.core_type<sc_vector_subcore>, window_params = [{transform_indices = #map}, {transform_indices = #map1}]} {
    %scan3A = arith.constant 0 : i32
    %scan3A_0 = arith.constant 40 : i32
    %scan3A_1 = arith.addi %scan3A, %scan3A_0 : i32
    %scan3A_2 = arith.constant 1 : i32
    scf.for %scan3A_20 = %scan3A to %scan3A_1 step %scan3A_2  : i32 {
      %mul3A_21 = arith.constant 16 : i32
      %mul3A_22 = arith.muli %scan3A_20, %mul3A_21 : i32
      %add3A = arith.constant 0 : i32
      %add3A_23 = arith.addi %add3A, %mul3A_22 : i32
      %broadcast_in_dim3A = arith.constant 0.000000e+00 : f32
      %broadcast_in_dim3A_24 = vector.broadcast %broadcast_in_dim3A : f32 to vector<16xf32>
      %swap3A = arith.index_cast %add3A_23 : i32 to index
      %swap3A_25 = tpu.vector_load %arg6[%swap3A] {strides = array<i32>} : memref<640xf32, #tpu.memory_space<vmem>>, vector<16xf32>,
      %swap3A_26 = vector.shape_cast %swap3A_25 : vector<16xf32> to vector<16xf32>
      %swap3A_27 = vector.shape_cast %broadcast_in_dim3A_24 : vector<16xf32> to vector<16xf32>
      tpu.vector_store %arg6[%swap3A], %swap3A_27 {strides = array<i32>} : memref<640xf32, #tpu.memory_space<vmem>>, vector<16xf32>,
    }
    %scan3A_3 = arith.constant 40 : i32
    %scan3A_4 = arith.constant 0 : i32
    %scan3A_5 = arith.constant 4 : i32
    %scan3A_6 = arith.addi %scan3A_4, %scan3A_5 : i32
    %scan3A_7 = arith.constant 1 : i32
    scf.for %scan3A_20 = %scan3A_4 to %scan3A_6 step %scan3A_7  : i32 {
      %mul3A_21 = arith.constant 16 : i32
      %mul3A_22 = arith.muli %scan3A_20, %mul3A_21 : i32
      %add3A = arith.constant 0 : i32
      %add3A_23 = arith.addi %add3A, %mul3A_22 : i32
      %broadcast_in_dim3A = arith.constant 1.000000e+00 : f32
      %broadcast_in_dim3A_24 = vector.broadcast %broadcast_in_dim3A : f32 to vector<16xf32>
      %swap3A = arith.index_cast %add3A_23 : i32 to index
      %swap3A_25 = tpu.vector_load %arg5[%swap3A] {strides = array<i32>} : memref<64xf32, #tpu.memory_space<vmem>>, vector<16xf32>,
      %swap3A_26 = vector.shape_cast %swap3A_25 : vector<16xf32> to vector<16xf32>
      %swap3A_27 = vector.shape_cast %broadcast_in_dim3A_24 : vector<16xf32> to vector<16xf32>
      tpu.vector_store %arg5[%swap3A], %swap3A_27 {strides = array<i32>} : memref<64xf32, #tpu.memory_space<vmem>>, vector<16xf32>,
    }
    %scan3A_8 = arith.constant 4 : i32
    %mul3A = arith.constant 640 : i32
    %mul3A_9 = arith.muli %arg1, %mul3A : i32
    "tpu.region"() ({
      %run_scoped3A = tpu.sem_alloc : memref<!tpu.dma_semaphore, #tpu.memory_space<semaphore_mem>>
      %dma_start3A = tpu.memref_slice %arg7[%mul3A_9] : memref<10240xf32, #tpu.memory_space<vmem_shared>> -> memref<640xf32, #tpu.memory_space<vmem_shared>>
      %dma_start3A_20 = tpu.memref_slice %arg7[%mul3A_9] : memref<10240xf32, #tpu.memory_space<vmem_shared>> -> memref<640xf32, #tpu.memory_space<vmem_shared>>
      tpu.enqueue_dma source(%arg6 : memref<640xf32, #tpu.memory_space<vmem>>) target(%dma_start3A_20 : memref<640xf32, #tpu.memory_space<vmem_shared>>) target_semaphore(%run_scoped3A : memref<!tpu.dma_semaphore, #tpu.memory_space<semaphore_mem>>)
      %dma_wait3A = tpu.memref_slice %arg7[%mul3A_9] : memref<10240xf32, #tpu.memory_space<vmem_shared>> -> memref<640xf32, #tpu.memory_space<vmem_shared>>
      %dma_wait3A_21 = tpu.memref_slice %arg7[%mul3A_9] : memref<10240xf32, #tpu.memory_space<vmem_shared>> -> memref<640xf32, #tpu.memory_space<vmem_shared>>
      tpu.wait_dma2 semaphore(%run_scoped3A : memref<!tpu.dma_semaphore, #tpu.memory_space<semaphore_mem>>) src(%arg6 : memref<640xf32, #tpu.memory_space<vmem>>) dst(%dma_wait3A_21 : memref<640xf32, #tpu.memory_space<vmem_shared>>)
      tpu.yield
    }) : () -> ()
    "tpu.region"() ({
      %run_scoped3A = tpu.sem_alloc : memref<!tpu.dma_semaphore, #tpu.memory_space<semaphore_mem>>
      %dma_start3A = arith.constant 0 : i32
      %dma_start3A_20 = arith.constant 0 : i32
      %dma_start3A_21 = tpu.memref_slice %arg2[%arg1, %dma_start3A, %dma_start3A_20] : memref<16x316x64xi32, #tpu.memory_space<hbm>> -> memref<1x316x64xi32, #tpu.memory_space<hbm>>
      %dma_start3A_22 = tpu.memref_squeeze %dma_start3A_21 : memref<1x316x64xi32, #tpu.memory_space<hbm>> -> memref<316x64xi32, #tpu.memory_space<hbm>>
      %dma_start3A_23 = arith.constant 0 : i32
      %dma_start3A_24 = arith.constant 0 : i32
      %dma_start3A_25 = tpu.memref_slice %arg2[%arg1, %dma_start3A_23, %dma_start3A_24] : memref<16x316x64xi32, #tpu.memory_space<hbm>> -> memref<1x316x64xi32, #tpu.memory_space<hbm>>
      %dma_start3A_26 = tpu.memref_squeeze %dma_start3A_25 : memref<1x316x64xi32, #tpu.memory_space<hbm>> -> memref<316x64xi32, #tpu.memory_space<hbm>>
      tpu.enqueue_dma source(%dma_start3A_26 : memref<316x64xi32, #tpu.memory_space<hbm>>) target(%arg4 : memref<316x64xi32, #tpu.memory_space<vmem>>) target_semaphore(%run_scoped3A : memref<!tpu.dma_semaphore, #tpu.memory_space<semaphore_mem>>)
      %dma_wait3A = arith.constant 0 : i32
      %dma_wait3A_27 = arith.constant 0 : i32
      %dma_wait3A_28 = tpu.memref_slice %arg2[%arg1, %dma_wait3A, %dma_wait3A_27] : memref<16x316x64xi32, #tpu.memory_space<hbm>> -> memref<1x316x64xi32, #tpu.memory_space<hbm>>
      %dma_wait3A_29 = tpu.memref_squeeze %dma_wait3A_28 : memref<1x316x64xi32, #tpu.memory_space<hbm>> -> memref<316x64xi32, #tpu.memory_space<hbm>>
      %dma_wait3A_30 = arith.constant 0 : i32
      %dma_wait3A_31 = arith.constant 0 : i32
      %dma_wait3A_32 = tpu.memref_slice %arg2[%arg1, %dma_wait3A_30, %dma_wait3A_31] : memref<16x316x64xi32, #tpu.memory_space<hbm>> -> memref<1x316x64xi32, #tpu.memory_space<hbm>>
      %dma_wait3A_33 = tpu.memref_squeeze %dma_wait3A_32 : memref<1x316x64xi32, #tpu.memory_space<hbm>> -> memref<316x64xi32, #tpu.memory_space<hbm>>
      tpu.wait_dma2 semaphore(%run_scoped3A : memref<!tpu.dma_semaphore, #tpu.memory_space<semaphore_mem>>) src(%dma_wait3A_33 : memref<316x64xi32, #tpu.memory_space<hbm>>) dst(%arg4 : memref<316x64xi32, #tpu.memory_space<vmem>>)
      tpu.yield
    }) : () -> ()
    %barrier3A = arith.constant 0 : index
    tpu.barrier barrier_id(%barrier3A)
    %scan3A_10 = arith.constant 0 : i32
    %scan3A_11 = arith.constant 316 : i32
    %scan3A_12 = arith.addi %scan3A_10, %scan3A_11 : i32
    %scan3A_13 = arith.constant 1 : i32
    scf.for %scan3A_20 = %scan3A_10 to %scan3A_12 step %scan3A_13  : i32 {
      %mul3A_21 = arith.constant 1 : i32
      %mul3A_22 = arith.muli %scan3A_20, %mul3A_21 : i32
      %add3A = arith.constant 0 : i32
      %add3A_23 = arith.addi %add3A, %mul3A_22 : i32
      "tpu.region"() ({
        %run_scoped3A = tpu.sem_alloc : memref<!tpu.dma_semaphore, #tpu.memory_space<semaphore_mem>>
        %dma_start3A = arith.constant 0 : i32
        %dma_start3A_24 = tpu.memref_slice %arg4[%add3A_23, %dma_start3A] : memref<316x64xi32, #tpu.memory_space<vmem>> -> memref<1x64xi32, #tpu.memory_space<vmem>>
        %dma_start3A_25 = tpu.memref_squeeze %dma_start3A_24 : memref<1x64xi32, #tpu.memory_space<vmem>> -> memref<64xi32, #tpu.memory_space<vmem>>
        %dma_start3A_26 = arith.constant 0 : i32
        %dma_start3A_27 = tpu.memref_slice %arg7[%dma_start3A_26] : memref<10240xf32, #tpu.memory_space<vmem_shared>> -> memref<10240xf32, #tpu.memory_space<vmem_shared>>
        tpu.enqueue_indirect_dma source(%arg5 : memref<64xf32, #tpu.memory_space<vmem>>) target(%dma_start3A_27 : memref<10240xf32, #tpu.memory_space<vmem_shared>>) offsets(%dma_start3A_25 : memref<64xi32, #tpu.memory_space<vmem>>) semaphore(%run_scoped3A : memref<!tpu.dma_semaphore, #tpu.memory_space<semaphore_mem>>) {add = true}
        %dma_wait3A = arith.constant 0 : i32
        %dma_wait3A_28 = tpu.memref_slice %arg4[%add3A_23, %dma_wait3A] : memref<316x64xi32, #tpu.memory_space<vmem>> -> memref<1x64xi32, #tpu.memory_space<vmem>>
        %dma_wait3A_29 = tpu.memref_squeeze %dma_wait3A_28 : memref<1x64xi32, #tpu.memory_space<vmem>> -> memref<64xi32, #tpu.memory_space<vmem>>
        %dma_wait3A_30 = arith.constant 0 : i32
        %dma_wait3A_31 = tpu.memref_slice %arg7[%dma_wait3A_30] : memref<10240xf32, #tpu.memory_space<vmem_shared>> -> memref<10240xf32, #tpu.memory_space<vmem_shared>>
        tpu.wait_indirect_dma semaphore(%run_scoped3A : memref<!tpu.dma_semaphore, #tpu.memory_space<semaphore_mem>>) src(%arg5 : memref<64xf32, #tpu.memory_space<vmem>>) dst(%dma_wait3A_31 : memref<10240xf32, #tpu.memory_space<vmem_shared>>)
        tpu.yield
      }) : () -> ()
    }
    %scan3A_14 = arith.constant 316 : i32
    %barrier3A_15 = arith.constant 0 : index
    tpu.barrier barrier_id(%barrier3A_15)
    %mul3A_16 = arith.constant 640 : i32
    %mul3A_17 = arith.muli %arg1, %mul3A_16 : i32
    "tpu.region"() ({
      %run_scoped3A = tpu.sem_alloc : memref<!tpu.dma_semaphore, #tpu.memory_space<semaphore_mem>>
      %dma_start3A = tpu.memref_slice %arg7[%mul3A_17] : memref<10240xf32, #tpu.memory_space<vmem_shared>> -> memref<640xf32, #tpu.memory_space<vmem_shared>>
      %dma_start3A_20 = tpu.memref_slice %arg7[%mul3A_17] : memref<10240xf32, #tpu.memory_space<vmem_shared>> -> memref<640xf32, #tpu.memory_space<vmem_shared>>
      tpu.enqueue_dma source(%dma_start3A_20 : memref<640xf32, #tpu.memory_space<vmem_shared>>) target(%arg6 : memref<640xf32, #tpu.memory_space<vmem>>) target_semaphore(%run_scoped3A : memref<!tpu.dma_semaphore, #tpu.memory_space<semaphore_mem>>)
      %dma_wait3A = tpu.memref_slice %arg7[%mul3A_17] : memref<10240xf32, #tpu.memory_space<vmem_shared>> -> memref<640xf32, #tpu.memory_space<vmem_shared>>
      %dma_wait3A_21 = tpu.memref_slice %arg7[%mul3A_17] : memref<10240xf32, #tpu.memory_space<vmem_shared>> -> memref<640xf32, #tpu.memory_space<vmem_shared>>
      tpu.wait_dma2 semaphore(%run_scoped3A : memref<!tpu.dma_semaphore, #tpu.memory_space<semaphore_mem>>) src(%dma_wait3A_21 : memref<640xf32, #tpu.memory_space<vmem_shared>>) dst(%arg6 : memref<640xf32, #tpu.memory_space<vmem>>)
      tpu.yield
    }) : () -> ()
    %mul3A_18 = arith.constant 640 : i32
    %mul3A_19 = arith.muli %arg1, %mul3A_18 : i32
    "tpu.region"() ({
      %run_scoped3A = tpu.sem_alloc : memref<!tpu.dma_semaphore, #tpu.memory_space<semaphore_mem>>
      %dma_start3A = tpu.memref_slice %arg3[%arg0, %mul3A_19] : memref<2x10240xf32, #tpu.memory_space<hbm>> -> memref<1x640xf32, #tpu.memory_space<hbm>>
      %dma_start3A_20 = tpu.memref_squeeze %dma_start3A : memref<1x640xf32, #tpu.memory_space<hbm>> -> memref<640xf32, #tpu.memory_space<hbm>>
      %dma_start3A_21 = tpu.memref_slice %arg3[%arg0, %mul3A_19] : memref<2x10240xf32, #tpu.memory_space<hbm>> -> memref<1x640xf32, #tpu.memory_space<hbm>>
      %dma_start3A_22 = tpu.memref_squeeze %dma_start3A_21 : memref<1x640xf32, #tpu.memory_space<hbm>> -> memref<640xf32, #tpu.memory_space<hbm>>
      tpu.enqueue_dma source(%arg6 : memref<640xf32, #tpu.memory_space<vmem>>) target(%dma_start3A_22 : memref<640xf32, #tpu.memory_space<hbm>>) target_semaphore(%run_scoped3A : memref<!tpu.dma_semaphore, #tpu.memory_space<semaphore_mem>>)
      %dma_wait3A = tpu.memref_slice %arg3[%arg0, %mul3A_19] : memref<2x10240xf32, #tpu.memory_space<hbm>> -> memref<1x640xf32, #tpu.memory_space<hbm>>
      %dma_wait3A_23 = tpu.memref_squeeze %dma_wait3A : memref<1x640xf32, #tpu.memory_space<hbm>> -> memref<640xf32, #tpu.memory_space<hbm>>
      %dma_wait3A_24 = tpu.memref_slice %arg3[%arg0, %mul3A_19] : memref<2x10240xf32, #tpu.memory_space<hbm>> -> memref<1x640xf32, #tpu.memory_space<hbm>>
      %dma_wait3A_25 = tpu.memref_squeeze %dma_wait3A_24 : memref<1x640xf32, #tpu.memory_space<hbm>> -> memref<640xf32, #tpu.memory_space<hbm>>
      tpu.wait_dma2 semaphore(%run_scoped3A : memref<!tpu.dma_semaphore, #tpu.memory_space<semaphore_mem>>) src(%arg6 : memref<640xf32, #tpu.memory_space<vmem>>) dst(%dma_wait3A_25 : memref<640xf32, #tpu.memory_space<hbm>>)
      tpu.yield
    }) : () -> ()
    return
  }
}

#map = affine_map<(d0, d1) -> (0, 0)>
#map1 = affine_map<(d0, d1) -> (0, 0, 0)>
module attributes {stable_mosaic.version = 14 : i64} {
  func.func @_sc_scatter(%arg0: i32, %arg1: i32, %arg2: memref<20480x64xf32, #tpu.memory_space<hbm>>, %arg3: memref<16x316x64xi32, #tpu.memory_space<hbm>>, %arg4: memref<16x316x64xi32, #tpu.memory_space<hbm>>, %arg5: memref<2x10240x64xf32, #tpu.memory_space<hbm>>, %arg6: memref<316x64xi32, #tpu.memory_space<vmem>>, %arg7: memref<316x64xi32, #tpu.memory_space<vmem>>, %arg8: memref<64x64xf32, #tpu.memory_space<vmem>>, %arg9: memref<64x64xf32, #tpu.memory_space<vmem>>, %arg10: memref<10240x64xf32, #tpu.memory_space<vmem_shared>>, %arg11: memref<!tpu.dma_semaphore, #tpu.memory_space<semaphore_mem>>, %arg12: memref<!tpu.dma_semaphore, #tpu.memory_space<semaphore_mem>>) attributes {dimension_semantics = [#tpu.dimension_semantics<core_parallel>, #tpu.dimension_semantics<subcore_parallel>], iteration_bounds = array<i64: 2, 16>, scalar_prefetch = 0 : i64, scratch_operands = 7 : i64, tpu.core_type = #tpu.core_type<sc_vector_subcore>, window_params = [{transform_indices = #map}, {transform_indices = #map1}, {transform_indices = #map1}, {transform_indices = #map1}]} {
    %scan3A = arith.constant 0 : i32
    %scan3A_0 = arith.constant 64 : i32
    %scan3A_1 = arith.addi %scan3A, %scan3A_0 : i32
    %scan3A_2 = arith.constant 1 : i32
    scf.for %scan3A_26 = %scan3A to %scan3A_1 step %scan3A_2  : i32 {
      %mul3A_27 = arith.constant 1 : i32
      %mul3A_28 = arith.muli %scan3A_26, %mul3A_27 : i32
      %add3A = arith.constant 0 : i32
      %add3A_29 = arith.addi %add3A, %mul3A_28 : i32
      %scan3A_30 = arith.constant 0 : i32
      %scan3A_31 = arith.constant 4 : i32
      %scan3A_32 = arith.addi %scan3A_30, %scan3A_31 : i32
      %scan3A_33 = arith.constant 1 : i32
      scf.for %scan3A_35 = %scan3A_30 to %scan3A_32 step %scan3A_33  : i32 {
        %mul3A_36 = arith.constant 16 : i32
        %mul3A_37 = arith.muli %scan3A_35, %mul3A_36 : i32
        %add3A_38 = arith.constant 0 : i32
        %add3A_39 = arith.addi %add3A_38, %mul3A_37 : i32
        %broadcast_in_dim3A = arith.constant 0.000000e+00 : f32
        %broadcast_in_dim3A_40 = vector.broadcast %broadcast_in_dim3A : f32 to vector<16xf32>
        %swap3A = arith.index_cast %add3A_29 : i32 to index
        %swap3A_41 = arith.index_cast %add3A_39 : i32 to index
        %swap3A_42 = tpu.vector_load %arg8[%swap3A, %swap3A_41] {strides = array<i32>} : memref<64x64xf32, #tpu.memory_space<vmem>>, vector<1x16xf32>,
        %swap3A_43 = vector.shape_cast %swap3A_42 : vector<1x16xf32> to vector<16xf32>
        %swap3A_44 = vector.shape_cast %broadcast_in_dim3A_40 : vector<16xf32> to vector<1x16xf32>
        tpu.vector_store %arg8[%swap3A, %swap3A_41], %swap3A_44 {strides = array<i32>} : memref<64x64xf32, #tpu.memory_space<vmem>>, vector<1x16xf32>,
      }
      %scan3A_34 = arith.constant 4 : i32
    }
    %scan3A_3 = arith.constant 64 : i32
    %scan3A_4 = arith.constant 0 : i32
    %scan3A_5 = arith.constant 10 : i32
    %scan3A_6 = arith.addi %scan3A_4, %scan3A_5 : i32
    %scan3A_7 = arith.constant 1 : i32
    scf.for %scan3A_26 = %scan3A_4 to %scan3A_6 step %scan3A_7  : i32 {
      %mul3A_27 = arith.constant 64 : i32
      %mul3A_28 = arith.muli %scan3A_26, %mul3A_27 : i32
      %add3A = arith.constant 0 : i32
      %add3A_29 = arith.addi %add3A, %mul3A_28 : i32
      %mul3A_30 = arith.constant 640 : i32
      %mul3A_31 = arith.muli %arg1, %mul3A_30 : i32
      %add3A_32 = arith.addi %mul3A_31, %add3A_29 : i32
      "tpu.region"() ({
        %run_scoped3A = tpu.sem_alloc : memref<!tpu.dma_semaphore, #tpu.memory_space<semaphore_mem>>
        %dma_start3A = arith.constant 0 : i32
        %dma_start3A_33 = tpu.memref_slice %arg10[%add3A_32, %dma_start3A] : memref<10240x64xf32, #tpu.memory_space<vmem_shared>> -> memref<64x64xf32, #tpu.memory_space<vmem_shared>>
        %dma_start3A_34 = arith.constant 0 : i32
        %dma_start3A_35 = tpu.memref_slice %arg10[%add3A_32, %dma_start3A_34] : memref<10240x64xf32, #tpu.memory_space<vmem_shared>> -> memref<64x64xf32, #tpu.memory_space<vmem_shared>>
        tpu.enqueue_dma source(%arg8 : memref<64x64xf32, #tpu.memory_space<vmem>>) target(%dma_start3A_35 : memref<64x64xf32, #tpu.memory_space<vmem_shared>>) target_semaphore(%run_scoped3A : memref<!tpu.dma_semaphore, #tpu.memory_space<semaphore_mem>>)
        %dma_wait3A = arith.constant 0 : i32
        %dma_wait3A_36 = tpu.memref_slice %arg10[%add3A_32, %dma_wait3A] : memref<10240x64xf32, #tpu.memory_space<vmem_shared>> -> memref<64x64xf32, #tpu.memory_space<vmem_shared>>
        %dma_wait3A_37 = arith.constant 0 : i32
        %dma_wait3A_38 = tpu.memref_slice %arg10[%add3A_32, %dma_wait3A_37] : memref<10240x64xf32, #tpu.memory_space<vmem_shared>> -> memref<64x64xf32, #tpu.memory_space<vmem_shared>>
        tpu.wait_dma2 semaphore(%run_scoped3A : memref<!tpu.dma_semaphore, #tpu.memory_space<semaphore_mem>>) src(%arg8 : memref<64x64xf32, #tpu.memory_space<vmem>>) dst(%dma_wait3A_38 : memref<64x64xf32, #tpu.memory_space<vmem_shared>>)
        tpu.yield
      }) : () -> ()
    }
    %scan3A_8 = arith.constant 10 : i32
    "tpu.region"() ({
      %run_scoped3A = tpu.sem_alloc : memref<!tpu.dma_semaphore, #tpu.memory_space<semaphore_mem>>
      %dma_start3A = arith.constant 0 : i32
      %dma_start3A_26 = arith.constant 0 : i32
      %dma_start3A_27 = tpu.memref_slice %arg3[%arg1, %dma_start3A, %dma_start3A_26] : memref<16x316x64xi32, #tpu.memory_space<hbm>> -> memref<1x316x64xi32, #tpu.memory_space<hbm>>
      %dma_start3A_28 = tpu.memref_squeeze %dma_start3A_27 : memref<1x316x64xi32, #tpu.memory_space<hbm>> -> memref<316x64xi32, #tpu.memory_space<hbm>>
      %dma_start3A_29 = arith.constant 0 : i32
      %dma_start3A_30 = arith.constant 0 : i32
      %dma_start3A_31 = tpu.memref_slice %arg3[%arg1, %dma_start3A_29, %dma_start3A_30] : memref<16x316x64xi32, #tpu.memory_space<hbm>> -> memref<1x316x64xi32, #tpu.memory_space<hbm>>
      %dma_start3A_32 = tpu.memref_squeeze %dma_start3A_31 : memref<1x316x64xi32, #tpu.memory_space<hbm>> -> memref<316x64xi32, #tpu.memory_space<hbm>>
      tpu.enqueue_dma source(%dma_start3A_32 : memref<316x64xi32, #tpu.memory_space<hbm>>) target(%arg6 : memref<316x64xi32, #tpu.memory_space<vmem>>) target_semaphore(%run_scoped3A : memref<!tpu.dma_semaphore, #tpu.memory_space<semaphore_mem>>)
      %dma_wait3A = arith.constant 0 : i32
      %dma_wait3A_33 = arith.constant 0 : i32
      %dma_wait3A_34 = tpu.memref_slice %arg3[%arg1, %dma_wait3A, %dma_wait3A_33] : memref<16x316x64xi32, #tpu.memory_space<hbm>> -> memref<1x316x64xi32, #tpu.memory_space<hbm>>
      %dma_wait3A_35 = tpu.memref_squeeze %dma_wait3A_34 : memref<1x316x64xi32, #tpu.memory_space<hbm>> -> memref<316x64xi32, #tpu.memory_space<hbm>>
      %dma_wait3A_36 = arith.constant 0 : i32
      %dma_wait3A_37 = arith.constant 0 : i32
      %dma_wait3A_38 = tpu.memref_slice %arg3[%arg1, %dma_wait3A_36, %dma_wait3A_37] : memref<16x316x64xi32, #tpu.memory_space<hbm>> -> memref<1x316x64xi32, #tpu.memory_space<hbm>>
      %dma_wait3A_39 = tpu.memref_squeeze %dma_wait3A_38 : memref<1x316x64xi32, #tpu.memory_space<hbm>> -> memref<316x64xi32, #tpu.memory_space<hbm>>
      tpu.wait_dma2 semaphore(%run_scoped3A : memref<!tpu.dma_semaphore, #tpu.memory_space<semaphore_mem>>) src(%dma_wait3A_39 : memref<316x64xi32, #tpu.memory_space<hbm>>) dst(%arg6 : memref<316x64xi32, #tpu.memory_space<vmem>>)
      tpu.yield
    }) : () -> ()
    "tpu.region"() ({
      %run_scoped3A = tpu.sem_alloc : memref<!tpu.dma_semaphore, #tpu.memory_space<semaphore_mem>>
      %dma_start3A = arith.constant 0 : i32
      %dma_start3A_26 = arith.constant 0 : i32
      %dma_start3A_27 = tpu.memref_slice %arg4[%arg1, %dma_start3A, %dma_start3A_26] : memref<16x316x64xi32, #tpu.memory_space<hbm>> -> memref<1x316x64xi32, #tpu.memory_space<hbm>>
      %dma_start3A_28 = tpu.memref_squeeze %dma_start3A_27 : memref<1x316x64xi32, #tpu.memory_space<hbm>> -> memref<316x64xi32, #tpu.memory_space<hbm>>
      %dma_start3A_29 = arith.constant 0 : i32
      %dma_start3A_30 = arith.constant 0 : i32
      %dma_start3A_31 = tpu.memref_slice %arg4[%arg1, %dma_start3A_29, %dma_start3A_30] : memref<16x316x64xi32, #tpu.memory_space<hbm>> -> memref<1x316x64xi32, #tpu.memory_space<hbm>>
      %dma_start3A_32 = tpu.memref_squeeze %dma_start3A_31 : memref<1x316x64xi32, #tpu.memory_space<hbm>> -> memref<316x64xi32, #tpu.memory_space<hbm>>
      tpu.enqueue_dma source(%dma_start3A_32 : memref<316x64xi32, #tpu.memory_space<hbm>>) target(%arg7 : memref<316x64xi32, #tpu.memory_space<vmem>>) target_semaphore(%run_scoped3A : memref<!tpu.dma_semaphore, #tpu.memory_space<semaphore_mem>>)
      %dma_wait3A = arith.constant 0 : i32
      %dma_wait3A_33 = arith.constant 0 : i32
      %dma_wait3A_34 = tpu.memref_slice %arg4[%arg1, %dma_wait3A, %dma_wait3A_33] : memref<16x316x64xi32, #tpu.memory_space<hbm>> -> memref<1x316x64xi32, #tpu.memory_space<hbm>>
      %dma_wait3A_35 = tpu.memref_squeeze %dma_wait3A_34 : memref<1x316x64xi32, #tpu.memory_space<hbm>> -> memref<316x64xi32, #tpu.memory_space<hbm>>
      %dma_wait3A_36 = arith.constant 0 : i32
      %dma_wait3A_37 = arith.constant 0 : i32
      %dma_wait3A_38 = tpu.memref_slice %arg4[%arg1, %dma_wait3A_36, %dma_wait3A_37] : memref<16x316x64xi32, #tpu.memory_space<hbm>> -> memref<1x316x64xi32, #tpu.memory_space<hbm>>
      %dma_wait3A_39 = tpu.memref_squeeze %dma_wait3A_38 : memref<1x316x64xi32, #tpu.memory_space<hbm>> -> memref<316x64xi32, #tpu.memory_space<hbm>>
      tpu.wait_dma2 semaphore(%run_scoped3A : memref<!tpu.dma_semaphore, #tpu.memory_space<semaphore_mem>>) src(%dma_wait3A_39 : memref<316x64xi32, #tpu.memory_space<hbm>>) dst(%arg7 : memref<316x64xi32, #tpu.memory_space<vmem>>)
      tpu.yield
    }) : () -> ()
    %mul3A = arith.constant 10240 : i32
    %mul3A_9 = arith.muli %arg0, %mul3A : i32
    %scan3A_10 = arith.constant 0 : i32
    %scan3A_11 = arith.constant 316 : i32
    %scan3A_12 = arith.addi %scan3A_10, %scan3A_11 : i32
    %scan3A_13 = arith.constant 1 : i32
    scf.for %scan3A_26 = %scan3A_10 to %scan3A_12 step %scan3A_13  : i32 {
      %mul3A_27 = arith.constant 1 : i32
      %mul3A_28 = arith.muli %scan3A_26, %mul3A_27 : i32
      %add3A = arith.constant 0 : i32
      %add3A_29 = arith.addi %add3A, %mul3A_28 : i32
      %scan3A_30 = arith.constant 0 : i32
      %scan3A_31 = arith.constant 4 : i32
      %scan3A_32 = arith.addi %scan3A_30, %scan3A_31 : i32
      %scan3A_33 = arith.constant 1 : i32
      scf.for %scan3A_35 = %scan3A_30 to %scan3A_32 step %scan3A_33  : i32 {
        %mul3A_36 = arith.constant 16 : i32
        %mul3A_37 = arith.muli %scan3A_35, %mul3A_36 : i32
        %add3A_38 = arith.constant 0 : i32
        %add3A_39 = arith.addi %add3A_38, %mul3A_37 : i32
        %get3A = arith.index_cast %add3A_29 : i32 to index
        %get3A_40 = arith.index_cast %add3A_39 : i32 to index
        %get3A_41 = tpu.vector_load %arg6[%get3A, %get3A_40] {strides = array<i32>} : memref<316x64xi32, #tpu.memory_space<vmem>>, vector<1x16xi32>,
        %get3A_42 = vector.shape_cast %get3A_41 : vector<1x16xi32> to vector<16xi32>
        %add3A_43 = vector.broadcast %mul3A_9 : i32 to vector<16xi32>
        %add3A_44 = arith.addi %get3A_42, %add3A_43 : vector<16xi32>
        %swap3A = arith.index_cast %add3A_29 : i32 to index
        %swap3A_45 = arith.index_cast %add3A_39 : i32 to index
        %swap3A_46 = tpu.vector_load %arg6[%swap3A, %swap3A_45] {strides = array<i32>} : memref<316x64xi32, #tpu.memory_space<vmem>>, vector<1x16xi32>,
        %swap3A_47 = vector.shape_cast %swap3A_46 : vector<1x16xi32> to vector<16xi32>
        %swap3A_48 = vector.shape_cast %add3A_44 : vector<16xi32> to vector<1x16xi32>
        tpu.vector_store %arg6[%swap3A, %swap3A_45], %swap3A_48 {strides = array<i32>} : memref<316x64xi32, #tpu.memory_space<vmem>>, vector<1x16xi32>,
      }
      %scan3A_34 = arith.constant 4 : i32
    }
    %scan3A_14 = arith.constant 316 : i32
    %barrier3A = arith.constant 0 : index
    tpu.barrier barrier_id(%barrier3A)
    %scan3A_15 = arith.constant 0 : i32
    %scan3A_16 = arith.constant 158 : i32
    %scan3A_17 = arith.addi %scan3A_15, %scan3A_16 : i32
    %scan3A_18 = arith.constant 1 : i32
    scf.for %scan3A_26 = %scan3A_15 to %scan3A_17 step %scan3A_18  : i32 {
      %mul3A_27 = arith.constant 2 : i32
      %mul3A_28 = arith.muli %scan3A_26, %mul3A_27 : i32
      %add3A = arith.constant 0 : i32
      %add3A_29 = arith.addi %add3A, %mul3A_28 : i32
      %dma_start3A = arith.constant 0 : i32
      %dma_start3A_30 = tpu.memref_slice %arg6[%add3A_29, %dma_start3A] : memref<316x64xi32, #tpu.memory_space<vmem>> -> memref<1x64xi32, #tpu.memory_space<vmem>>
      %dma_start3A_31 = tpu.memref_squeeze %dma_start3A_30 : memref<1x64xi32, #tpu.memory_space<vmem>> -> memref<64xi32, #tpu.memory_space<vmem>>
      %dma_start3A_32 = arith.constant 0 : i32
      %dma_start3A_33 = arith.constant 0 : i32
      %dma_start3A_34 = tpu.memref_slice %arg2[%dma_start3A_32, %dma_start3A_33] : memref<20480x64xf32, #tpu.memory_space<hbm>> -> memref<20480x64xf32, #tpu.memory_space<hbm>>
      tpu.enqueue_indirect_dma source(%dma_start3A_34 : memref<20480x64xf32, #tpu.memory_space<hbm>>) target(%arg8 : memref<64x64xf32, #tpu.memory_space<vmem>>) offsets(%dma_start3A_31 : memref<64xi32, #tpu.memory_space<vmem>>) semaphore(%arg11 : memref<!tpu.dma_semaphore, #tpu.memory_space<semaphore_mem>>)
      %add3A_35 = arith.constant 1 : i32
      %add3A_36 = arith.addi %add3A_29, %add3A_35 : i32
      %dma_start3A_37 = arith.constant 0 : i32
      %dma_start3A_38 = tpu.memref_slice %arg6[%add3A_36, %dma_start3A_37] : memref<316x64xi32, #tpu.memory_space<vmem>> -> memref<1x64xi32, #tpu.memory_space<vmem>>
      %dma_start3A_39 = tpu.memref_squeeze %dma_start3A_38 : memref<1x64xi32, #tpu.memory_space<vmem>> -> memref<64xi32, #tpu.memory_space<vmem>>
      %dma_start3A_40 = arith.constant 0 : i32
      %dma_start3A_41 = arith.constant 0 : i32
      %dma_start3A_42 = tpu.memref_slice %arg2[%dma_start3A_40, %dma_start3A_41] : memref<20480x64xf32, #tpu.memory_space<hbm>> -> memref<20480x64xf32, #tpu.memory_space<hbm>>
      tpu.enqueue_indirect_dma source(%dma_start3A_42 : memref<20480x64xf32, #tpu.memory_space<hbm>>) target(%arg9 : memref<64x64xf32, #tpu.memory_space<vmem>>) offsets(%dma_start3A_39 : memref<64xi32, #tpu.memory_space<vmem>>) semaphore(%arg12 : memref<!tpu.dma_semaphore, #tpu.memory_space<semaphore_mem>>)
      %dma_wait3A = arith.constant 0 : i32
      %dma_wait3A_43 = tpu.memref_slice %arg6[%add3A_29, %dma_wait3A] : memref<316x64xi32, #tpu.memory_space<vmem>> -> memref<1x64xi32, #tpu.memory_space<vmem>>
      %dma_wait3A_44 = tpu.memref_squeeze %dma_wait3A_43 : memref<1x64xi32, #tpu.memory_space<vmem>> -> memref<64xi32, #tpu.memory_space<vmem>>
      %dma_wait3A_45 = arith.constant 0 : i32
      %dma_wait3A_46 = arith.constant 0 : i32
      %dma_wait3A_47 = tpu.memref_slice %arg2[%dma_wait3A_45, %dma_wait3A_46] : memref<20480x64xf32, #tpu.memory_space<hbm>> -> memref<20480x64xf32, #tpu.memory_space<hbm>>
      tpu.wait_indirect_dma semaphore(%arg11 : memref<!tpu.dma_semaphore, #tpu.memory_space<semaphore_mem>>) src(%dma_wait3A_47 : memref<20480x64xf32, #tpu.memory_space<hbm>>) dst(%arg8 : memref<64x64xf32, #tpu.memory_space<vmem>>)
      "tpu.region"() ({
        %run_scoped3A = tpu.sem_alloc : memref<!tpu.dma_semaphore, #tpu.memory_space<semaphore_mem>>
        %dma_start3A_56 = arith.constant 0 : i32
        %dma_start3A_57 = tpu.memref_slice %arg7[%add3A_29, %dma_start3A_56] : memref<316x64xi32, #tpu.memory_space<vmem>> -> memref<1x64xi32, #tpu.memory_space<vmem>>
        %dma_start3A_58 = tpu.memref_squeeze %dma_start3A_57 : memref<1x64xi32, #tpu.memory_space<vmem>> -> memref<64xi32, #tpu.memory_space<vmem>>
        %dma_start3A_59 = arith.constant 0 : i32
        %dma_start3A_60 = arith.constant 0 : i32
        %dma_start3A_61 = tpu.memref_slice %arg10[%dma_start3A_59, %dma_start3A_60] : memref<10240x64xf32, #tpu.memory_space<vmem_shared>> -> memref<10240x64xf32, #tpu.memory_space<vmem_shared>>
        tpu.enqueue_indirect_dma source(%arg8 : memref<64x64xf32, #tpu.memory_space<vmem>>) target(%dma_start3A_61 : memref<10240x64xf32, #tpu.memory_space<vmem_shared>>) offsets(%dma_start3A_58 : memref<64xi32, #tpu.memory_space<vmem>>) semaphore(%run_scoped3A : memref<!tpu.dma_semaphore, #tpu.memory_space<semaphore_mem>>) {add = true}
        %dma_wait3A_62 = arith.constant 0 : i32
        %dma_wait3A_63 = tpu.memref_slice %arg7[%add3A_29, %dma_wait3A_62] : memref<316x64xi32, #tpu.memory_space<vmem>> -> memref<1x64xi32, #tpu.memory_space<vmem>>
        %dma_wait3A_64 = tpu.memref_squeeze %dma_wait3A_63 : memref<1x64xi32, #tpu.memory_space<vmem>> -> memref<64xi32, #tpu.memory_space<vmem>>
        %dma_wait3A_65 = arith.constant 0 : i32
        %dma_wait3A_66 = arith.constant 0 : i32
        %dma_wait3A_67 = tpu.memref_slice %arg10[%dma_wait3A_65, %dma_wait3A_66] : memref<10240x64xf32, #tpu.memory_space<vmem_shared>> -> memref<10240x64xf32, #tpu.memory_space<vmem_shared>>
        tpu.wait_indirect_dma semaphore(%run_scoped3A : memref<!tpu.dma_semaphore, #tpu.memory_space<semaphore_mem>>) src(%arg8 : memref<64x64xf32, #tpu.memory_space<vmem>>) dst(%dma_wait3A_67 : memref<10240x64xf32, #tpu.memory_space<vmem_shared>>)
        tpu.yield
      }) : () -> ()
      %dma_wait3A_48 = arith.constant 0 : i32
      %dma_wait3A_49 = tpu.memref_slice %arg6[%add3A_36, %dma_wait3A_48] : memref<316x64xi32, #tpu.memory_space<vmem>> -> memref<1x64xi32, #tpu.memory_space<vmem>>
      %dma_wait3A_50 = tpu.memref_squeeze %dma_wait3A_49 : memref<1x64xi32, #tpu.memory_space<vmem>> -> memref<64xi32, #tpu.memory_space<vmem>>
      %dma_wait3A_51 = arith.constant 0 : i32
      %dma_wait3A_52 = arith.constant 0 : i32
      %dma_wait3A_53 = tpu.memref_slice %arg2[%dma_wait3A_51, %dma_wait3A_52] : memref<20480x64xf32, #tpu.memory_space<hbm>> -> memref<20480x64xf32, #tpu.memory_space<hbm>>
      tpu.wait_indirect_dma semaphore(%arg12 : memref<!tpu.dma_semaphore, #tpu.memory_space<semaphore_mem>>) src(%dma_wait3A_53 : memref<20480x64xf32, #tpu.memory_space<hbm>>) dst(%arg9 : memref<64x64xf32, #tpu.memory_space<vmem>>)
      %add3A_54 = arith.constant 1 : i32
      %add3A_55 = arith.addi %add3A_29, %add3A_54 : i32
      "tpu.region"() ({
        %run_scoped3A = tpu.sem_alloc : memref<!tpu.dma_semaphore, #tpu.memory_space<semaphore_mem>>
        %dma_start3A_56 = arith.constant 0 : i32
        %dma_start3A_57 = tpu.memref_slice %arg7[%add3A_55, %dma_start3A_56] : memref<316x64xi32, #tpu.memory_space<vmem>> -> memref<1x64xi32, #tpu.memory_space<vmem>>
        %dma_start3A_58 = tpu.memref_squeeze %dma_start3A_57 : memref<1x64xi32, #tpu.memory_space<vmem>> -> memref<64xi32, #tpu.memory_space<vmem>>
        %dma_start3A_59 = arith.constant 0 : i32
        %dma_start3A_60 = arith.constant 0 : i32
        %dma_start3A_61 = tpu.memref_slice %arg10[%dma_start3A_59, %dma_start3A_60] : memref<10240x64xf32, #tpu.memory_space<vmem_shared>> -> memref<10240x64xf32, #tpu.memory_space<vmem_shared>>
        tpu.enqueue_indirect_dma source(%arg9 : memref<64x64xf32, #tpu.memory_space<vmem>>) target(%dma_start3A_61 : memref<10240x64xf32, #tpu.memory_space<vmem_shared>>) offsets(%dma_start3A_58 : memref<64xi32, #tpu.memory_space<vmem>>) semaphore(%run_scoped3A : memref<!tpu.dma_semaphore, #tpu.memory_space<semaphore_mem>>) {add = true}
        %dma_wait3A_62 = arith.constant 0 : i32
        %dma_wait3A_63 = tpu.memref_slice %arg7[%add3A_55, %dma_wait3A_62] : memref<316x64xi32, #tpu.memory_space<vmem>> -> memref<1x64xi32, #tpu.memory_space<vmem>>
        %dma_wait3A_64 = tpu.memref_squeeze %dma_wait3A_63 : memref<1x64xi32, #tpu.memory_space<vmem>> -> memref<64xi32, #tpu.memory_space<vmem>>
        %dma_wait3A_65 = arith.constant 0 : i32
        %dma_wait3A_66 = arith.constant 0 : i32
        %dma_wait3A_67 = tpu.memref_slice %arg10[%dma_wait3A_65, %dma_wait3A_66] : memref<10240x64xf32, #tpu.memory_space<vmem_shared>> -> memref<10240x64xf32, #tpu.memory_space<vmem_shared>>
        tpu.wait_indirect_dma semaphore(%run_scoped3A : memref<!tpu.dma_semaphore, #tpu.memory_space<semaphore_mem>>) src(%arg9 : memref<64x64xf32, #tpu.memory_space<vmem>>) dst(%dma_wait3A_67 : memref<10240x64xf32, #tpu.memory_space<vmem_shared>>)
        tpu.yield
      }) : () -> ()
    }
    %scan3A_19 = arith.constant 158 : i32
    %barrier3A_20 = arith.constant 0 : index
    tpu.barrier barrier_id(%barrier3A_20)
    %scan3A_21 = arith.constant 0 : i32
    %scan3A_22 = arith.constant 10 : i32
    %scan3A_23 = arith.addi %scan3A_21, %scan3A_22 : i32
    %scan3A_24 = arith.constant 1 : i32
    scf.for %scan3A_26 = %scan3A_21 to %scan3A_23 step %scan3A_24  : i32 {
      %mul3A_27 = arith.constant 64 : i32
      %mul3A_28 = arith.muli %scan3A_26, %mul3A_27 : i32
      %add3A = arith.constant 0 : i32
      %add3A_29 = arith.addi %add3A, %mul3A_28 : i32
      %mul3A_30 = arith.constant 640 : i32
      %mul3A_31 = arith.muli %arg1, %mul3A_30 : i32
      %add3A_32 = arith.addi %mul3A_31, %add3A_29 : i32
      "tpu.region"() ({
        %run_scoped3A = tpu.sem_alloc : memref<!tpu.dma_semaphore, #tpu.memory_space<semaphore_mem>>
        %dma_start3A = arith.constant 0 : i32
        %dma_start3A_33 = tpu.memref_slice %arg10[%add3A_32, %dma_start3A] : memref<10240x64xf32, #tpu.memory_space<vmem_shared>> -> memref<64x64xf32, #tpu.memory_space<vmem_shared>>
        %dma_start3A_34 = arith.constant 0 : i32
        %dma_start3A_35 = tpu.memref_slice %arg10[%add3A_32, %dma_start3A_34] : memref<10240x64xf32, #tpu.memory_space<vmem_shared>> -> memref<64x64xf32, #tpu.memory_space<vmem_shared>>
        tpu.enqueue_dma source(%dma_start3A_35 : memref<64x64xf32, #tpu.memory_space<vmem_shared>>) target(%arg8 : memref<64x64xf32, #tpu.memory_space<vmem>>) target_semaphore(%run_scoped3A : memref<!tpu.dma_semaphore, #tpu.memory_space<semaphore_mem>>)
        %dma_wait3A = arith.constant 0 : i32
        %dma_wait3A_36 = tpu.memref_slice %arg10[%add3A_32, %dma_wait3A] : memref<10240x64xf32, #tpu.memory_space<vmem_shared>> -> memref<64x64xf32, #tpu.memory_space<vmem_shared>>
        %dma_wait3A_37 = arith.constant 0 : i32
        %dma_wait3A_38 = tpu.memref_slice %arg10[%add3A_32, %dma_wait3A_37] : memref<10240x64xf32, #tpu.memory_space<vmem_shared>> -> memref<64x64xf32, #tpu.memory_space<vmem_shared>>
        tpu.wait_dma2 semaphore(%run_scoped3A : memref<!tpu.dma_semaphore, #tpu.memory_space<semaphore_mem>>) src(%dma_wait3A_38 : memref<64x64xf32, #tpu.memory_space<vmem_shared>>) dst(%arg8 : memref<64x64xf32, #tpu.memory_space<vmem>>)
        tpu.yield
      }) : () -> ()
      "tpu.region"() ({
        %run_scoped3A = tpu.sem_alloc : memref<!tpu.dma_semaphore, #tpu.memory_space<semaphore_mem>>
        %dma_start3A = arith.constant 0 : i32
        %dma_start3A_33 = tpu.memref_slice %arg5[%arg0, %add3A_32, %dma_start3A] : memref<2x10240x64xf32, #tpu.memory_space<hbm>> -> memref<1x64x64xf32, #tpu.memory_space<hbm>>
        %dma_start3A_34 = tpu.memref_squeeze %dma_start3A_33 : memref<1x64x64xf32, #tpu.memory_space<hbm>> -> memref<64x64xf32, #tpu.memory_space<hbm>>
        %dma_start3A_35 = arith.constant 0 : i32
        %dma_start3A_36 = tpu.memref_slice %arg5[%arg0, %add3A_32, %dma_start3A_35] : memref<2x10240x64xf32, #tpu.memory_space<hbm>> -> memref<1x64x64xf32, #tpu.memory_space<hbm>>
        %dma_start3A_37 = tpu.memref_squeeze %dma_start3A_36 : memref<1x64x64xf32, #tpu.memory_space<hbm>> -> memref<64x64xf32, #tpu.memory_space<hbm>>
        tpu.enqueue_dma source(%arg8 : memref<64x64xf32, #tpu.memory_space<vmem>>) target(%dma_start3A_37 : memref<64x64xf32, #tpu.memory_space<hbm>>) target_semaphore(%run_scoped3A : memref<!tpu.dma_semaphore, #tpu.memory_space<semaphore_mem>>)
        %dma_wait3A = arith.constant 0 : i32
        %dma_wait3A_38 = tpu.memref_slice %arg5[%arg0, %add3A_32, %dma_wait3A] : memref<2x10240x64xf32, #tpu.memory_space<hbm>> -> memref<1x64x64xf32, #tpu.memory_space<hbm>>
        %dma_wait3A_39 = tpu.memref_squeeze %dma_wait3A_38 : memref<1x64x64xf32, #tpu.memory_space<hbm>> -> memref<64x64xf32, #tpu.memory_space<hbm>>
        %dma_wait3A_40 = arith.constant 0 : i32
        %dma_wait3A_41 = tpu.memref_slice %arg5[%arg0, %add3A_32, %dma_wait3A_40] : memref<2x10240x64xf32, #tpu.memory_space<hbm>> -> memref<1x64x64xf32, #tpu.memory_space<hbm>>
        %dma_wait3A_42 = tpu.memref_squeeze %dma_wait3A_41 : memref<1x64x64xf32, #tpu.memory_space<hbm>> -> memref<64x64xf32, #tpu.memory_space<hbm>>
        tpu.wait_dma2 semaphore(%run_scoped3A : memref<!tpu.dma_semaphore, #tpu.memory_space<semaphore_mem>>) src(%arg8 : memref<64x64xf32, #tpu.memory_space<vmem>>) dst(%dma_wait3A_42 : memref<64x64xf32, #tpu.memory_space<hbm>>)
        tpu.yield
      }) : () -> ()
    }
    %scan3A_25 = arith.constant 10 : i32
    return
  }
}

#map = affine_map<(d0, d1) -> (0, 0)>
#map1 = affine_map<(d0, d1) -> (0, 0, 0)>
module attributes {stable_mosaic.version = 14 : i64} {
  func.func @_sc_scatter(%arg0: i32, %arg1: i32, %arg2: memref<20480x64xf32, #tpu.memory_space<hbm>>, %arg3: memref<16x316x64xi32, #tpu.memory_space<hbm>>, %arg4: memref<16x316x64xi32, #tpu.memory_space<hbm>>, %arg5: memref<2x10240x64xf32, #tpu.memory_space<hbm>>, %arg6: memref<316x64xi32, #tpu.memory_space<vmem>>, %arg7: memref<316x64xi32, #tpu.memory_space<vmem>>, %arg8: memref<64x64xf32, #tpu.memory_space<vmem>>, %arg9: memref<64x64xf32, #tpu.memory_space<vmem>>, %arg10: memref<10240x64xf32, #tpu.memory_space<vmem_shared>>, %arg11: memref<!tpu.dma_semaphore, #tpu.memory_space<semaphore_mem>>, %arg12: memref<!tpu.dma_semaphore, #tpu.memory_space<semaphore_mem>>) attributes {dimension_semantics = [#tpu.dimension_semantics<core_parallel>, #tpu.dimension_semantics<subcore_parallel>], iteration_bounds = array<i64: 2, 16>, scalar_prefetch = 0 : i64, scratch_operands = 7 : i64, tpu.core_type = #tpu.core_type<sc_vector_subcore>, window_params = [{transform_indices = #map}, {transform_indices = #map1}, {transform_indices = #map1}, {transform_indices = #map1}]} {
    %scan3A = arith.constant 0 : i32
    %scan3A_0 = arith.constant 64 : i32
    %scan3A_1 = arith.addi %scan3A, %scan3A_0 : i32
    %scan3A_2 = arith.constant 1 : i32
    scf.for %scan3A_26 = %scan3A to %scan3A_1 step %scan3A_2  : i32 {
      %mul3A_27 = arith.constant 1 : i32
      %mul3A_28 = arith.muli %scan3A_26, %mul3A_27 : i32
      %add3A = arith.constant 0 : i32
      %add3A_29 = arith.addi %add3A, %mul3A_28 : i32
      %scan3A_30 = arith.constant 0 : i32
      %scan3A_31 = arith.constant 4 : i32
      %scan3A_32 = arith.addi %scan3A_30, %scan3A_31 : i32
      %scan3A_33 = arith.constant 1 : i32
      scf.for %scan3A_35 = %scan3A_30 to %scan3A_32 step %scan3A_33  : i32 {
        %mul3A_36 = arith.constant 16 : i32
        %mul3A_37 = arith.muli %scan3A_35, %mul3A_36 : i32
        %add3A_38 = arith.constant 0 : i32
        %add3A_39 = arith.addi %add3A_38, %mul3A_37 : i32
        %broadcast_in_dim3A = arith.constant 0.000000e+00 : f32
        %broadcast_in_dim3A_40 = vector.broadcast %broadcast_in_dim3A : f32 to vector<16xf32>
        %swap3A = arith.index_cast %add3A_29 : i32 to index
        %swap3A_41 = arith.index_cast %add3A_39 : i32 to index
        %swap3A_42 = tpu.vector_load %arg8[%swap3A, %swap3A_41] {strides = array<i32>} : memref<64x64xf32, #tpu.memory_space<vmem>>, vector<1x16xf32>,
        %swap3A_43 = vector.shape_cast %swap3A_42 : vector<1x16xf32> to vector<16xf32>
        %swap3A_44 = vector.shape_cast %broadcast_in_dim3A_40 : vector<16xf32> to vector<1x16xf32>
        tpu.vector_store %arg8[%swap3A, %swap3A_41], %swap3A_44 {strides = array<i32>} : memref<64x64xf32, #tpu.memory_space<vmem>>, vector<1x16xf32>,
      }
      %scan3A_34 = arith.constant 4 : i32
    }
    %scan3A_3 = arith.constant 64 : i32
    %scan3A_4 = arith.constant 0 : i32
    %scan3A_5 = arith.constant 10 : i32
    %scan3A_6 = arith.addi %scan3A_4, %scan3A_5 : i32
    %scan3A_7 = arith.constant 1 : i32
    scf.for %scan3A_26 = %scan3A_4 to %scan3A_6 step %scan3A_7  : i32 {
      %mul3A_27 = arith.constant 64 : i32
      %mul3A_28 = arith.muli %scan3A_26, %mul3A_27 : i32
      %add3A = arith.constant 0 : i32
      %add3A_29 = arith.addi %add3A, %mul3A_28 : i32
      %mul3A_30 = arith.constant 640 : i32
      %mul3A_31 = arith.muli %arg1, %mul3A_30 : i32
      %add3A_32 = arith.addi %mul3A_31, %add3A_29 : i32
      "tpu.region"() ({
        %run_scoped3A = tpu.sem_alloc : memref<!tpu.dma_semaphore, #tpu.memory_space<semaphore_mem>>
        %dma_start3A = arith.constant 0 : i32
        %dma_start3A_33 = tpu.memref_slice %arg10[%add3A_32, %dma_start3A] : memref<10240x64xf32, #tpu.memory_space<vmem_shared>> -> memref<64x64xf32, #tpu.memory_space<vmem_shared>>
        %dma_start3A_34 = arith.constant 0 : i32
        %dma_start3A_35 = tpu.memref_slice %arg10[%add3A_32, %dma_start3A_34] : memref<10240x64xf32, #tpu.memory_space<vmem_shared>> -> memref<64x64xf32, #tpu.memory_space<vmem_shared>>
        tpu.enqueue_dma source(%arg8 : memref<64x64xf32, #tpu.memory_space<vmem>>) target(%dma_start3A_35 : memref<64x64xf32, #tpu.memory_space<vmem_shared>>) target_semaphore(%run_scoped3A : memref<!tpu.dma_semaphore, #tpu.memory_space<semaphore_mem>>)
        %dma_wait3A = arith.constant 0 : i32
        %dma_wait3A_36 = tpu.memref_slice %arg10[%add3A_32, %dma_wait3A] : memref<10240x64xf32, #tpu.memory_space<vmem_shared>> -> memref<64x64xf32, #tpu.memory_space<vmem_shared>>
        %dma_wait3A_37 = arith.constant 0 : i32
        %dma_wait3A_38 = tpu.memref_slice %arg10[%add3A_32, %dma_wait3A_37] : memref<10240x64xf32, #tpu.memory_space<vmem_shared>> -> memref<64x64xf32, #tpu.memory_space<vmem_shared>>
        tpu.wait_dma2 semaphore(%run_scoped3A : memref<!tpu.dma_semaphore, #tpu.memory_space<semaphore_mem>>) src(%arg8 : memref<64x64xf32, #tpu.memory_space<vmem>>) dst(%dma_wait3A_38 : memref<64x64xf32, #tpu.memory_space<vmem_shared>>)
        tpu.yield
      }) : () -> ()
    }
    %scan3A_8 = arith.constant 10 : i32
    "tpu.region"() ({
      %run_scoped3A = tpu.sem_alloc : memref<!tpu.dma_semaphore, #tpu.memory_space<semaphore_mem>>
      %dma_start3A = arith.constant 0 : i32
      %dma_start3A_26 = arith.constant 0 : i32
      %dma_start3A_27 = tpu.memref_slice %arg3[%arg1, %dma_start3A, %dma_start3A_26] : memref<16x316x64xi32, #tpu.memory_space<hbm>> -> memref<1x316x64xi32, #tpu.memory_space<hbm>>
      %dma_start3A_28 = tpu.memref_squeeze %dma_start3A_27 : memref<1x316x64xi32, #tpu.memory_space<hbm>> -> memref<316x64xi32, #tpu.memory_space<hbm>>
      %dma_start3A_29 = arith.constant 0 : i32
      %dma_start3A_30 = arith.constant 0 : i32
      %dma_start3A_31 = tpu.memref_slice %arg3[%arg1, %dma_start3A_29, %dma_start3A_30] : memref<16x316x64xi32, #tpu.memory_space<hbm>> -> memref<1x316x64xi32, #tpu.memory_space<hbm>>
      %dma_start3A_32 = tpu.memref_squeeze %dma_start3A_31 : memref<1x316x64xi32, #tpu.memory_space<hbm>> -> memref<316x64xi32, #tpu.memory_space<hbm>>
      tpu.enqueue_dma source(%dma_start3A_32 : memref<316x64xi32, #tpu.memory_space<hbm>>) target(%arg6 : memref<316x64xi32, #tpu.memory_space<vmem>>) target_semaphore(%run_scoped3A : memref<!tpu.dma_semaphore, #tpu.memory_space<semaphore_mem>>)
      %dma_wait3A = arith.constant 0 : i32
      %dma_wait3A_33 = arith.constant 0 : i32
      %dma_wait3A_34 = tpu.memref_slice %arg3[%arg1, %dma_wait3A, %dma_wait3A_33] : memref<16x316x64xi32, #tpu.memory_space<hbm>> -> memref<1x316x64xi32, #tpu.memory_space<hbm>>
      %dma_wait3A_35 = tpu.memref_squeeze %dma_wait3A_34 : memref<1x316x64xi32, #tpu.memory_space<hbm>> -> memref<316x64xi32, #tpu.memory_space<hbm>>
      %dma_wait3A_36 = arith.constant 0 : i32
      %dma_wait3A_37 = arith.constant 0 : i32
      %dma_wait3A_38 = tpu.memref_slice %arg3[%arg1, %dma_wait3A_36, %dma_wait3A_37] : memref<16x316x64xi32, #tpu.memory_space<hbm>> -> memref<1x316x64xi32, #tpu.memory_space<hbm>>
      %dma_wait3A_39 = tpu.memref_squeeze %dma_wait3A_38 : memref<1x316x64xi32, #tpu.memory_space<hbm>> -> memref<316x64xi32, #tpu.memory_space<hbm>>
      tpu.wait_dma2 semaphore(%run_scoped3A : memref<!tpu.dma_semaphore, #tpu.memory_space<semaphore_mem>>) src(%dma_wait3A_39 : memref<316x64xi32, #tpu.memory_space<hbm>>) dst(%arg6 : memref<316x64xi32, #tpu.memory_space<vmem>>)
      tpu.yield
    }) : () -> ()
    "tpu.region"() ({
      %run_scoped3A = tpu.sem_alloc : memref<!tpu.dma_semaphore, #tpu.memory_space<semaphore_mem>>
      %dma_start3A = arith.constant 0 : i32
      %dma_start3A_26 = arith.constant 0 : i32
      %dma_start3A_27 = tpu.memref_slice %arg4[%arg1, %dma_start3A, %dma_start3A_26] : memref<16x316x64xi32, #tpu.memory_space<hbm>> -> memref<1x316x64xi32, #tpu.memory_space<hbm>>
      %dma_start3A_28 = tpu.memref_squeeze %dma_start3A_27 : memref<1x316x64xi32, #tpu.memory_space<hbm>> -> memref<316x64xi32, #tpu.memory_space<hbm>>
      %dma_start3A_29 = arith.constant 0 : i32
      %dma_start3A_30 = arith.constant 0 : i32
      %dma_start3A_31 = tpu.memref_slice %arg4[%arg1, %dma_start3A_29, %dma_start3A_30] : memref<16x316x64xi32, #tpu.memory_space<hbm>> -> memref<1x316x64xi32, #tpu.memory_space<hbm>>
      %dma_start3A_32 = tpu.memref_squeeze %dma_start3A_31 : memref<1x316x64xi32, #tpu.memory_space<hbm>> -> memref<316x64xi32, #tpu.memory_space<hbm>>
      tpu.enqueue_dma source(%dma_start3A_32 : memref<316x64xi32, #tpu.memory_space<hbm>>) target(%arg7 : memref<316x64xi32, #tpu.memory_space<vmem>>) target_semaphore(%run_scoped3A : memref<!tpu.dma_semaphore, #tpu.memory_space<semaphore_mem>>)
      %dma_wait3A = arith.constant 0 : i32
      %dma_wait3A_33 = arith.constant 0 : i32
      %dma_wait3A_34 = tpu.memref_slice %arg4[%arg1, %dma_wait3A, %dma_wait3A_33] : memref<16x316x64xi32, #tpu.memory_space<hbm>> -> memref<1x316x64xi32, #tpu.memory_space<hbm>>
      %dma_wait3A_35 = tpu.memref_squeeze %dma_wait3A_34 : memref<1x316x64xi32, #tpu.memory_space<hbm>> -> memref<316x64xi32, #tpu.memory_space<hbm>>
      %dma_wait3A_36 = arith.constant 0 : i32
      %dma_wait3A_37 = arith.constant 0 : i32
      %dma_wait3A_38 = tpu.memref_slice %arg4[%arg1, %dma_wait3A_36, %dma_wait3A_37] : memref<16x316x64xi32, #tpu.memory_space<hbm>> -> memref<1x316x64xi32, #tpu.memory_space<hbm>>
      %dma_wait3A_39 = tpu.memref_squeeze %dma_wait3A_38 : memref<1x316x64xi32, #tpu.memory_space<hbm>> -> memref<316x64xi32, #tpu.memory_space<hbm>>
      tpu.wait_dma2 semaphore(%run_scoped3A : memref<!tpu.dma_semaphore, #tpu.memory_space<semaphore_mem>>) src(%dma_wait3A_39 : memref<316x64xi32, #tpu.memory_space<hbm>>) dst(%arg7 : memref<316x64xi32, #tpu.memory_space<vmem>>)
      tpu.yield
    }) : () -> ()
    %mul3A = arith.constant 10240 : i32
    %mul3A_9 = arith.muli %arg0, %mul3A : i32
    %scan3A_10 = arith.constant 0 : i32
    %scan3A_11 = arith.constant 316 : i32
    %scan3A_12 = arith.addi %scan3A_10, %scan3A_11 : i32
    %scan3A_13 = arith.constant 1 : i32
    scf.for %scan3A_26 = %scan3A_10 to %scan3A_12 step %scan3A_13  : i32 {
      %mul3A_27 = arith.constant 1 : i32
      %mul3A_28 = arith.muli %scan3A_26, %mul3A_27 : i32
      %add3A = arith.constant 0 : i32
      %add3A_29 = arith.addi %add3A, %mul3A_28 : i32
      %scan3A_30 = arith.constant 0 : i32
      %scan3A_31 = arith.constant 4 : i32
      %scan3A_32 = arith.addi %scan3A_30, %scan3A_31 : i32
      %scan3A_33 = arith.constant 1 : i32
      scf.for %scan3A_35 = %scan3A_30 to %scan3A_32 step %scan3A_33  : i32 {
        %mul3A_36 = arith.constant 16 : i32
        %mul3A_37 = arith.muli %scan3A_35, %mul3A_36 : i32
        %add3A_38 = arith.constant 0 : i32
        %add3A_39 = arith.addi %add3A_38, %mul3A_37 : i32
        %get3A = arith.index_cast %add3A_29 : i32 to index
        %get3A_40 = arith.index_cast %add3A_39 : i32 to index
        %get3A_41 = tpu.vector_load %arg6[%get3A, %get3A_40] {strides = array<i32>} : memref<316x64xi32, #tpu.memory_space<vmem>>, vector<1x16xi32>,
        %get3A_42 = vector.shape_cast %get3A_41 : vector<1x16xi32> to vector<16xi32>
        %add3A_43 = vector.broadcast %mul3A_9 : i32 to vector<16xi32>
        %add3A_44 = arith.addi %get3A_42, %add3A_43 : vector<16xi32>
        %swap3A = arith.index_cast %add3A_29 : i32 to index
        %swap3A_45 = arith.index_cast %add3A_39 : i32 to index
        %swap3A_46 = tpu.vector_load %arg6[%swap3A, %swap3A_45] {strides = array<i32>} : memref<316x64xi32, #tpu.memory_space<vmem>>, vector<1x16xi32>,
        %swap3A_47 = vector.shape_cast %swap3A_46 : vector<1x16xi32> to vector<16xi32>
        %swap3A_48 = vector.shape_cast %add3A_44 : vector<16xi32> to vector<1x16xi32>
        tpu.vector_store %arg6[%swap3A, %swap3A_45], %swap3A_48 {strides = array<i32>} : memref<316x64xi32, #tpu.memory_space<vmem>>, vector<1x16xi32>,
      }
      %scan3A_34 = arith.constant 4 : i32
    }
    %scan3A_14 = arith.constant 316 : i32
    %barrier3A = arith.constant 0 : index
    tpu.barrier barrier_id(%barrier3A)
    %scan3A_15 = arith.constant 0 : i32
    %scan3A_16 = arith.constant 158 : i32
    %scan3A_17 = arith.addi %scan3A_15, %scan3A_16 : i32
    %scan3A_18 = arith.constant 1 : i32
    scf.for %scan3A_26 = %scan3A_15 to %scan3A_17 step %scan3A_18  : i32 {
      %mul3A_27 = arith.constant 2 : i32
      %mul3A_28 = arith.muli %scan3A_26, %mul3A_27 : i32
      %add3A = arith.constant 0 : i32
      %add3A_29 = arith.addi %add3A, %mul3A_28 : i32
      %dma_start3A = arith.constant 0 : i32
      %dma_start3A_30 = tpu.memref_slice %arg6[%add3A_29, %dma_start3A] : memref<316x64xi32, #tpu.memory_space<vmem>> -> memref<1x64xi32, #tpu.memory_space<vmem>>
      %dma_start3A_31 = tpu.memref_squeeze %dma_start3A_30 : memref<1x64xi32, #tpu.memory_space<vmem>> -> memref<64xi32, #tpu.memory_space<vmem>>
      %dma_start3A_32 = arith.constant 0 : i32
      %dma_start3A_33 = arith.constant 0 : i32
      %dma_start3A_34 = tpu.memref_slice %arg2[%dma_start3A_32, %dma_start3A_33] : memref<20480x64xf32, #tpu.memory_space<hbm>> -> memref<20480x64xf32, #tpu.memory_space<hbm>>
      tpu.enqueue_indirect_dma source(%dma_start3A_34 : memref<20480x64xf32, #tpu.memory_space<hbm>>) target(%arg8 : memref<64x64xf32, #tpu.memory_space<vmem>>) offsets(%dma_start3A_31 : memref<64xi32, #tpu.memory_space<vmem>>) semaphore(%arg11 : memref<!tpu.dma_semaphore, #tpu.memory_space<semaphore_mem>>)
      %add3A_35 = arith.constant 1 : i32
      %add3A_36 = arith.addi %add3A_29, %add3A_35 : i32
      %dma_start3A_37 = arith.constant 0 : i32
      %dma_start3A_38 = tpu.memref_slice %arg6[%add3A_36, %dma_start3A_37] : memref<316x64xi32, #tpu.memory_space<vmem>> -> memref<1x64xi32, #tpu.memory_space<vmem>>
      %dma_start3A_39 = tpu.memref_squeeze %dma_start3A_38 : memref<1x64xi32, #tpu.memory_space<vmem>> -> memref<64xi32, #tpu.memory_space<vmem>>
      %dma_start3A_40 = arith.constant 0 : i32
      %dma_start3A_41 = arith.constant 0 : i32
      %dma_start3A_42 = tpu.memref_slice %arg2[%dma_start3A_40, %dma_start3A_41] : memref<20480x64xf32, #tpu.memory_space<hbm>> -> memref<20480x64xf32, #tpu.memory_space<hbm>>
      tpu.enqueue_indirect_dma source(%dma_start3A_42 : memref<20480x64xf32, #tpu.memory_space<hbm>>) target(%arg9 : memref<64x64xf32, #tpu.memory_space<vmem>>) offsets(%dma_start3A_39 : memref<64xi32, #tpu.memory_space<vmem>>) semaphore(%arg12 : memref<!tpu.dma_semaphore, #tpu.memory_space<semaphore_mem>>)
      %dma_wait3A = arith.constant 0 : i32
      %dma_wait3A_43 = tpu.memref_slice %arg6[%add3A_29, %dma_wait3A] : memref<316x64xi32, #tpu.memory_space<vmem>> -> memref<1x64xi32, #tpu.memory_space<vmem>>
      %dma_wait3A_44 = tpu.memref_squeeze %dma_wait3A_43 : memref<1x64xi32, #tpu.memory_space<vmem>> -> memref<64xi32, #tpu.memory_space<vmem>>
      %dma_wait3A_45 = arith.constant 0 : i32
      %dma_wait3A_46 = arith.constant 0 : i32
      %dma_wait3A_47 = tpu.memref_slice %arg2[%dma_wait3A_45, %dma_wait3A_46] : memref<20480x64xf32, #tpu.memory_space<hbm>> -> memref<20480x64xf32, #tpu.memory_space<hbm>>
      tpu.wait_indirect_dma semaphore(%arg11 : memref<!tpu.dma_semaphore, #tpu.memory_space<semaphore_mem>>) src(%dma_wait3A_47 : memref<20480x64xf32, #tpu.memory_space<hbm>>) dst(%arg8 : memref<64x64xf32, #tpu.memory_space<vmem>>)
      "tpu.region"() ({
        %run_scoped3A = tpu.sem_alloc : memref<!tpu.dma_semaphore, #tpu.memory_space<semaphore_mem>>
        %dma_start3A_56 = arith.constant 0 : i32
        %dma_start3A_57 = tpu.memref_slice %arg7[%add3A_29, %dma_start3A_56] : memref<316x64xi32, #tpu.memory_space<vmem>> -> memref<1x64xi32, #tpu.memory_space<vmem>>
        %dma_start3A_58 = tpu.memref_squeeze %dma_start3A_57 : memref<1x64xi32, #tpu.memory_space<vmem>> -> memref<64xi32, #tpu.memory_space<vmem>>
        %dma_start3A_59 = arith.constant 0 : i32
        %dma_start3A_60 = arith.constant 0 : i32
        %dma_start3A_61 = tpu.memref_slice %arg10[%dma_start3A_59, %dma_start3A_60] : memref<10240x64xf32, #tpu.memory_space<vmem_shared>> -> memref<10240x64xf32, #tpu.memory_space<vmem_shared>>
        tpu.enqueue_indirect_dma source(%arg8 : memref<64x64xf32, #tpu.memory_space<vmem>>) target(%dma_start3A_61 : memref<10240x64xf32, #tpu.memory_space<vmem_shared>>) offsets(%dma_start3A_58 : memref<64xi32, #tpu.memory_space<vmem>>) semaphore(%run_scoped3A : memref<!tpu.dma_semaphore, #tpu.memory_space<semaphore_mem>>) {add = true}
        %dma_wait3A_62 = arith.constant 0 : i32
        %dma_wait3A_63 = tpu.memref_slice %arg7[%add3A_29, %dma_wait3A_62] : memref<316x64xi32, #tpu.memory_space<vmem>> -> memref<1x64xi32, #tpu.memory_space<vmem>>
        %dma_wait3A_64 = tpu.memref_squeeze %dma_wait3A_63 : memref<1x64xi32, #tpu.memory_space<vmem>> -> memref<64xi32, #tpu.memory_space<vmem>>
        %dma_wait3A_65 = arith.constant 0 : i32
        %dma_wait3A_66 = arith.constant 0 : i32
        %dma_wait3A_67 = tpu.memref_slice %arg10[%dma_wait3A_65, %dma_wait3A_66] : memref<10240x64xf32, #tpu.memory_space<vmem_shared>> -> memref<10240x64xf32, #tpu.memory_space<vmem_shared>>
        tpu.wait_indirect_dma semaphore(%run_scoped3A : memref<!tpu.dma_semaphore, #tpu.memory_space<semaphore_mem>>) src(%arg8 : memref<64x64xf32, #tpu.memory_space<vmem>>) dst(%dma_wait3A_67 : memref<10240x64xf32, #tpu.memory_space<vmem_shared>>)
        tpu.yield
      }) : () -> ()
      %dma_wait3A_48 = arith.constant 0 : i32
      %dma_wait3A_49 = tpu.memref_slice %arg6[%add3A_36, %dma_wait3A_48] : memref<316x64xi32, #tpu.memory_space<vmem>> -> memref<1x64xi32, #tpu.memory_space<vmem>>
      %dma_wait3A_50 = tpu.memref_squeeze %dma_wait3A_49 : memref<1x64xi32, #tpu.memory_space<vmem>> -> memref<64xi32, #tpu.memory_space<vmem>>
      %dma_wait3A_51 = arith.constant 0 : i32
      %dma_wait3A_52 = arith.constant 0 : i32
      %dma_wait3A_53 = tpu.memref_slice %arg2[%dma_wait3A_51, %dma_wait3A_52] : memref<20480x64xf32, #tpu.memory_space<hbm>> -> memref<20480x64xf32, #tpu.memory_space<hbm>>
      tpu.wait_indirect_dma semaphore(%arg12 : memref<!tpu.dma_semaphore, #tpu.memory_space<semaphore_mem>>) src(%dma_wait3A_53 : memref<20480x64xf32, #tpu.memory_space<hbm>>) dst(%arg9 : memref<64x64xf32, #tpu.memory_space<vmem>>)
      %add3A_54 = arith.constant 1 : i32
      %add3A_55 = arith.addi %add3A_29, %add3A_54 : i32
      "tpu.region"() ({
        %run_scoped3A = tpu.sem_alloc : memref<!tpu.dma_semaphore, #tpu.memory_space<semaphore_mem>>
        %dma_start3A_56 = arith.constant 0 : i32
        %dma_start3A_57 = tpu.memref_slice %arg7[%add3A_55, %dma_start3A_56] : memref<316x64xi32, #tpu.memory_space<vmem>> -> memref<1x64xi32, #tpu.memory_space<vmem>>
        %dma_start3A_58 = tpu.memref_squeeze %dma_start3A_57 : memref<1x64xi32, #tpu.memory_space<vmem>> -> memref<64xi32, #tpu.memory_space<vmem>>
        %dma_start3A_59 = arith.constant 0 : i32
        %dma_start3A_60 = arith.constant 0 : i32
        %dma_start3A_61 = tpu.memref_slice %arg10[%dma_start3A_59, %dma_start3A_60] : memref<10240x64xf32, #tpu.memory_space<vmem_shared>> -> memref<10240x64xf32, #tpu.memory_space<vmem_shared>>
        tpu.enqueue_indirect_dma source(%arg9 : memref<64x64xf32, #tpu.memory_space<vmem>>) target(%dma_start3A_61 : memref<10240x64xf32, #tpu.memory_space<vmem_shared>>) offsets(%dma_start3A_58 : memref<64xi32, #tpu.memory_space<vmem>>) semaphore(%run_scoped3A : memref<!tpu.dma_semaphore, #tpu.memory_space<semaphore_mem>>) {add = true}
        %dma_wait3A_62 = arith.constant 0 : i32
        %dma_wait3A_63 = tpu.memref_slice %arg7[%add3A_55, %dma_wait3A_62] : memref<316x64xi32, #tpu.memory_space<vmem>> -> memref<1x64xi32, #tpu.memory_space<vmem>>
        %dma_wait3A_64 = tpu.memref_squeeze %dma_wait3A_63 : memref<1x64xi32, #tpu.memory_space<vmem>> -> memref<64xi32, #tpu.memory_space<vmem>>
        %dma_wait3A_65 = arith.constant 0 : i32
        %dma_wait3A_66 = arith.constant 0 : i32
        %dma_wait3A_67 = tpu.memref_slice %arg10[%dma_wait3A_65, %dma_wait3A_66] : memref<10240x64xf32, #tpu.memory_space<vmem_shared>> -> memref<10240x64xf32, #tpu.memory_space<vmem_shared>>
        tpu.wait_indirect_dma semaphore(%run_scoped3A : memref<!tpu.dma_semaphore, #tpu.memory_space<semaphore_mem>>) src(%arg9 : memref<64x64xf32, #tpu.memory_space<vmem>>) dst(%dma_wait3A_67 : memref<10240x64xf32, #tpu.memory_space<vmem_shared>>)
        tpu.yield
      }) : () -> ()
    }
    %scan3A_19 = arith.constant 158 : i32
    %barrier3A_20 = arith.constant 0 : index
    tpu.barrier barrier_id(%barrier3A_20)
    %scan3A_21 = arith.constant 0 : i32
    %scan3A_22 = arith.constant 10 : i32
    %scan3A_23 = arith.addi %scan3A_21, %scan3A_22 : i32
    %scan3A_24 = arith.constant 1 : i32
    scf.for %scan3A_26 = %scan3A_21 to %scan3A_23 step %scan3A_24  : i32 {
      %mul3A_27 = arith.constant 64 : i32
      %mul3A_28 = arith.muli %scan3A_26, %mul3A_27 : i32
      %add3A = arith.constant 0 : i32
      %add3A_29 = arith.addi %add3A, %mul3A_28 : i32
      %mul3A_30 = arith.constant 640 : i32
      %mul3A_31 = arith.muli %arg1, %mul3A_30 : i32
      %add3A_32 = arith.addi %mul3A_31, %add3A_29 : i32
      "tpu.region"() ({
        %run_scoped3A = tpu.sem_alloc : memref<!tpu.dma_semaphore, #tpu.memory_space<semaphore_mem>>
        %dma_start3A = arith.constant 0 : i32
        %dma_start3A_33 = tpu.memref_slice %arg10[%add3A_32, %dma_start3A] : memref<10240x64xf32, #tpu.memory_space<vmem_shared>> -> memref<64x64xf32, #tpu.memory_space<vmem_shared>>
        %dma_start3A_34 = arith.constant 0 : i32
        %dma_start3A_35 = tpu.memref_slice %arg10[%add3A_32, %dma_start3A_34] : memref<10240x64xf32, #tpu.memory_space<vmem_shared>> -> memref<64x64xf32, #tpu.memory_space<vmem_shared>>
        tpu.enqueue_dma source(%dma_start3A_35 : memref<64x64xf32, #tpu.memory_space<vmem_shared>>) target(%arg8 : memref<64x64xf32, #tpu.memory_space<vmem>>) target_semaphore(%run_scoped3A : memref<!tpu.dma_semaphore, #tpu.memory_space<semaphore_mem>>)
        %dma_wait3A = arith.constant 0 : i32
        %dma_wait3A_36 = tpu.memref_slice %arg10[%add3A_32, %dma_wait3A] : memref<10240x64xf32, #tpu.memory_space<vmem_shared>> -> memref<64x64xf32, #tpu.memory_space<vmem_shared>>
        %dma_wait3A_37 = arith.constant 0 : i32
        %dma_wait3A_38 = tpu.memref_slice %arg10[%add3A_32, %dma_wait3A_37] : memref<10240x64xf32, #tpu.memory_space<vmem_shared>> -> memref<64x64xf32, #tpu.memory_space<vmem_shared>>
        tpu.wait_dma2 semaphore(%run_scoped3A : memref<!tpu.dma_semaphore, #tpu.memory_space<semaphore_mem>>) src(%dma_wait3A_38 : memref<64x64xf32, #tpu.memory_space<vmem_shared>>) dst(%arg8 : memref<64x64xf32, #tpu.memory_space<vmem>>)
        tpu.yield
      }) : () -> ()
      "tpu.region"() ({
        %run_scoped3A = tpu.sem_alloc : memref<!tpu.dma_semaphore, #tpu.memory_space<semaphore_mem>>
        %dma_start3A = arith.constant 0 : i32
        %dma_start3A_33 = tpu.memref_slice %arg5[%arg0, %add3A_32, %dma_start3A] : memref<2x10240x64xf32, #tpu.memory_space<hbm>> -> memref<1x64x64xf32, #tpu.memory_space<hbm>>
        %dma_start3A_34 = tpu.memref_squeeze %dma_start3A_33 : memref<1x64x64xf32, #tpu.memory_space<hbm>> -> memref<64x64xf32, #tpu.memory_space<hbm>>
        %dma_start3A_35 = arith.constant 0 : i32
        %dma_start3A_36 = tpu.memref_slice %arg5[%arg0, %add3A_32, %dma_start3A_35] : memref<2x10240x64xf32, #tpu.memory_space<hbm>> -> memref<1x64x64xf32, #tpu.memory_space<hbm>>
        %dma_start3A_37 = tpu.memref_squeeze %dma_start3A_36 : memref<1x64x64xf32, #tpu.memory_space<hbm>> -> memref<64x64xf32, #tpu.memory_space<hbm>>
        tpu.enqueue_dma source(%arg8 : memref<64x64xf32, #tpu.memory_space<vmem>>) target(%dma_start3A_37 : memref<64x64xf32, #tpu.memory_space<hbm>>) target_semaphore(%run_scoped3A : memref<!tpu.dma_semaphore, #tpu.memory_space<semaphore_mem>>)
        %dma_wait3A = arith.constant 0 : i32
        %dma_wait3A_38 = tpu.memref_slice %arg5[%arg0, %add3A_32, %dma_wait3A] : memref<2x10240x64xf32, #tpu.memory_space<hbm>> -> memref<1x64x64xf32, #tpu.memory_space<hbm>>
        %dma_wait3A_39 = tpu.memref_squeeze %dma_wait3A_38 : memref<1x64x64xf32, #tpu.memory_space<hbm>> -> memref<64x64xf32, #tpu.memory_space<hbm>>
        %dma_wait3A_40 = arith.constant 0 : i32
        %dma_wait3A_41 = tpu.memref_slice %arg5[%arg0, %add3A_32, %dma_wait3A_40] : memref<2x10240x64xf32, #tpu.memory_space<hbm>> -> memref<1x64x64xf32, #tpu.memory_space<hbm>>
        %dma_wait3A_42 = tpu.memref_squeeze %dma_wait3A_41 : memref<1x64x64xf32, #tpu.memory_space<hbm>> -> memref<64x64xf32, #tpu.memory_space<hbm>>
        tpu.wait_dma2 semaphore(%run_scoped3A : memref<!tpu.dma_semaphore, #tpu.memory_space<semaphore_mem>>) src(%arg8 : memref<64x64xf32, #tpu.memory_space<vmem>>) dst(%dma_wait3A_42 : memref<64x64xf32, #tpu.memory_space<hbm>>)
        tpu.yield
      }) : () -> ()
    }
    %scan3A_25 = arith.constant 10 : i32
    return
  }
}

#map = affine_map<(d0, d1) -> (0, 0)>
#map1 = affine_map<(d0, d1) -> (0, 0, 0)>
module attributes {stable_mosaic.version = 14 : i64} {
  func.func @_sc_scatter(%arg0: i32, %arg1: i32, %arg2: memref<20480x64xf32, #tpu.memory_space<hbm>>, %arg3: memref<16x316x64xi32, #tpu.memory_space<hbm>>, %arg4: memref<16x316x64xi32, #tpu.memory_space<hbm>>, %arg5: memref<2x10240x64xf32, #tpu.memory_space<hbm>>, %arg6: memref<316x64xi32, #tpu.memory_space<vmem>>, %arg7: memref<316x64xi32, #tpu.memory_space<vmem>>, %arg8: memref<64x64xf32, #tpu.memory_space<vmem>>, %arg9: memref<64x64xf32, #tpu.memory_space<vmem>>, %arg10: memref<10240x64xf32, #tpu.memory_space<vmem_shared>>, %arg11: memref<!tpu.dma_semaphore, #tpu.memory_space<semaphore_mem>>, %arg12: memref<!tpu.dma_semaphore, #tpu.memory_space<semaphore_mem>>) attributes {dimension_semantics = [#tpu.dimension_semantics<core_parallel>, #tpu.dimension_semantics<subcore_parallel>], iteration_bounds = array<i64: 2, 16>, scalar_prefetch = 0 : i64, scratch_operands = 7 : i64, tpu.core_type = #tpu.core_type<sc_vector_subcore>, window_params = [{transform_indices = #map}, {transform_indices = #map1}, {transform_indices = #map1}, {transform_indices = #map1}]} {
    %scan3A = arith.constant 0 : i32
    %scan3A_0 = arith.constant 64 : i32
    %scan3A_1 = arith.addi %scan3A, %scan3A_0 : i32
    %scan3A_2 = arith.constant 1 : i32
    scf.for %scan3A_26 = %scan3A to %scan3A_1 step %scan3A_2  : i32 {
      %mul3A_27 = arith.constant 1 : i32
      %mul3A_28 = arith.muli %scan3A_26, %mul3A_27 : i32
      %add3A = arith.constant 0 : i32
      %add3A_29 = arith.addi %add3A, %mul3A_28 : i32
      %scan3A_30 = arith.constant 0 : i32
      %scan3A_31 = arith.constant 4 : i32
      %scan3A_32 = arith.addi %scan3A_30, %scan3A_31 : i32
      %scan3A_33 = arith.constant 1 : i32
      scf.for %scan3A_35 = %scan3A_30 to %scan3A_32 step %scan3A_33  : i32 {
        %mul3A_36 = arith.constant 16 : i32
        %mul3A_37 = arith.muli %scan3A_35, %mul3A_36 : i32
        %add3A_38 = arith.constant 0 : i32
        %add3A_39 = arith.addi %add3A_38, %mul3A_37 : i32
        %broadcast_in_dim3A = arith.constant 0.000000e+00 : f32
        %broadcast_in_dim3A_40 = vector.broadcast %broadcast_in_dim3A : f32 to vector<16xf32>
        %swap3A = arith.index_cast %add3A_29 : i32 to index
        %swap3A_41 = arith.index_cast %add3A_39 : i32 to index
        %swap3A_42 = tpu.vector_load %arg8[%swap3A, %swap3A_41] {strides = array<i32>} : memref<64x64xf32, #tpu.memory_space<vmem>>, vector<1x16xf32>,
        %swap3A_43 = vector.shape_cast %swap3A_42 : vector<1x16xf32> to vector<16xf32>
        %swap3A_44 = vector.shape_cast %broadcast_in_dim3A_40 : vector<16xf32> to vector<1x16xf32>
        tpu.vector_store %arg8[%swap3A, %swap3A_41], %swap3A_44 {strides = array<i32>} : memref<64x64xf32, #tpu.memory_space<vmem>>, vector<1x16xf32>,
      }
      %scan3A_34 = arith.constant 4 : i32
    }
    %scan3A_3 = arith.constant 64 : i32
    %scan3A_4 = arith.constant 0 : i32
    %scan3A_5 = arith.constant 10 : i32
    %scan3A_6 = arith.addi %scan3A_4, %scan3A_5 : i32
    %scan3A_7 = arith.constant 1 : i32
    scf.for %scan3A_26 = %scan3A_4 to %scan3A_6 step %scan3A_7  : i32 {
      %mul3A_27 = arith.constant 64 : i32
      %mul3A_28 = arith.muli %scan3A_26, %mul3A_27 : i32
      %add3A = arith.constant 0 : i32
      %add3A_29 = arith.addi %add3A, %mul3A_28 : i32
      %mul3A_30 = arith.constant 640 : i32
      %mul3A_31 = arith.muli %arg1, %mul3A_30 : i32
      %add3A_32 = arith.addi %mul3A_31, %add3A_29 : i32
      "tpu.region"() ({
        %run_scoped3A = tpu.sem_alloc : memref<!tpu.dma_semaphore, #tpu.memory_space<semaphore_mem>>
        %dma_start3A = arith.constant 0 : i32
        %dma_start3A_33 = tpu.memref_slice %arg10[%add3A_32, %dma_start3A] : memref<10240x64xf32, #tpu.memory_space<vmem_shared>> -> memref<64x64xf32, #tpu.memory_space<vmem_shared>>
        %dma_start3A_34 = arith.constant 0 : i32
        %dma_start3A_35 = tpu.memref_slice %arg10[%add3A_32, %dma_start3A_34] : memref<10240x64xf32, #tpu.memory_space<vmem_shared>> -> memref<64x64xf32, #tpu.memory_space<vmem_shared>>
        tpu.enqueue_dma source(%arg8 : memref<64x64xf32, #tpu.memory_space<vmem>>) target(%dma_start3A_35 : memref<64x64xf32, #tpu.memory_space<vmem_shared>>) target_semaphore(%run_scoped3A : memref<!tpu.dma_semaphore, #tpu.memory_space<semaphore_mem>>)
        %dma_wait3A = arith.constant 0 : i32
        %dma_wait3A_36 = tpu.memref_slice %arg10[%add3A_32, %dma_wait3A] : memref<10240x64xf32, #tpu.memory_space<vmem_shared>> -> memref<64x64xf32, #tpu.memory_space<vmem_shared>>
        %dma_wait3A_37 = arith.constant 0 : i32
        %dma_wait3A_38 = tpu.memref_slice %arg10[%add3A_32, %dma_wait3A_37] : memref<10240x64xf32, #tpu.memory_space<vmem_shared>> -> memref<64x64xf32, #tpu.memory_space<vmem_shared>>
        tpu.wait_dma2 semaphore(%run_scoped3A : memref<!tpu.dma_semaphore, #tpu.memory_space<semaphore_mem>>) src(%arg8 : memref<64x64xf32, #tpu.memory_space<vmem>>) dst(%dma_wait3A_38 : memref<64x64xf32, #tpu.memory_space<vmem_shared>>)
        tpu.yield
      }) : () -> ()
    }
    %scan3A_8 = arith.constant 10 : i32
    "tpu.region"() ({
      %run_scoped3A = tpu.sem_alloc : memref<!tpu.dma_semaphore, #tpu.memory_space<semaphore_mem>>
      %dma_start3A = arith.constant 0 : i32
      %dma_start3A_26 = arith.constant 0 : i32
      %dma_start3A_27 = tpu.memref_slice %arg3[%arg1, %dma_start3A, %dma_start3A_26] : memref<16x316x64xi32, #tpu.memory_space<hbm>> -> memref<1x316x64xi32, #tpu.memory_space<hbm>>
      %dma_start3A_28 = tpu.memref_squeeze %dma_start3A_27 : memref<1x316x64xi32, #tpu.memory_space<hbm>> -> memref<316x64xi32, #tpu.memory_space<hbm>>
      %dma_start3A_29 = arith.constant 0 : i32
      %dma_start3A_30 = arith.constant 0 : i32
      %dma_start3A_31 = tpu.memref_slice %arg3[%arg1, %dma_start3A_29, %dma_start3A_30] : memref<16x316x64xi32, #tpu.memory_space<hbm>> -> memref<1x316x64xi32, #tpu.memory_space<hbm>>
      %dma_start3A_32 = tpu.memref_squeeze %dma_start3A_31 : memref<1x316x64xi32, #tpu.memory_space<hbm>> -> memref<316x64xi32, #tpu.memory_space<hbm>>
      tpu.enqueue_dma source(%dma_start3A_32 : memref<316x64xi32, #tpu.memory_space<hbm>>) target(%arg6 : memref<316x64xi32, #tpu.memory_space<vmem>>) target_semaphore(%run_scoped3A : memref<!tpu.dma_semaphore, #tpu.memory_space<semaphore_mem>>)
      %dma_wait3A = arith.constant 0 : i32
      %dma_wait3A_33 = arith.constant 0 : i32
      %dma_wait3A_34 = tpu.memref_slice %arg3[%arg1, %dma_wait3A, %dma_wait3A_33] : memref<16x316x64xi32, #tpu.memory_space<hbm>> -> memref<1x316x64xi32, #tpu.memory_space<hbm>>
      %dma_wait3A_35 = tpu.memref_squeeze %dma_wait3A_34 : memref<1x316x64xi32, #tpu.memory_space<hbm>> -> memref<316x64xi32, #tpu.memory_space<hbm>>
      %dma_wait3A_36 = arith.constant 0 : i32
      %dma_wait3A_37 = arith.constant 0 : i32
      %dma_wait3A_38 = tpu.memref_slice %arg3[%arg1, %dma_wait3A_36, %dma_wait3A_37] : memref<16x316x64xi32, #tpu.memory_space<hbm>> -> memref<1x316x64xi32, #tpu.memory_space<hbm>>
      %dma_wait3A_39 = tpu.memref_squeeze %dma_wait3A_38 : memref<1x316x64xi32, #tpu.memory_space<hbm>> -> memref<316x64xi32, #tpu.memory_space<hbm>>
      tpu.wait_dma2 semaphore(%run_scoped3A : memref<!tpu.dma_semaphore, #tpu.memory_space<semaphore_mem>>) src(%dma_wait3A_39 : memref<316x64xi32, #tpu.memory_space<hbm>>) dst(%arg6 : memref<316x64xi32, #tpu.memory_space<vmem>>)
      tpu.yield
    }) : () -> ()
    "tpu.region"() ({
      %run_scoped3A = tpu.sem_alloc : memref<!tpu.dma_semaphore, #tpu.memory_space<semaphore_mem>>
      %dma_start3A = arith.constant 0 : i32
      %dma_start3A_26 = arith.constant 0 : i32
      %dma_start3A_27 = tpu.memref_slice %arg4[%arg1, %dma_start3A, %dma_start3A_26] : memref<16x316x64xi32, #tpu.memory_space<hbm>> -> memref<1x316x64xi32, #tpu.memory_space<hbm>>
      %dma_start3A_28 = tpu.memref_squeeze %dma_start3A_27 : memref<1x316x64xi32, #tpu.memory_space<hbm>> -> memref<316x64xi32, #tpu.memory_space<hbm>>
      %dma_start3A_29 = arith.constant 0 : i32
      %dma_start3A_30 = arith.constant 0 : i32
      %dma_start3A_31 = tpu.memref_slice %arg4[%arg1, %dma_start3A_29, %dma_start3A_30] : memref<16x316x64xi32, #tpu.memory_space<hbm>> -> memref<1x316x64xi32, #tpu.memory_space<hbm>>
      %dma_start3A_32 = tpu.memref_squeeze %dma_start3A_31 : memref<1x316x64xi32, #tpu.memory_space<hbm>> -> memref<316x64xi32, #tpu.memory_space<hbm>>
      tpu.enqueue_dma source(%dma_start3A_32 : memref<316x64xi32, #tpu.memory_space<hbm>>) target(%arg7 : memref<316x64xi32, #tpu.memory_space<vmem>>) target_semaphore(%run_scoped3A : memref<!tpu.dma_semaphore, #tpu.memory_space<semaphore_mem>>)
      %dma_wait3A = arith.constant 0 : i32
      %dma_wait3A_33 = arith.constant 0 : i32
      %dma_wait3A_34 = tpu.memref_slice %arg4[%arg1, %dma_wait3A, %dma_wait3A_33] : memref<16x316x64xi32, #tpu.memory_space<hbm>> -> memref<1x316x64xi32, #tpu.memory_space<hbm>>
      %dma_wait3A_35 = tpu.memref_squeeze %dma_wait3A_34 : memref<1x316x64xi32, #tpu.memory_space<hbm>> -> memref<316x64xi32, #tpu.memory_space<hbm>>
      %dma_wait3A_36 = arith.constant 0 : i32
      %dma_wait3A_37 = arith.constant 0 : i32
      %dma_wait3A_38 = tpu.memref_slice %arg4[%arg1, %dma_wait3A_36, %dma_wait3A_37] : memref<16x316x64xi32, #tpu.memory_space<hbm>> -> memref<1x316x64xi32, #tpu.memory_space<hbm>>
      %dma_wait3A_39 = tpu.memref_squeeze %dma_wait3A_38 : memref<1x316x64xi32, #tpu.memory_space<hbm>> -> memref<316x64xi32, #tpu.memory_space<hbm>>
      tpu.wait_dma2 semaphore(%run_scoped3A : memref<!tpu.dma_semaphore, #tpu.memory_space<semaphore_mem>>) src(%dma_wait3A_39 : memref<316x64xi32, #tpu.memory_space<hbm>>) dst(%arg7 : memref<316x64xi32, #tpu.memory_space<vmem>>)
      tpu.yield
    }) : () -> ()
    %mul3A = arith.constant 10240 : i32
    %mul3A_9 = arith.muli %arg0, %mul3A : i32
    %scan3A_10 = arith.constant 0 : i32
    %scan3A_11 = arith.constant 316 : i32
    %scan3A_12 = arith.addi %scan3A_10, %scan3A_11 : i32
    %scan3A_13 = arith.constant 1 : i32
    scf.for %scan3A_26 = %scan3A_10 to %scan3A_12 step %scan3A_13  : i32 {
      %mul3A_27 = arith.constant 1 : i32
      %mul3A_28 = arith.muli %scan3A_26, %mul3A_27 : i32
      %add3A = arith.constant 0 : i32
      %add3A_29 = arith.addi %add3A, %mul3A_28 : i32
      %scan3A_30 = arith.constant 0 : i32
      %scan3A_31 = arith.constant 4 : i32
      %scan3A_32 = arith.addi %scan3A_30, %scan3A_31 : i32
      %scan3A_33 = arith.constant 1 : i32
      scf.for %scan3A_35 = %scan3A_30 to %scan3A_32 step %scan3A_33  : i32 {
        %mul3A_36 = arith.constant 16 : i32
        %mul3A_37 = arith.muli %scan3A_35, %mul3A_36 : i32
        %add3A_38 = arith.constant 0 : i32
        %add3A_39 = arith.addi %add3A_38, %mul3A_37 : i32
        %get3A = arith.index_cast %add3A_29 : i32 to index
        %get3A_40 = arith.index_cast %add3A_39 : i32 to index
        %get3A_41 = tpu.vector_load %arg6[%get3A, %get3A_40] {strides = array<i32>} : memref<316x64xi32, #tpu.memory_space<vmem>>, vector<1x16xi32>,
        %get3A_42 = vector.shape_cast %get3A_41 : vector<1x16xi32> to vector<16xi32>
        %add3A_43 = vector.broadcast %mul3A_9 : i32 to vector<16xi32>
        %add3A_44 = arith.addi %get3A_42, %add3A_43 : vector<16xi32>
        %swap3A = arith.index_cast %add3A_29 : i32 to index
        %swap3A_45 = arith.index_cast %add3A_39 : i32 to index
        %swap3A_46 = tpu.vector_load %arg6[%swap3A, %swap3A_45] {strides = array<i32>} : memref<316x64xi32, #tpu.memory_space<vmem>>, vector<1x16xi32>,
        %swap3A_47 = vector.shape_cast %swap3A_46 : vector<1x16xi32> to vector<16xi32>
        %swap3A_48 = vector.shape_cast %add3A_44 : vector<16xi32> to vector<1x16xi32>
        tpu.vector_store %arg6[%swap3A, %swap3A_45], %swap3A_48 {strides = array<i32>} : memref<316x64xi32, #tpu.memory_space<vmem>>, vector<1x16xi32>,
      }
      %scan3A_34 = arith.constant 4 : i32
    }
    %scan3A_14 = arith.constant 316 : i32
    %barrier3A = arith.constant 0 : index
    tpu.barrier barrier_id(%barrier3A)
    %scan3A_15 = arith.constant 0 : i32
    %scan3A_16 = arith.constant 158 : i32
    %scan3A_17 = arith.addi %scan3A_15, %scan3A_16 : i32
    %scan3A_18 = arith.constant 1 : i32
    scf.for %scan3A_26 = %scan3A_15 to %scan3A_17 step %scan3A_18  : i32 {
      %mul3A_27 = arith.constant 2 : i32
      %mul3A_28 = arith.muli %scan3A_26, %mul3A_27 : i32
      %add3A = arith.constant 0 : i32
      %add3A_29 = arith.addi %add3A, %mul3A_28 : i32
      %dma_start3A = arith.constant 0 : i32
      %dma_start3A_30 = tpu.memref_slice %arg6[%add3A_29, %dma_start3A] : memref<316x64xi32, #tpu.memory_space<vmem>> -> memref<1x64xi32, #tpu.memory_space<vmem>>
      %dma_start3A_31 = tpu.memref_squeeze %dma_start3A_30 : memref<1x64xi32, #tpu.memory_space<vmem>> -> memref<64xi32, #tpu.memory_space<vmem>>
      %dma_start3A_32 = arith.constant 0 : i32
      %dma_start3A_33 = arith.constant 0 : i32
      %dma_start3A_34 = tpu.memref_slice %arg2[%dma_start3A_32, %dma_start3A_33] : memref<20480x64xf32, #tpu.memory_space<hbm>> -> memref<20480x64xf32, #tpu.memory_space<hbm>>
      tpu.enqueue_indirect_dma source(%dma_start3A_34 : memref<20480x64xf32, #tpu.memory_space<hbm>>) target(%arg8 : memref<64x64xf32, #tpu.memory_space<vmem>>) offsets(%dma_start3A_31 : memref<64xi32, #tpu.memory_space<vmem>>) semaphore(%arg11 : memref<!tpu.dma_semaphore, #tpu.memory_space<semaphore_mem>>)
      %add3A_35 = arith.constant 1 : i32
      %add3A_36 = arith.addi %add3A_29, %add3A_35 : i32
      %dma_start3A_37 = arith.constant 0 : i32
      %dma_start3A_38 = tpu.memref_slice %arg6[%add3A_36, %dma_start3A_37] : memref<316x64xi32, #tpu.memory_space<vmem>> -> memref<1x64xi32, #tpu.memory_space<vmem>>
      %dma_start3A_39 = tpu.memref_squeeze %dma_start3A_38 : memref<1x64xi32, #tpu.memory_space<vmem>> -> memref<64xi32, #tpu.memory_space<vmem>>
      %dma_start3A_40 = arith.constant 0 : i32
      %dma_start3A_41 = arith.constant 0 : i32
      %dma_start3A_42 = tpu.memref_slice %arg2[%dma_start3A_40, %dma_start3A_41] : memref<20480x64xf32, #tpu.memory_space<hbm>> -> memref<20480x64xf32, #tpu.memory_space<hbm>>
      tpu.enqueue_indirect_dma source(%dma_start3A_42 : memref<20480x64xf32, #tpu.memory_space<hbm>>) target(%arg9 : memref<64x64xf32, #tpu.memory_space<vmem>>) offsets(%dma_start3A_39 : memref<64xi32, #tpu.memory_space<vmem>>) semaphore(%arg12 : memref<!tpu.dma_semaphore, #tpu.memory_space<semaphore_mem>>)
      %dma_wait3A = arith.constant 0 : i32
      %dma_wait3A_43 = tpu.memref_slice %arg6[%add3A_29, %dma_wait3A] : memref<316x64xi32, #tpu.memory_space<vmem>> -> memref<1x64xi32, #tpu.memory_space<vmem>>
      %dma_wait3A_44 = tpu.memref_squeeze %dma_wait3A_43 : memref<1x64xi32, #tpu.memory_space<vmem>> -> memref<64xi32, #tpu.memory_space<vmem>>
      %dma_wait3A_45 = arith.constant 0 : i32
      %dma_wait3A_46 = arith.constant 0 : i32
      %dma_wait3A_47 = tpu.memref_slice %arg2[%dma_wait3A_45, %dma_wait3A_46] : memref<20480x64xf32, #tpu.memory_space<hbm>> -> memref<20480x64xf32, #tpu.memory_space<hbm>>
      tpu.wait_indirect_dma semaphore(%arg11 : memref<!tpu.dma_semaphore, #tpu.memory_space<semaphore_mem>>) src(%dma_wait3A_47 : memref<20480x64xf32, #tpu.memory_space<hbm>>) dst(%arg8 : memref<64x64xf32, #tpu.memory_space<vmem>>)
      "tpu.region"() ({
        %run_scoped3A = tpu.sem_alloc : memref<!tpu.dma_semaphore, #tpu.memory_space<semaphore_mem>>
        %dma_start3A_56 = arith.constant 0 : i32
        %dma_start3A_57 = tpu.memref_slice %arg7[%add3A_29, %dma_start3A_56] : memref<316x64xi32, #tpu.memory_space<vmem>> -> memref<1x64xi32, #tpu.memory_space<vmem>>
        %dma_start3A_58 = tpu.memref_squeeze %dma_start3A_57 : memref<1x64xi32, #tpu.memory_space<vmem>> -> memref<64xi32, #tpu.memory_space<vmem>>
        %dma_start3A_59 = arith.constant 0 : i32
        %dma_start3A_60 = arith.constant 0 : i32
        %dma_start3A_61 = tpu.memref_slice %arg10[%dma_start3A_59, %dma_start3A_60] : memref<10240x64xf32, #tpu.memory_space<vmem_shared>> -> memref<10240x64xf32, #tpu.memory_space<vmem_shared>>
        tpu.enqueue_indirect_dma source(%arg8 : memref<64x64xf32, #tpu.memory_space<vmem>>) target(%dma_start3A_61 : memref<10240x64xf32, #tpu.memory_space<vmem_shared>>) offsets(%dma_start3A_58 : memref<64xi32, #tpu.memory_space<vmem>>) semaphore(%run_scoped3A : memref<!tpu.dma_semaphore, #tpu.memory_space<semaphore_mem>>) {add = true}
        %dma_wait3A_62 = arith.constant 0 : i32
        %dma_wait3A_63 = tpu.memref_slice %arg7[%add3A_29, %dma_wait3A_62] : memref<316x64xi32, #tpu.memory_space<vmem>> -> memref<1x64xi32, #tpu.memory_space<vmem>>
        %dma_wait3A_64 = tpu.memref_squeeze %dma_wait3A_63 : memref<1x64xi32, #tpu.memory_space<vmem>> -> memref<64xi32, #tpu.memory_space<vmem>>
        %dma_wait3A_65 = arith.constant 0 : i32
        %dma_wait3A_66 = arith.constant 0 : i32
        %dma_wait3A_67 = tpu.memref_slice %arg10[%dma_wait3A_65, %dma_wait3A_66] : memref<10240x64xf32, #tpu.memory_space<vmem_shared>> -> memref<10240x64xf32, #tpu.memory_space<vmem_shared>>
        tpu.wait_indirect_dma semaphore(%run_scoped3A : memref<!tpu.dma_semaphore, #tpu.memory_space<semaphore_mem>>) src(%arg8 : memref<64x64xf32, #tpu.memory_space<vmem>>) dst(%dma_wait3A_67 : memref<10240x64xf32, #tpu.memory_space<vmem_shared>>)
        tpu.yield
      }) : () -> ()
      %dma_wait3A_48 = arith.constant 0 : i32
      %dma_wait3A_49 = tpu.memref_slice %arg6[%add3A_36, %dma_wait3A_48] : memref<316x64xi32, #tpu.memory_space<vmem>> -> memref<1x64xi32, #tpu.memory_space<vmem>>
      %dma_wait3A_50 = tpu.memref_squeeze %dma_wait3A_49 : memref<1x64xi32, #tpu.memory_space<vmem>> -> memref<64xi32, #tpu.memory_space<vmem>>
      %dma_wait3A_51 = arith.constant 0 : i32
      %dma_wait3A_52 = arith.constant 0 : i32
      %dma_wait3A_53 = tpu.memref_slice %arg2[%dma_wait3A_51, %dma_wait3A_52] : memref<20480x64xf32, #tpu.memory_space<hbm>> -> memref<20480x64xf32, #tpu.memory_space<hbm>>
      tpu.wait_indirect_dma semaphore(%arg12 : memref<!tpu.dma_semaphore, #tpu.memory_space<semaphore_mem>>) src(%dma_wait3A_53 : memref<20480x64xf32, #tpu.memory_space<hbm>>) dst(%arg9 : memref<64x64xf32, #tpu.memory_space<vmem>>)
      %add3A_54 = arith.constant 1 : i32
      %add3A_55 = arith.addi %add3A_29, %add3A_54 : i32
      "tpu.region"() ({
        %run_scoped3A = tpu.sem_alloc : memref<!tpu.dma_semaphore, #tpu.memory_space<semaphore_mem>>
        %dma_start3A_56 = arith.constant 0 : i32
        %dma_start3A_57 = tpu.memref_slice %arg7[%add3A_55, %dma_start3A_56] : memref<316x64xi32, #tpu.memory_space<vmem>> -> memref<1x64xi32, #tpu.memory_space<vmem>>
        %dma_start3A_58 = tpu.memref_squeeze %dma_start3A_57 : memref<1x64xi32, #tpu.memory_space<vmem>> -> memref<64xi32, #tpu.memory_space<vmem>>
        %dma_start3A_59 = arith.constant 0 : i32
        %dma_start3A_60 = arith.constant 0 : i32
        %dma_start3A_61 = tpu.memref_slice %arg10[%dma_start3A_59, %dma_start3A_60] : memref<10240x64xf32, #tpu.memory_space<vmem_shared>> -> memref<10240x64xf32, #tpu.memory_space<vmem_shared>>
        tpu.enqueue_indirect_dma source(%arg9 : memref<64x64xf32, #tpu.memory_space<vmem>>) target(%dma_start3A_61 : memref<10240x64xf32, #tpu.memory_space<vmem_shared>>) offsets(%dma_start3A_58 : memref<64xi32, #tpu.memory_space<vmem>>) semaphore(%run_scoped3A : memref<!tpu.dma_semaphore, #tpu.memory_space<semaphore_mem>>) {add = true}
        %dma_wait3A_62 = arith.constant 0 : i32
        %dma_wait3A_63 = tpu.memref_slice %arg7[%add3A_55, %dma_wait3A_62] : memref<316x64xi32, #tpu.memory_space<vmem>> -> memref<1x64xi32, #tpu.memory_space<vmem>>
        %dma_wait3A_64 = tpu.memref_squeeze %dma_wait3A_63 : memref<1x64xi32, #tpu.memory_space<vmem>> -> memref<64xi32, #tpu.memory_space<vmem>>
        %dma_wait3A_65 = arith.constant 0 : i32
        %dma_wait3A_66 = arith.constant 0 : i32
        %dma_wait3A_67 = tpu.memref_slice %arg10[%dma_wait3A_65, %dma_wait3A_66] : memref<10240x64xf32, #tpu.memory_space<vmem_shared>> -> memref<10240x64xf32, #tpu.memory_space<vmem_shared>>
        tpu.wait_indirect_dma semaphore(%run_scoped3A : memref<!tpu.dma_semaphore, #tpu.memory_space<semaphore_mem>>) src(%arg9 : memref<64x64xf32, #tpu.memory_space<vmem>>) dst(%dma_wait3A_67 : memref<10240x64xf32, #tpu.memory_space<vmem_shared>>)
        tpu.yield
      }) : () -> ()
    }
    %scan3A_19 = arith.constant 158 : i32
    %barrier3A_20 = arith.constant 0 : index
    tpu.barrier barrier_id(%barrier3A_20)
    %scan3A_21 = arith.constant 0 : i32
    %scan3A_22 = arith.constant 10 : i32
    %scan3A_23 = arith.addi %scan3A_21, %scan3A_22 : i32
    %scan3A_24 = arith.constant 1 : i32
    scf.for %scan3A_26 = %scan3A_21 to %scan3A_23 step %scan3A_24  : i32 {
      %mul3A_27 = arith.constant 64 : i32
      %mul3A_28 = arith.muli %scan3A_26, %mul3A_27 : i32
      %add3A = arith.constant 0 : i32
      %add3A_29 = arith.addi %add3A, %mul3A_28 : i32
      %mul3A_30 = arith.constant 640 : i32
      %mul3A_31 = arith.muli %arg1, %mul3A_30 : i32
      %add3A_32 = arith.addi %mul3A_31, %add3A_29 : i32
      "tpu.region"() ({
        %run_scoped3A = tpu.sem_alloc : memref<!tpu.dma_semaphore, #tpu.memory_space<semaphore_mem>>
        %dma_start3A = arith.constant 0 : i32
        %dma_start3A_33 = tpu.memref_slice %arg10[%add3A_32, %dma_start3A] : memref<10240x64xf32, #tpu.memory_space<vmem_shared>> -> memref<64x64xf32, #tpu.memory_space<vmem_shared>>
        %dma_start3A_34 = arith.constant 0 : i32
        %dma_start3A_35 = tpu.memref_slice %arg10[%add3A_32, %dma_start3A_34] : memref<10240x64xf32, #tpu.memory_space<vmem_shared>> -> memref<64x64xf32, #tpu.memory_space<vmem_shared>>
        tpu.enqueue_dma source(%dma_start3A_35 : memref<64x64xf32, #tpu.memory_space<vmem_shared>>) target(%arg8 : memref<64x64xf32, #tpu.memory_space<vmem>>) target_semaphore(%run_scoped3A : memref<!tpu.dma_semaphore, #tpu.memory_space<semaphore_mem>>)
        %dma_wait3A = arith.constant 0 : i32
        %dma_wait3A_36 = tpu.memref_slice %arg10[%add3A_32, %dma_wait3A] : memref<10240x64xf32, #tpu.memory_space<vmem_shared>> -> memref<64x64xf32, #tpu.memory_space<vmem_shared>>
        %dma_wait3A_37 = arith.constant 0 : i32
        %dma_wait3A_38 = tpu.memref_slice %arg10[%add3A_32, %dma_wait3A_37] : memref<10240x64xf32, #tpu.memory_space<vmem_shared>> -> memref<64x64xf32, #tpu.memory_space<vmem_shared>>
        tpu.wait_dma2 semaphore(%run_scoped3A : memref<!tpu.dma_semaphore, #tpu.memory_space<semaphore_mem>>) src(%dma_wait3A_38 : memref<64x64xf32, #tpu.memory_space<vmem_shared>>) dst(%arg8 : memref<64x64xf32, #tpu.memory_space<vmem>>)
        tpu.yield
      }) : () -> ()
      "tpu.region"() ({
        %run_scoped3A = tpu.sem_alloc : memref<!tpu.dma_semaphore, #tpu.memory_space<semaphore_mem>>
        %dma_start3A = arith.constant 0 : i32
        %dma_start3A_33 = tpu.memref_slice %arg5[%arg0, %add3A_32, %dma_start3A] : memref<2x10240x64xf32, #tpu.memory_space<hbm>> -> memref<1x64x64xf32, #tpu.memory_space<hbm>>
        %dma_start3A_34 = tpu.memref_squeeze %dma_start3A_33 : memref<1x64x64xf32, #tpu.memory_space<hbm>> -> memref<64x64xf32, #tpu.memory_space<hbm>>
        %dma_start3A_35 = arith.constant 0 : i32
        %dma_start3A_36 = tpu.memref_slice %arg5[%arg0, %add3A_32, %dma_start3A_35] : memref<2x10240x64xf32, #tpu.memory_space<hbm>> -> memref<1x64x64xf32, #tpu.memory_space<hbm>>
        %dma_start3A_37 = tpu.memref_squeeze %dma_start3A_36 : memref<1x64x64xf32, #tpu.memory_space<hbm>> -> memref<64x64xf32, #tpu.memory_space<hbm>>
        tpu.enqueue_dma source(%arg8 : memref<64x64xf32, #tpu.memory_space<vmem>>) target(%dma_start3A_37 : memref<64x64xf32, #tpu.memory_space<hbm>>) target_semaphore(%run_scoped3A : memref<!tpu.dma_semaphore, #tpu.memory_space<semaphore_mem>>)
        %dma_wait3A = arith.constant 0 : i32
        %dma_wait3A_38 = tpu.memref_slice %arg5[%arg0, %add3A_32, %dma_wait3A] : memref<2x10240x64xf32, #tpu.memory_space<hbm>> -> memref<1x64x64xf32, #tpu.memory_space<hbm>>
        %dma_wait3A_39 = tpu.memref_squeeze %dma_wait3A_38 : memref<1x64x64xf32, #tpu.memory_space<hbm>> -> memref<64x64xf32, #tpu.memory_space<hbm>>
        %dma_wait3A_40 = arith.constant 0 : i32
        %dma_wait3A_41 = tpu.memref_slice %arg5[%arg0, %add3A_32, %dma_wait3A_40] : memref<2x10240x64xf32, #tpu.memory_space<hbm>> -> memref<1x64x64xf32, #tpu.memory_space<hbm>>
        %dma_wait3A_42 = tpu.memref_squeeze %dma_wait3A_41 : memref<1x64x64xf32, #tpu.memory_space<hbm>> -> memref<64x64xf32, #tpu.memory_space<hbm>>
        tpu.wait_dma2 semaphore(%run_scoped3A : memref<!tpu.dma_semaphore, #tpu.memory_space<semaphore_mem>>) src(%arg8 : memref<64x64xf32, #tpu.memory_space<vmem>>) dst(%dma_wait3A_42 : memref<64x64xf32, #tpu.memory_space<hbm>>)
        tpu.yield
      }) : () -> ()
    }
    %scan3A_25 = arith.constant 10 : i32
    return
  }
}

module attributes {stable_mosaic.version = 14 : i64} {
  func.func @_pre_body(%arg0: i32, %arg1: memref<512x128xf32, #tpu.memory_space<vmem>>, %arg2: memref<128x128xf32, #tpu.memory_space<vmem>>, %arg3: memref<512x2xf32, #tpu.memory_space<vmem>>, %arg4: memref<2x512x64xf32, #tpu.memory_space<vmem>>, %arg5: memref<512x1xf32, #tpu.memory_space<vmem>>) attributes {dimension_semantics = [#tpu.dimension_semantics<arbitrary>], iteration_bounds = array<i64: 20>, scalar_prefetch = 0 : i64, scratch_operands = 0 : i64, tpu.core_type = #tpu.core_type<tc>, window_params = [{transform_indices = @transform_0, window_bounds = array<i64: 512, 128>}, {pipeline_mode = #tpu.pipeline_mode<synchronous>, transform_indices = @transform_1, window_bounds = array<i64: 128, 128>}, {transform_indices = @transform_2, window_bounds = array<i64: 512, 2>}, {transform_indices = @transform_3, window_bounds = array<i64: 2, 512, 64>}, {transform_indices = @transform_4, window_bounds = array<i64: 512, 1>}]} {
    %get3A = arith.constant 0 : index
    %get3A_0 = arith.constant 0 : index
    %get3A_1 = vector.load %arg3[%get3A, %get3A_0] : memref<512x2xf32, #tpu.memory_space<vmem>>, vector<512x1xf32>
    %add3A = arith.constant 1.000000e+00 : f32
    %add3A_2 = vector.broadcast %add3A : f32 to vector<512x1xf32>
    %add3A_3 = arith.addf %get3A_1, %add3A_2 : vector<512x1xf32>
    %rsqrt3A = math.rsqrt %add3A_3 : vector<512x1xf32>
    %get3A_4 = arith.constant 0 : index
    %get3A_5 = arith.constant 0 : index
    %get3A_6 = vector.load %arg1[%get3A_4, %get3A_5] : memref<512x128xf32, #tpu.memory_space<vmem>>, vector<512x128xf32>
    %get3A_7 = arith.constant 0 : index
    %get3A_8 = arith.constant 0 : index
    %get3A_9 = vector.load %arg2[%get3A_7, %get3A_8] : memref<128x128xf32, #tpu.memory_space<vmem>>, vector<128x128xf32>
    %dot_general3A = arith.constant dense<0.000000e+00> : vector<512x128xf32>
    %dot_general3A_10 = tpu.matmul %get3A_6, %get3A_9, %dot_general3A {dimension_numbers = #tpu.dot_dimension_numbers<[1], [0], [0], [1], [0, 0, 1, 1], [], []>, transpose_lhs_hint = false} : vector<512x128xf32>, vector<128x128xf32>, vector<512x128xf32> -> vector<512x128xf32>
    %mul3A = vector.broadcast %rsqrt3A : vector<512x1xf32> to vector<512x128xf32>
    %mul3A_11 = arith.mulf %dot_general3A_10, %mul3A : vector<512x128xf32>
    %slice3A = vector.extract_strided_slice %mul3A_11 {offsets = [0, 0], sizes = [512, 64], strides = [1, 1]} : vector<512x128xf32> to vector<512x64xf32>
    %swap3A = arith.constant 0 : index
    %swap3A_12 = arith.constant 0 : index
    %swap3A_13 = arith.constant 0 : index
    %swap3A_14 = vector.load %arg4[%swap3A, %swap3A_12, %swap3A_13] : memref<2x512x64xf32, #tpu.memory_space<vmem>>, vector<1x512x64xf32>
    %swap3A_15 = vector.shape_cast %swap3A_14 : vector<1x512x64xf32> to vector<512x64xf32>
    %swap3A_16 = vector.shape_cast %slice3A : vector<512x64xf32> to vector<1x512x64xf32>
    tpu.vector_store %arg4[%swap3A, %swap3A_12, %swap3A_13], %swap3A_16 {strides = array<i32>} : memref<2x512x64xf32, #tpu.memory_space<vmem>>, vector<1x512x64xf32>,
    %slice3A_17 = vector.extract_strided_slice %mul3A_11 {offsets = [0, 64], sizes = [512, 64], strides = [1, 1]} : vector<512x128xf32> to vector<512x64xf32>
    %swap3A_18 = arith.constant 1 : index
    %swap3A_19 = arith.constant 0 : index
    %swap3A_20 = arith.constant 0 : index
    %swap3A_21 = vector.load %arg4[%swap3A_18, %swap3A_19, %swap3A_20] : memref<2x512x64xf32, #tpu.memory_space<vmem>>, vector<1x512x64xf32>
    %swap3A_22 = vector.shape_cast %swap3A_21 : vector<1x512x64xf32> to vector<512x64xf32>
    %swap3A_23 = vector.shape_cast %slice3A_17 : vector<512x64xf32> to vector<1x512x64xf32>
    tpu.vector_store %arg4[%swap3A_18, %swap3A_19, %swap3A_20], %swap3A_23 {strides = array<i32>} : memref<2x512x64xf32, #tpu.memory_space<vmem>>, vector<1x512x64xf32>,
    %swap3A_24 = arith.constant 0 : index
    %swap3A_25 = arith.constant 0 : index
    %swap3A_26 = vector.load %arg5[%swap3A_24, %swap3A_25] : memref<512x1xf32, #tpu.memory_space<vmem>>, vector<512x1xf32>
    tpu.vector_store %arg5[%swap3A_24, %swap3A_25], %rsqrt3A {strides = array<i32>} : memref<512x1xf32, #tpu.memory_space<vmem>>, vector<512x1xf32>,
    return
  }
  func.func @transform_0(%arg0: i32) -> (i32, i32) {
    %c0_i32 = arith.constant 0 : i32
    %c0_i32_0 = arith.constant 0 : i32
    return %arg0, %c0_i32 : i32, i32
  }
  func.func @transform_1(%arg0: i32) -> (i32, i32) {
    %c0_i32 = arith.constant 0 : i32
    %c0_i32_0 = arith.constant 0 : i32
    %c0_i32_1 = arith.constant 0 : i32
    return %c0_i32, %c0_i32_0 : i32, i32
  }
  func.func @transform_2(%arg0: i32) -> (i32, i32) {
    %c0_i32 = arith.constant 0 : i32
    %c0_i32_0 = arith.constant 0 : i32
    return %arg0, %c0_i32 : i32, i32
  }
  func.func @transform_3(%arg0: i32) -> (i32, i32, i32) {
    %c0_i32 = arith.constant 0 : i32
    %c0_i32_0 = arith.constant 0 : i32
    %c0_i32_1 = arith.constant 0 : i32
    return %c0_i32, %arg0, %c0_i32_0 : i32, i32, i32
  }
  func.func @transform_4(%arg0: i32) -> (i32, i32) {
    %c0_i32 = arith.constant 0 : i32
    %c0_i32_0 = arith.constant 0 : i32
    return %arg0, %c0_i32 : i32, i32
  }
}

module attributes {stable_mosaic.version = 14 : i64} {
  func.func @_mid_body(%arg0: i32, %arg1: memref<2x512x64xf32, #tpu.memory_space<vmem>>, %arg2: memref<2x512x64xf32, #tpu.memory_space<vmem>>, %arg3: memref<512x1xf32, #tpu.memory_space<vmem>>, %arg4: memref<1x128xf32, #tpu.memory_space<vmem>>, %arg5: memref<128x128xf32, #tpu.memory_space<vmem>>, %arg6: memref<2x512x64xf32, #tpu.memory_space<vmem>>) attributes {dimension_semantics = [#tpu.dimension_semantics<arbitrary>], iteration_bounds = array<i64: 20>, scalar_prefetch = 0 : i64, scratch_operands = 0 : i64, tpu.core_type = #tpu.core_type<tc>, window_params = [{transform_indices = @transform_0, window_bounds = array<i64: 2, 512, 64>}, {transform_indices = @transform_1, window_bounds = array<i64: 2, 512, 64>}, {transform_indices = @transform_2, window_bounds = array<i64: 512, 1>}, {pipeline_mode = #tpu.pipeline_mode<synchronous>, transform_indices = @transform_3, window_bounds = array<i64: 1, 128>}, {pipeline_mode = #tpu.pipeline_mode<synchronous>, transform_indices = @transform_4, window_bounds = array<i64: 128, 128>}, {transform_indices = @transform_5, window_bounds = array<i64: 2, 512, 64>}]} {
    %get3A = arith.constant 0 : index
    %get3A_0 = arith.constant 0 : index
    %get3A_1 = vector.load %arg3[%get3A, %get3A_0] : memref<512x1xf32, #tpu.memory_space<vmem>>, vector<512x1xf32>
    %get3A_2 = arith.constant 0 : index
    %get3A_3 = arith.constant 0 : index
    %get3A_4 = arith.constant 0 : index
    %get3A_5 = vector.load %arg1[%get3A_2, %get3A_3, %get3A_4] : memref<2x512x64xf32, #tpu.memory_space<vmem>>, vector<1x512x64xf32>
    %get3A_6 = vector.shape_cast %get3A_5 : vector<1x512x64xf32> to vector<512x64xf32>
    %get3A_7 = arith.constant 0 : index
    %get3A_8 = arith.constant 0 : index
    %get3A_9 = arith.constant 0 : index
    %get3A_10 = vector.load %arg2[%get3A_7, %get3A_8, %get3A_9] : memref<2x512x64xf32, #tpu.memory_space<vmem>>, vector<1x512x64xf32>
    %get3A_11 = vector.shape_cast %get3A_10 : vector<1x512x64xf32> to vector<512x64xf32>
    %add3A = arith.addf %get3A_6, %get3A_11 : vector<512x64xf32>
    %get3A_12 = arith.constant 1 : index
    %get3A_13 = arith.constant 0 : index
    %get3A_14 = arith.constant 0 : index
    %get3A_15 = vector.load %arg1[%get3A_12, %get3A_13, %get3A_14] : memref<2x512x64xf32, #tpu.memory_space<vmem>>, vector<1x512x64xf32>
    %get3A_16 = vector.shape_cast %get3A_15 : vector<1x512x64xf32> to vector<512x64xf32>
    %get3A_17 = arith.constant 1 : index
    %get3A_18 = arith.constant 0 : index
    %get3A_19 = arith.constant 0 : index
    %get3A_20 = vector.load %arg2[%get3A_17, %get3A_18, %get3A_19] : memref<2x512x64xf32, #tpu.memory_space<vmem>>, vector<1x512x64xf32>
    %get3A_21 = vector.shape_cast %get3A_20 : vector<1x512x64xf32> to vector<512x64xf32>
    %add3A_22 = arith.addf %get3A_16, %get3A_21 : vector<512x64xf32>
    %concatenate3A = tpu.concatenate %add3A, %add3A_22 in 1 : vector<512x64xf32>, vector<512x64xf32> -> vector<512x128xf32>
    %mul3A = vector.broadcast %get3A_1 : vector<512x1xf32> to vector<512x128xf32>
    %mul3A_23 = arith.mulf %concatenate3A, %mul3A : vector<512x128xf32>
    %get3A_24 = arith.constant 0 : index
    %get3A_25 = arith.constant 0 : index
    %get3A_26 = vector.load %arg4[%get3A_24, %get3A_25] : memref<1x128xf32, #tpu.memory_space<vmem>>, vector<1x128xf32>
    %add3A_27 = vector.broadcast %get3A_26 : vector<1x128xf32> to vector<512x128xf32>
    %add3A_28 = arith.addf %mul3A_23, %add3A_27 : vector<512x128xf32>
    %max3A = arith.constant 0.000000e+00 : f32
    %max3A_29 = vector.broadcast %max3A : f32 to vector<512x128xf32>
    %max3A_30 = arith.maximumf %add3A_28, %max3A_29 : vector<512x128xf32>
    %get3A_31 = arith.constant 0 : index
    %get3A_32 = arith.constant 0 : index
    %get3A_33 = vector.load %arg5[%get3A_31, %get3A_32] : memref<128x128xf32, #tpu.memory_space<vmem>>, vector<128x128xf32>
    %dot_general3A = arith.constant dense<0.000000e+00> : vector<512x128xf32>
    %dot_general3A_34 = tpu.matmul %max3A_30, %get3A_33, %dot_general3A {dimension_numbers = #tpu.dot_dimension_numbers<[1], [0], [0], [1], [0, 0, 1, 1], [], []>, transpose_lhs_hint = false} : vector<512x128xf32>, vector<128x128xf32>, vector<512x128xf32> -> vector<512x128xf32>
    %mul3A_35 = vector.broadcast %get3A_1 : vector<512x1xf32> to vector<512x128xf32>
    %mul3A_36 = arith.mulf %dot_general3A_34, %mul3A_35 : vector<512x128xf32>
    %slice3A = vector.extract_strided_slice %mul3A_36 {offsets = [0, 0], sizes = [512, 64], strides = [1, 1]} : vector<512x128xf32> to vector<512x64xf32>
    %swap3A = arith.constant 0 : index
    %swap3A_37 = arith.constant 0 : index
    %swap3A_38 = arith.constant 0 : index
    %swap3A_39 = vector.load %arg6[%swap3A, %swap3A_37, %swap3A_38] : memref<2x512x64xf32, #tpu.memory_space<vmem>>, vector<1x512x64xf32>
    %swap3A_40 = vector.shape_cast %swap3A_39 : vector<1x512x64xf32> to vector<512x64xf32>
    %swap3A_41 = vector.shape_cast %slice3A : vector<512x64xf32> to vector<1x512x64xf32>
    tpu.vector_store %arg6[%swap3A, %swap3A_37, %swap3A_38], %swap3A_41 {strides = array<i32>} : memref<2x512x64xf32, #tpu.memory_space<vmem>>, vector<1x512x64xf32>,
    %slice3A_42 = vector.extract_strided_slice %mul3A_36 {offsets = [0, 64], sizes = [512, 64], strides = [1, 1]} : vector<512x128xf32> to vector<512x64xf32>
    %swap3A_43 = arith.constant 1 : index
    %swap3A_44 = arith.constant 0 : index
    %swap3A_45 = arith.constant 0 : index
    %swap3A_46 = vector.load %arg6[%swap3A_43, %swap3A_44, %swap3A_45] : memref<2x512x64xf32, #tpu.memory_space<vmem>>, vector<1x512x64xf32>
    %swap3A_47 = vector.shape_cast %swap3A_46 : vector<1x512x64xf32> to vector<512x64xf32>
    %swap3A_48 = vector.shape_cast %slice3A_42 : vector<512x64xf32> to vector<1x512x64xf32>
    tpu.vector_store %arg6[%swap3A_43, %swap3A_44, %swap3A_45], %swap3A_48 {strides = array<i32>} : memref<2x512x64xf32, #tpu.memory_space<vmem>>, vector<1x512x64xf32>,
    return
  }
  func.func @transform_0(%arg0: i32) -> (i32, i32, i32) {
    %c0_i32 = arith.constant 0 : i32
    %c0_i32_0 = arith.constant 0 : i32
    %c0_i32_1 = arith.constant 0 : i32
    return %c0_i32, %arg0, %c0_i32_0 : i32, i32, i32
  }
  func.func @transform_1(%arg0: i32) -> (i32, i32, i32) {
    %c0_i32 = arith.constant 0 : i32
    %c0_i32_0 = arith.constant 0 : i32
    %c0_i32_1 = arith.constant 0 : i32
    return %c0_i32, %arg0, %c0_i32_0 : i32, i32, i32
  }
  func.func @transform_2(%arg0: i32) -> (i32, i32) {
    %c0_i32 = arith.constant 0 : i32
    %c0_i32_0 = arith.constant 0 : i32
    return %arg0, %c0_i32 : i32, i32
  }
  func.func @transform_3(%arg0: i32) -> (i32, i32) {
    %c0_i32 = arith.constant 0 : i32
    %c0_i32_0 = arith.constant 0 : i32
    %c0_i32_1 = arith.constant 0 : i32
    return %c0_i32, %c0_i32_0 : i32, i32
  }
  func.func @transform_4(%arg0: i32) -> (i32, i32) {
    %c0_i32 = arith.constant 0 : i32
    %c0_i32_0 = arith.constant 0 : i32
    %c0_i32_1 = arith.constant 0 : i32
    return %c0_i32, %c0_i32_0 : i32, i32
  }
  func.func @transform_5(%arg0: i32) -> (i32, i32, i32) {
    %c0_i32 = arith.constant 0 : i32
    %c0_i32_0 = arith.constant 0 : i32
    %c0_i32_1 = arith.constant 0 : i32
    return %c0_i32, %arg0, %c0_i32_0 : i32, i32, i32
  }
}

module attributes {stable_mosaic.version = 14 : i64} {
  func.func @_post_body(%arg0: i32, %arg1: memref<2x512x64xf32, #tpu.memory_space<vmem>>, %arg2: memref<2x512x64xf32, #tpu.memory_space<vmem>>, %arg3: memref<512x1xf32, #tpu.memory_space<vmem>>, %arg4: memref<1x128xf32, #tpu.memory_space<vmem>>, %arg5: memref<512x1xi32, #tpu.memory_space<vmem>>, %arg6: memref<128x64xf32, #tpu.memory_space<vmem>>, %arg7: memref<1x64xf32, #tpu.memory_space<vmem>>, %arg8: memref<64x32xf32, #tpu.memory_space<vmem>>, %arg9: memref<1x32xf32, #tpu.memory_space<vmem>>, %arg10: memref<32x16xf32, #tpu.memory_space<vmem>>, %arg11: memref<1x16xf32, #tpu.memory_space<vmem>>, %arg12: memref<64x16xf32, #tpu.memory_space<vmem>>, %arg13: memref<64x128xf32, #tpu.memory_space<vmem>>, %arg14: memref<1x64xf32, #tpu.memory_space<vmem>>) attributes {dimension_semantics = [#tpu.dimension_semantics<arbitrary>], iteration_bounds = array<i64: 20>, scalar_prefetch = 0 : i64, scratch_operands = 2 : i64, tpu.core_type = #tpu.core_type<tc>, window_params = [{transform_indices = @transform_0, window_bounds = array<i64: 2, 512, 64>}, {transform_indices = @transform_1, window_bounds = array<i64: 2, 512, 64>}, {transform_indices = @transform_2, window_bounds = array<i64: 512, 1>}, {pipeline_mode = #tpu.pipeline_mode<synchronous>, transform_indices = @transform_3, window_bounds = array<i64: 1, 128>}, {transform_indices = @transform_4, window_bounds = array<i64: 512, 1>}, {pipeline_mode = #tpu.pipeline_mode<synchronous>, transform_indices = @transform_5, window_bounds = array<i64: 128, 64>}, {pipeline_mode = #tpu.pipeline_mode<synchronous>, transform_indices = @transform_6, window_bounds = array<i64: 1, 64>}, {pipeline_mode = #tpu.pipeline_mode<synchronous>, transform_indices = @transform_7, window_bounds = array<i64: 64, 32>}, {pipeline_mode = #tpu.pipeline_mode<synchronous>, transform_indices = @transform_8, window_bounds = array<i64: 1, 32>}, {pipeline_mode = #tpu.pipeline_mode<synchronous>, transform_indices = @transform_9, window_bounds = array<i64: 32, 16>}, {pipeline_mode = #tpu.pipeline_mode<synchronous>, transform_indices = @transform_10, window_bounds = array<i64: 1, 16>}, {pipeline_mode = #tpu.pipeline_mode<synchronous>, transform_indices = @transform_11, window_bounds = array<i64: 64, 16>}]} {
    %get3A = arith.constant 0 : index
    %get3A_0 = arith.constant 0 : index
    %get3A_1 = arith.constant 0 : index
    %get3A_2 = vector.load %arg1[%get3A, %get3A_0, %get3A_1] : memref<2x512x64xf32, #tpu.memory_space<vmem>>, vector<1x512x64xf32>
    %get3A_3 = vector.shape_cast %get3A_2 : vector<1x512x64xf32> to vector<512x64xf32>
    %get3A_4 = arith.constant 0 : index
    %get3A_5 = arith.constant 0 : index
    %get3A_6 = arith.constant 0 : index
    %get3A_7 = vector.load %arg2[%get3A_4, %get3A_5, %get3A_6] : memref<2x512x64xf32, #tpu.memory_space<vmem>>, vector<1x512x64xf32>
    %get3A_8 = vector.shape_cast %get3A_7 : vector<1x512x64xf32> to vector<512x64xf32>
    %add3A = arith.addf %get3A_3, %get3A_8 : vector<512x64xf32>
    %get3A_9 = arith.constant 1 : index
    %get3A_10 = arith.constant 0 : index
    %get3A_11 = arith.constant 0 : index
    %get3A_12 = vector.load %arg1[%get3A_9, %get3A_10, %get3A_11] : memref<2x512x64xf32, #tpu.memory_space<vmem>>, vector<1x512x64xf32>
    %get3A_13 = vector.shape_cast %get3A_12 : vector<1x512x64xf32> to vector<512x64xf32>
    %get3A_14 = arith.constant 1 : index
    %get3A_15 = arith.constant 0 : index
    %get3A_16 = arith.constant 0 : index
    %get3A_17 = vector.load %arg2[%get3A_14, %get3A_15, %get3A_16] : memref<2x512x64xf32, #tpu.memory_space<vmem>>, vector<1x512x64xf32>
    %get3A_18 = vector.shape_cast %get3A_17 : vector<1x512x64xf32> to vector<512x64xf32>
    %add3A_19 = arith.addf %get3A_13, %get3A_18 : vector<512x64xf32>
    %concatenate3A = tpu.concatenate %add3A, %add3A_19 in 1 : vector<512x64xf32>, vector<512x64xf32> -> vector<512x128xf32>
    %get3A_20 = arith.constant 0 : index
    %get3A_21 = arith.constant 0 : index
    %get3A_22 = vector.load %arg3[%get3A_20, %get3A_21] : memref<512x1xf32, #tpu.memory_space<vmem>>, vector<512x1xf32>
    %mul3A = vector.broadcast %get3A_22 : vector<512x1xf32> to vector<512x128xf32>
    %mul3A_23 = arith.mulf %concatenate3A, %mul3A : vector<512x128xf32>
    %get3A_24 = arith.constant 0 : index
    %get3A_25 = arith.constant 0 : index
    %get3A_26 = vector.load %arg4[%get3A_24, %get3A_25] : memref<1x128xf32, #tpu.memory_space<vmem>>, vector<1x128xf32>
    %add3A_27 = vector.broadcast %get3A_26 : vector<1x128xf32> to vector<512x128xf32>
    %add3A_28 = arith.addf %mul3A_23, %add3A_27 : vector<512x128xf32>
    %max3A = arith.constant 0.000000e+00 : f32
    %max3A_29 = vector.broadcast %max3A : f32 to vector<512x128xf32>
    %max3A_30 = arith.maximumf %add3A_28, %max3A_29 : vector<512x128xf32>
    %get3A_31 = arith.constant 0 : index
    %get3A_32 = arith.constant 0 : index
    %get3A_33 = vector.load %arg5[%get3A_31, %get3A_32] : memref<512x1xi32, #tpu.memory_space<vmem>>, vector<512x1xi32>
    %iota3A = tpu.iota {dimensions = array<i32: 1>} : vector<512x64xi32>
    %eq3A = vector.broadcast %get3A_33 : vector<512x1xi32> to vector<512x64xi32>
    %eq3A_34 = arith.cmpi eq, %eq3A, %iota3A : vector<512x64xi32>
    %convert_element_type3A = arith.extui %eq3A_34 : vector<512x64xi1> to vector<512x64xi32>
    %convert_element_type3A_35 = arith.sitofp %convert_element_type3A : vector<512x64xi32> to vector<512x64xf32>
    %dot_general3A = arith.constant dense<0.000000e+00> : vector<64x128xf32>
    %dot_general3A_36 = tpu.matmul %convert_element_type3A_35, %max3A_30, %dot_general3A {dimension_numbers = #tpu.dot_dimension_numbers<[0], [0], [1], [1], [0, 1, 1, 1], [], []>, transpose_lhs_hint = false} : vector<512x64xf32>, vector<512x128xf32>, vector<64x128xf32> -> vector<64x128xf32>
    %reduce_sum3A = arith.constant dense<0.000000e+00> : vector<64xf32>
    %reduce_sum3A_37 = vector.multi_reduction <add>, %convert_element_type3A_35, %reduce_sum3A [0] : vector<512x64xf32> to vector<64xf32>
    %broadcast_in_dim3A = vector.shape_cast %reduce_sum3A_37 : vector<64xf32> to vector<1x64xf32>
    %eq3A_38 = arith.constant 0 : i32
    %eq3A_39 = arith.cmpi eq, %arg0, %eq3A_38 : i32
    %convert_element_type3A_40 = arith.extui %eq3A_39 : i1 to i32
    %cond3A = arith.constant 0 : i32
    %cond3A_41 = arith.cmpi ne, %convert_element_type3A_40, %cond3A : i32
    scf.if %cond3A_41 {
      %swap3A = arith.constant 0 : index
      %swap3A_51 = arith.constant 0 : index
      %swap3A_52 = vector.load %arg13[%swap3A, %swap3A_51] : memref<64x128xf32, #tpu.memory_space<vmem>>, vector<64x128xf32>
      tpu.vector_store %arg13[%swap3A, %swap3A_51], %dot_general3A_36 {strides = array<i32>} : memref<64x128xf32, #tpu.memory_space<vmem>>, vector<64x128xf32>,
      %swap3A_53 = arith.constant 0 : index
      %swap3A_54 = arith.constant 0 : index
      %swap3A_55 = vector.load %arg14[%swap3A_53, %swap3A_54] : memref<1x64xf32, #tpu.memory_space<vmem>>, vector<1x64xf32>
      tpu.vector_store %arg14[%swap3A_53, %swap3A_54], %broadcast_in_dim3A {strides = array<i32>} : memref<1x64xf32, #tpu.memory_space<vmem>>, vector<1x64xf32>,
    } else {
    }
    %gt3A = arith.constant 0 : i32
    %gt3A_42 = arith.cmpi sgt, %arg0, %gt3A : i32
    %convert_element_type3A_43 = arith.extui %gt3A_42 : i1 to i32
    %cond3A_44 = arith.constant 0 : i32
    %cond3A_45 = arith.cmpi ne, %convert_element_type3A_43, %cond3A_44 : i32
    scf.if %cond3A_45 {
      %get3A_51 = arith.constant 0 : index
      %get3A_52 = arith.constant 0 : index
      %get3A_53 = vector.load %arg13[%get3A_51, %get3A_52] : memref<64x128xf32, #tpu.memory_space<vmem>>, vector<64x128xf32>
      %add3A_54 = arith.addf %get3A_53, %dot_general3A_36 : vector<64x128xf32>
      %swap3A = arith.constant 0 : index
      %swap3A_55 = arith.constant 0 : index
      %swap3A_56 = vector.load %arg13[%swap3A, %swap3A_55] : memref<64x128xf32, #tpu.memory_space<vmem>>, vector<64x128xf32>
      tpu.vector_store %arg13[%swap3A, %swap3A_55], %add3A_54 {strides = array<i32>} : memref<64x128xf32, #tpu.memory_space<vmem>>, vector<64x128xf32>,
      %get3A_57 = arith.constant 0 : index
      %get3A_58 = arith.constant 0 : index
      %get3A_59 = vector.load %arg14[%get3A_57, %get3A_58] : memref<1x64xf32, #tpu.memory_space<vmem>>, vector<1x64xf32>
      %add3A_60 = arith.addf %get3A_59, %broadcast_in_dim3A : vector<1x64xf32>
      %swap3A_61 = arith.constant 0 : index
      %swap3A_62 = arith.constant 0 : index
      %swap3A_63 = vector.load %arg14[%swap3A_61, %swap3A_62] : memref<1x64xf32, #tpu.memory_space<vmem>>, vector<1x64xf32>
      tpu.vector_store %arg14[%swap3A_61, %swap3A_62], %add3A_60 {strides = array<i32>} : memref<1x64xf32, #tpu.memory_space<vmem>>, vector<1x64xf32>,
    } else {
    }
    %eq3A_46 = arith.constant 19 : i32
    %eq3A_47 = arith.cmpi eq, %arg0, %eq3A_46 : i32
    %convert_element_type3A_48 = arith.extui %eq3A_47 : i1 to i32
    %cond3A_49 = arith.constant 0 : i32
    %cond3A_50 = arith.cmpi ne, %convert_element_type3A_48, %cond3A_49 : i32
    scf.if %cond3A_50 {
      %get3A_51 = arith.constant 0 : index
      %get3A_52 = arith.constant 0 : index
      %get3A_53 = vector.load %arg14[%get3A_51, %get3A_52] : memref<1x64xf32, #tpu.memory_space<vmem>>, vector<1x64xf32>
      %max3A_54 = arith.constant 1.000000e+00 : f32
      %max3A_55 = vector.broadcast %max3A_54 : f32 to vector<1x64xf32>
      %max3A_56 = arith.maximumf %get3A_53, %max3A_55 : vector<1x64xf32>
      %get3A_57 = arith.constant 0 : index
      %get3A_58 = arith.constant 0 : index
      %get3A_59 = vector.load %arg13[%get3A_57, %get3A_58] : memref<64x128xf32, #tpu.memory_space<vmem>>, vector<64x128xf32>
      %reshape3A = vector.shape_cast %max3A_56 : vector<1x64xf32> to vector<64x1xf32>
      %div3A = vector.broadcast %reshape3A : vector<64x1xf32> to vector<64x128xf32>
      %div3A_60 = arith.divf %get3A_59, %div3A : vector<64x128xf32>
      %get3A_61 = arith.constant 0 : index
      %get3A_62 = arith.constant 0 : index
      %get3A_63 = vector.load %arg6[%get3A_61, %get3A_62] : memref<128x64xf32, #tpu.memory_space<vmem>>, vector<128x64xf32>
      %dot_general3A_64 = arith.constant dense<0.000000e+00> : vector<64x64xf32>
      %dot_general3A_65 = tpu.matmul %div3A_60, %get3A_63, %dot_general3A_64 {dimension_numbers = #tpu.dot_dimension_numbers<[1], [0], [0], [1], [0, 0, 1, 1], [], []>, transpose_lhs_hint = false} : vector<64x128xf32>, vector<128x64xf32>, vector<64x64xf32> -> vector<64x64xf32>
      %get3A_66 = arith.constant 0 : index
      %get3A_67 = arith.constant 0 : index
      %get3A_68 = vector.load %arg7[%get3A_66, %get3A_67] : memref<1x64xf32, #tpu.memory_space<vmem>>, vector<1x64xf32>
      %add3A_69 = vector.broadcast %get3A_68 : vector<1x64xf32> to vector<64x64xf32>
      %add3A_70 = arith.addf %dot_general3A_65, %add3A_69 : vector<64x64xf32>
      %max3A_71 = arith.constant 0.000000e+00 : f32
      %max3A_72 = vector.broadcast %max3A_71 : f32 to vector<64x64xf32>
      %max3A_73 = arith.maximumf %add3A_70, %max3A_72 : vector<64x64xf32>
      %get3A_74 = arith.constant 0 : index
      %get3A_75 = arith.constant 0 : index
      %get3A_76 = vector.load %arg8[%get3A_74, %get3A_75] : memref<64x32xf32, #tpu.memory_space<vmem>>, vector<64x32xf32>
      %dot_general3A_77 = arith.constant dense<0.000000e+00> : vector<64x32xf32>
      %dot_general3A_78 = tpu.matmul %max3A_73, %get3A_76, %dot_general3A_77 {dimension_numbers = #tpu.dot_dimension_numbers<[1], [0], [0], [1], [0, 0, 1, 1], [], []>, transpose_lhs_hint = false} : vector<64x64xf32>, vector<64x32xf32>, vector<64x32xf32> -> vector<64x32xf32>
      %get3A_79 = arith.constant 0 : index
      %get3A_80 = arith.constant 0 : index
      %get3A_81 = vector.load %arg9[%get3A_79, %get3A_80] : memref<1x32xf32, #tpu.memory_space<vmem>>, vector<1x32xf32>
      %add3A_82 = vector.broadcast %get3A_81 : vector<1x32xf32> to vector<64x32xf32>
      %add3A_83 = arith.addf %dot_general3A_78, %add3A_82 : vector<64x32xf32>
      %max3A_84 = arith.constant 0.000000e+00 : f32
      %max3A_85 = vector.broadcast %max3A_84 : f32 to vector<64x32xf32>
      %max3A_86 = arith.maximumf %add3A_83, %max3A_85 : vector<64x32xf32>
      %get3A_87 = arith.constant 0 : index
      %get3A_88 = arith.constant 0 : index
      %get3A_89 = vector.load %arg10[%get3A_87, %get3A_88] : memref<32x16xf32, #tpu.memory_space<vmem>>, vector<32x16xf32>
      %dot_general3A_90 = arith.constant dense<0.000000e+00> : vector<64x16xf32>
      %dot_general3A_91 = tpu.matmul %max3A_86, %get3A_89, %dot_general3A_90 {dimension_numbers = #tpu.dot_dimension_numbers<[1], [0], [0], [1], [0, 0, 1, 1], [], []>, transpose_lhs_hint = false} : vector<64x32xf32>, vector<32x16xf32>, vector<64x16xf32> -> vector<64x16xf32>
      %get3A_92 = arith.constant 0 : index
      %get3A_93 = arith.constant 0 : index
      %get3A_94 = vector.load %arg11[%get3A_92, %get3A_93] : memref<1x16xf32, #tpu.memory_space<vmem>>, vector<1x16xf32>
      %add3A_95 = vector.broadcast %get3A_94 : vector<1x16xf32> to vector<64x16xf32>
      %add3A_96 = arith.addf %dot_general3A_91, %add3A_95 : vector<64x16xf32>
      %max3A_97 = arith.constant 0.000000e+00 : f32
      %max3A_98 = vector.broadcast %max3A_97 : f32 to vector<64x16xf32>
      %max3A_99 = arith.maximumf %add3A_96, %max3A_98 : vector<64x16xf32>
      %swap3A = arith.constant 0 : index
      %swap3A_100 = arith.constant 0 : index
      %swap3A_101 = vector.load %arg12[%swap3A, %swap3A_100] : memref<64x16xf32, #tpu.memory_space<vmem>>, vector<64x16xf32>
      tpu.vector_store %arg12[%swap3A, %swap3A_100], %max3A_99 {strides = array<i32>} : memref<64x16xf32, #tpu.memory_space<vmem>>, vector<64x16xf32>,
    } else {
    }
    return
  }
  func.func @transform_0(%arg0: i32) -> (i32, i32, i32) {
    %c0_i32 = arith.constant 0 : i32
    %c0_i32_0 = arith.constant 0 : i32
    %c0_i32_1 = arith.constant 0 : i32
    return %c0_i32, %arg0, %c0_i32_0 : i32, i32, i32
  }
  func.func @transform_1(%arg0: i32) -> (i32, i32, i32) {
    %c0_i32 = arith.constant 0 : i32
    %c0_i32_0 = arith.constant 0 : i32
    %c0_i32_1 = arith.constant 0 : i32
    return %c0_i32, %arg0, %c0_i32_0 : i32, i32, i32
  }
  func.func @transform_2(%arg0: i32) -> (i32, i32) {
    %c0_i32 = arith.constant 0 : i32
    %c0_i32_0 = arith.constant 0 : i32
    return %arg0, %c0_i32 : i32, i32
  }
  func.func @transform_3(%arg0: i32) -> (i32, i32) {
    %c0_i32 = arith.constant 0 : i32
    %c0_i32_0 = arith.constant 0 : i32
    %c0_i32_1 = arith.constant 0 : i32
    return %c0_i32, %c0_i32_0 : i32, i32
  }
  func.func @transform_4(%arg0: i32) -> (i32, i32) {
    %c0_i32 = arith.constant 0 : i32
    %c0_i32_0 = arith.constant 0 : i32
    return %arg0, %c0_i32 : i32, i32
  }
  func.func @transform_5(%arg0: i32) -> (i32, i32) {
    %c0_i32 = arith.constant 0 : i32
    %c0_i32_0 = arith.constant 0 : i32
    %c0_i32_1 = arith.constant 0 : i32
    return %c0_i32, %c0_i32_0 : i32, i32
  }
  func.func @transform_6(%arg0: i32) -> (i32, i32) {
    %c0_i32 = arith.constant 0 : i32
    %c0_i32_0 = arith.constant 0 : i32
    %c0_i32_1 = arith.constant 0 : i32
    return %c0_i32, %c0_i32_0 : i32, i32
  }
  func.func @transform_7(%arg0: i32) -> (i32, i32) {
    %c0_i32 = arith.constant 0 : i32
    %c0_i32_0 = arith.constant 0 : i32
    %c0_i32_1 = arith.constant 0 : i32
    return %c0_i32, %c0_i32_0 : i32, i32
  }
  func.func @transform_8(%arg0: i32) -> (i32, i32) {
    %c0_i32 = arith.constant 0 : i32
    %c0_i32_0 = arith.constant 0 : i32
    %c0_i32_1 = arith.constant 0 : i32
    return %c0_i32, %c0_i32_0 : i32, i32
  }
  func.func @transform_9(%arg0: i32) -> (i32, i32) {
    %c0_i32 = arith.constant 0 : i32
    %c0_i32_0 = arith.constant 0 : i32
    %c0_i32_1 = arith.constant 0 : i32
    return %c0_i32, %c0_i32_0 : i32, i32
  }
  func.func @transform_10(%arg0: i32) -> (i32, i32) {
    %c0_i32 = arith.constant 0 : i32
    %c0_i32_0 = arith.constant 0 : i32
    %c0_i32_1 = arith.constant 0 : i32
    return %c0_i32, %c0_i32_0 : i32, i32
  }
  func.func @transform_11(%arg0: i32) -> (i32, i32) {
    %c0_i32 = arith.constant 0 : i32
    %c0_i32_0 = arith.constant 0 : i32
    %c0_i32_1 = arith.constant 0 : i32
    return %c0_i32, %c0_i32_0 : i32, i32
  }
}

</mosaic_0001>

<sc_bundles>
// kernel: kernel.12.cloned.1.call-start
scs
__scs_entry_jumppad:
0x0: {  	(pc) =	sbr.rel $0x88, $3  }
0x1: {  	(tag) =	ssettag $0x0;
	lr =	simm.s32 $0x1  }
0x2: {  	[smem:$0x3F94] =	sst lr;
	_ =	strace $0xD0000000  }
0x3: {  	_ = 	snop  }
0x4: {  	_ = 	snop  }
0x5: {  	_ = 	snop  }
0x6: {  	_ = 	snop  }
0x7: {  	_ = 	snop  }
__scs_overlays_trampoline_lowered:
0x8: {  	[smem:$0x3FA3] =	sst s0  }
0x9: {  	[smem:$0x3FA4] =	sst s1  }
0xa: {  	[smem:$0x3FA5] =	sst s2  }
0xb: {  	[smem:$0x3FA6] =	sst s3  }
0xc: {  	[smem:$0x3FA7] =	sst s4  }
0xd: {  	[smem:$0x3FA8] =	sst s5  }
0xe: {  	[smem:$0x3FA9] =	sst s6  }
0xf: {  	[smem:$0x3FAA] =	sst s7  }
0x10: {  	[smem:$0x3FAB] =	sst s8  }
0x11: {  	[smem:$0x3FAC] =	sst s9;
	s0 =	simm.s32 @!p0 $0x0  }
0x12: {  	s1 =	sld [smem:$0x3F92];
	s0 =	simm.s32 @p0 $0x1  }
0x13: {  	[smem:$0x3FAD] =	sst s0;
	s0 =	simm.s32 @!p1 $0x0  }
0x14: {  	s2 =	sld [smem:$0x3F91];
	s0 =	simm.s32 @p1 $0x1  }
0x15: {  	[smem:$0x3FAE] =	sst s0;
	s0 =	simm.s32 @!p2 $0x0  }
0x16: {  	s3 =	sld [smem:$0x3FDB];
	s0 =	simm.s32 @p2 $0x1  }
0x17: {  	s4 =	simm.s32 $0x1BF5;
	[smem:$0x3FB0] =	sst s0  }
0x18: {  	s0 =	sld [smem:$0x3F93];
	_ =	swait.ge [sflag:s4], $0x0  }
0x19: {  	s7 =	sld [smem:$0x3F94]  }
0x1a: {  	s8 =	sadd.s32 $0xFFFFE003, lr  }
0x1b: {  	s9 =	sadd.s32 $0xFFFFFEF7, lr;
	s5 =	simm.s32 $0xFFFFFFFF;
	p2 =	slt.u32 s8, $0xFFFFF086  }
0x1c: {  	p1 =	slt.u32 s9, $0xF7A;
	s5 =	simm.s32 @!p2 $0x0  }
0x1d: {  	s5 =	simm.s32 @p1 $0x1;
	p0 =	seq.s32 s7, s2  }
0x1e: {  	s7 =	smul.u32 @!p0 $0xF7A, s2;
	p2 =	seq.s32 @!p0 s5, $0x0  }
0x1f: {  	s9 =	smul.u32 $0xF7A, s1;
	s8 =	simm.s32 @!p0 $0x1BF5;
	p2 =	por !p2, p0  }
0x20: {  	[sflag:s8] =	ssyncset.s32 @!p0 $0xFFFFF086;
	s6 =	sadd.s32 @!p0 s3, s7;
	s7 =	simm.s32 @!p0 $0x108  }
0x21: {  	s3 =	sadd.s32 s3, s9;
	s6 =	sadd.s32 @!p0 $0x88, s6;
	s7 =	simm.s32 @p2 $0x1082  }
0x22: {  	[simem:s7], [sflag:s8] =	dma.local @!p0 [hbm:s6], $0xF7A  }
0x23: {  	s9 =	sor.u32 $0xD0000000, s2;
	s6 =	simm.s32 $0x108;
	_ =	swait.ge @!p0 [sflag:s8], $0x0  }
0x24: {  	s3 =	sadd.s32 $0x88, s3;
	s6 =	simm.s32 @!p1 $0x1082;
	[sflag:s4] =	ssyncset.s32 $0xFFFFF086  }
0x25: {  	[simem:s6], [sflag:s4] =	dma.local [hbm:s3], $0xF7A  }
0x26: {  	[smem:$0x3F94] =	sst s1;
	(tag) =	ssettag s2;
	_ =	strace s9  }
0x27: {  	s1 =	sld [smem:$0x3FA4]  }
0x28: {  	s2 =	sld [smem:$0x3FA5]  }
0x29: {  	s4 =	sld [smem:$0x3FA7]  }
0x2a: {  	p0 =	seq.s32 s5, $0x0;
	s5 =	sld [smem:$0x3FA8]  }
0x2b: {  	s6 =	sld [smem:$0x3FA9]  }
0x2c: {  	s7 =	sld [smem:$0x3FAA]  }
0x2d: {  	s3 =	simm.s32 $0x108;
	s8 =	sld [smem:$0x3FAB]  }
0x2e: {  	s3 =	simm.s32 @!p0 $0x1082;
	s9 =	sld [smem:$0x3FAC]  }
0x2f: {  	lr =	sadd.s32 s0, s3;
	s0 =	sld [smem:$0x3FA3]  }
0x30: {  	s3 =	sld [smem:$0x3FA6]  }
0x31: {  	[smem:$0x3FAF] =	sst s10  }
0x32: {  	s10 =	sld [smem:$0x3FAD];
	_ =	sdelay $0x3  }
0x33: {  	p0 =	seq.s32 s10, $0x1;
	s10 =	sld [smem:$0x3FAF];
	_ =	sdelay $0x3  }
0x34: {  	[smem:$0x3FAF] =	sst s10  }
0x35: {  	s10 =	sld [smem:$0x3FAE];
	_ =	sdelay $0x3  }
0x36: {  	p1 =	seq.s32 s10, $0x1;
	s10 =	sld [smem:$0x3FAF];
	_ =	sdelay $0x3  }
0x37: {  	[smem:$0x3FAF] =	sst s10  }
0x38: {  	s10 =	sld [smem:$0x3FB0]  }
0x39: {  	_ = 	snop;
	(pc) =	sbr.ind lr, $3  }
0x3a: {  	_ = 	snop  }
0x3b: {  	_ = 	snop  }
0x3c: {  	p2 =	seq.s32 s10, $0x1;
	s10 =	sld [smem:$0x3FAF]  }
0x3d: {  	_ =	shalt  }
0x3e: {  	_ =	shalt  }
0x3f: {  	_ =	shalt  }
0x40: {  	_ =	shalt  }
0x41: {  	_ =	shalt  }
0x42: {  	_ =	shalt  }
0x43: {  	_ =	shalt  }
0x44: {  	_ =	shalt  }
0x45: {  	_ =	shalt  }
0x46: {  	_ =	shalt  }
0x47: {  	_ =	shalt  }
0x48: {  	_ =	shalt  }
0x49: {  	_ =	shalt  }
0x4a: {  	_ =	shalt  }
0x4b: {  	_ =	shalt  }
0x4c: {  	_ =	shalt  }
0x4d: {  	_ =	shalt  }
0x4e: {  	_ =	shalt  }
0x4f: {  	_ =	shalt  }
0x50: {  	_ =	shalt  }
0x51: {  	_ =	shalt  }
0x52: {  	_ =	shalt  }
0x53: {  	_ =	shalt  }
0x54: {  	_ =	shalt  }
0x55: {  	_ =	shalt  }
0x56: {  	_ =	shalt  }
0x57: {  	_ =	shalt  }
0x58: {  	_ =	shalt  }
0x59: {  	_ =	shalt  }
0x5a: {  	_ =	shalt  }
0x5b: {  	_ =	shalt  }
0x5c: {  	_ =	shalt  }
0x5d: {  	_ =	shalt  }
0x5e: {  	_ =	shalt  }
0x5f: {  	_ =	shalt  }
0x60: {  	_ =	shalt  }
0x61: {  	_ =	shalt  }
0x62: {  	_ =	shalt  }
0x63: {  	_ =	shalt  }
0x64: {  	_ =	shalt  }
0x65: {  	_ =	shalt  }
0x66: {  	_ =	shalt  }
0x67: {  	_ =	shalt  }
0x68: {  	_ =	shalt  }
0x69: {  	_ =	shalt  }
0x6a: {  	_ =	shalt  }
0x6b: {  	_ =	shalt  }
0x6c: {  	_ =	shalt  }
0x6d: {  	_ =	shalt  }
0x6e: {  	_ =	shalt  }
0x6f: {  	_ =	shalt  }
0x70: {  	_ =	shalt  }
0x71: {  	_ =	shalt  }
0x72: {  	_ =	shalt  }
0x73: {  	_ =	shalt  }
0x74: {  	_ =	shalt  }
0x75: {  	_ =	shalt  }
0x76: {  	_ =	shalt  }
0x77: {  	_ =	shalt  }
0x78: {  	_ =	shalt  }
0x79: {  	_ =	shalt  }
0x7a: {  	_ =	shalt  }
0x7b: {  	_ =	shalt  }
0x7c: {  	_ =	shalt  }
0x7d: {  	_ =	shalt  }
0x7e: {  	_ =	shalt  }
0x7f: {  	_ =	shalt  }
0x80: {  	_ =	shalt  }
0x81: {  	_ =	shalt  }
0x82: {  	_ =	shalt  }
0x83: {  	_ =	shalt  }
0x84: {  	_ =	shalt  }
0x85: {  	_ =	shalt  }
0x86: {  	_ =	shalt  }
0x87: {  	_ =	shalt  }
.Lfunc_end0:
.L_simem_size_0:
called_computation_lowered:
.L_overlay_start_0:
0x88: {  	s2 =	sld [smem:$0x3FD9]  }
0x89: {  	s3 =	sld [smem:$0x3FFE];
	_ =	sdelay $0x1  }
0x8a: {  	s1 =	srdreg.scid  }
0x8b: {  	s0 =	sand.u32 $0x1, s1  }
0x8c: {  	s16 =	sshll.u32 s0, $0xA;
	s2 =	sadd.s32 s3, s2  }
0x8d: {  	s2 =	sadd.s32 s2, s16  }
0x8e: {  	[smem:$0x3FBB] =	sst s2  }
0x8f: {  	_ = 	snop  }
0x90: {  	(tm) =	ssettm $0x1  }
0x91: {  	s17 =	sld [smem:$0x3FFB];
	_ =	sdelay $0x3  }
0x92: {  	_ =	strace s17  }
0x93: {  	s2 =	sld [smem:$0x3FFC];
	_ =	sdelay $0x3  }
0x94: {  	_ =	strace s2  }
0x95: {  	s2 =	sld [smem:$0x3FFD];
	_ =	sdelay $0x3  }
0x96: {  	_ =	strace s2  }
0x97: {  	_ =	strace $0x8FFFFFFF  }
0x98: {  	s18 =	sld [smem:$0x3FDB];
	_ =	sdelay $0x1  }
0x99: {  	s19 =	simm.s32 $_scs_section_size  }
0x9a: {  	s4 =	simm.s32 $_size__tile_overlayer_lowered;
	s5 =	simm.s32 $_tile_overlayer_lowered  }
0x9b: {  	s22 =	simm.s32 $0x1BFF;
	s21 =	sshll.u32 s5, $0x1;
	s2 =	sadd.s32 s19, s18  }
0x9c: {  	s6 =	simm.s32 $0x0;
	s20 =	sshll.u32 s4, $0x1;
	s4 =	sadd.s32 s21, s2  }
0x9d: {  	[timem:s6], [sflag:s22] =	dma.local [hbm:s4], s20  }
0x9e: {  	_ =	swait.ge [sflag:s22], s20  }
0x9f: {  	s3 =	ssub.s32 $0x0, s20;
	[sflag:s22] =	ssyncset.done $0x0  }
0xa0: {  	[sflag:s22] =	ssyncadd.s32 s3;
	_ =	sdelay $0x1  }
0xa1: {  	s23 =	simm.s32 $0x1B8B  }
0xa2: {  	_ =	swait.ge [sflag:s23], $0x1  }
0xa3: {  	[sflag:s23] =	ssyncset.done $0x0  }
0xa4: {  	s25 =	simm.s32 $0x1B8E;
	s24 =	sld [smem:$0x3FFE];
	[sflag:s23] =	ssyncadd.s32 $0xFFFFFFFF  }
0xa5: {  	s26 =	simm.s32 $execute0_lowered;
	[smem:$0x3FD2] =	sst s25  }
0xa6: {  	s4 =	sshll.u32 s26, $0x1;
	_ =	strace $0x80000046;
	[dreg:$0x1] =	wrdreg $0xFFFFFFFF  }
0xa7: {  	s28 =	simm.s32 $_size_execute0_lowered;
	s2 =	sadd.s32 s2, s4;
	[dreg:$0x0] =	wrdreg $0x0  }
0xa8: {  	s4 =	sshll.u32 s28, $0x1;
	[dreg:$0x2] =	wrdreg s2  }
0xa9: {  	[dreg:$0x3] =	wrdreg s4  }
0xaa: {  	[dreg:$0x4] =	wrdreg $0xC0  }
0xab: {  	_ =	task [dreg:s6], $0x5FFFF  }
0xac: {  	[dreg:$0x1] =	wrdreg $0xFFFFFFFF  }
0xad: {  	[dreg:$0x0] =	wrdreg $0x60  }
0xae: {  	[dreg:$0x2] =	wrdreg s24  }
0xaf: {  	[dreg:$0x3] =	wrdreg $0xA3000  }
0xb0: {  	[dreg:$0x4] =	wrdreg $0x9  }
0xb1: {  	_ =	task.clear_ibuf [dreg:s6], $0x5FFFF;
	_ =	strace $0x90000046  }
0xb2: {  	s29 =	simm.s32 $0x9;
	_ =	strace $0x80000048  }
0xb3: {  	_ =	swait.ge [sflag:s29], $0x1  }
0xb4: {  	[sflag:s29] =	ssyncadd.s32 $0xFFFFFFFF  }
0xb5: {  	_ =	strace $0x90000048  }
0xb6: {  	_ =	sfence  }
0xb7: {  	s30 =	sld [smem:$0x0];
	_ =	sdelay $0x2  }
0xb8: {  	s31 =	sshll.u32 s1, $0xD;
	s1 =	sshrl.u32 s1, $0x2  }
0xb9: {  	s3 =	sand.u32 $0x4000, s31;
	s1 =	sadd.s32 s1, s30  }
0xba: {  	s0 =	sor.u32 s3, s0;
	s1 =	sshll.u32 s1, $0x11  }
0xbb: {  	s0 =	sor.u32 s1, s0  }
0xbc: {  	s0 =	sadd.s32 $0x8F2B, s0  }
0xbd: {  	[sflag:s0] =	ssyncadd.remote.s32 $0x1  }
0xbe: {  	_ =	sfence.sel $0xFFFF  }
0xbf: {  	[dreg:$0x0] =	wrdreg $0xFFFFFFFF;
	(pc) =	sbr.abs _section_cstart, $3  }
0xc0: {  	[dreg:$0x1] =	wrdreg $0xFFFFFFFF  }
0xc1: {  	_ =	task.clear_ibuf [dreg:s6], $0x2FFFF;
	_ =	strace $0x9FFFFFFF  }
0xc2: {  	(tm) =	ssettm $0x7FFFFFFF  }
0xc3: {  	_ =	shalt  }
tec
execute0_lowered:
.L_overlay_start_1:
0x0: {  	(tag) =	ssettag $0x1  }
0x1: {  	s4 =	rddreg [dreg:$0x0]  }
0x2: {  	s2 =	rddreg [dreg:$0x1]  }
0x3: {  	s0 =	rddreg [dreg:$0x2]  }
0x4: {  	s1 =	stileid.u32;
	s5 =	srdreg.scid  }
0x5: {  	s3 =	simm.s32 $0x0;
	s10 =	simm.s32 $0x40;
	s11 =	simm.s32 $0xA000  }
0x6: {  	s12 =	simm.s32 $0x80;
	s13 =	simm.s32 $0x100;
	s6 =	smul.u32 $0x500, s1  }
0x7: {  	s14 =	simm.s32 $0x0;
	s5 =	sand.u32 $0x1, s5;
	s7 =	smul.u32 $0x1400, s1  }
0x8: {  	[smem:$0x7FF] =	sst s3;
	s30 =	smul.u32 $0xA00, s1;
	s8 =	sshll.u32 s5, $0x7  }
0x9: {  	_ =	strace $0x80000047;
	s5 =	ssub.s32 $0x2, s5;
	s6 =	sor.u32 s8, s6  }
0xa: {  	s7 =	sadd.s32 s7, s4;
	s31 =	sshrl.u32 s5, $0x1;
	s8 =	sshrl.u32 s30, $0x2  }
0xb: {  	s6 =	sshrl.u32 s6, $0x3;
	s9 =	ssub.s32 s5, s31;
	s5 =	sadd.s32 $0x3C00, s7  }
0xc: {  	s6 =	sadd.s32 s6, s4;
	s4 =	sadd.s32 s8, s2;
	s7 =	smax.u32 s9, $0x1  }
0xd: {  	v0 =	vimm.f32 $0.0e+00;
	v1 =	vimm.f32 $1.000000000e+00;
	s8 =	simm.s32 $0xA080;
	s9 =	simm.s32 $0x1;
	s6 =	sadd.s32 $0x17C00, s6  }
.LBB2_1:
0xe: {  	[tilespmem:$0xA080] =	vst v0  }
0xf: {  	[tilespmem:$0xA090] =	vst v0  }
0x10: {  	[tilespmem:$0xA0A0] =	vst v0  }
0x11: {  	[tilespmem:$0xA0B0] =	vst v0  }
0x12: {  	[tilespmem:$0xA0C0] =	vst v0  }
0x13: {  	[tilespmem:$0xA0D0] =	vst v0  }
0x14: {  	[tilespmem:$0xA0E0] =	vst v0  }
0x15: {  	[tilespmem:$0xA0F0] =	vst v0  }
0x16: {  	[tilespmem:$0xA100] =	vst v0  }
0x17: {  	[tilespmem:$0xA110] =	vst v0  }
0x18: {  	[tilespmem:$0xA120] =	vst v0  }
0x19: {  	[tilespmem:$0xA130] =	vst v0  }
0x1a: {  	[tilespmem:$0xA140] =	vst v0  }
0x1b: {  	[tilespmem:$0xA150] =	vst v0  }
0x1c: {  	[tilespmem:$0xA160] =	vst v0  }
0x1d: {  	[tilespmem:$0xA170] =	vst v0  }
0x1e: {  	[tilespmem:$0xA180] =	vst v0  }
0x1f: {  	[tilespmem:$0xA190] =	vst v0  }
0x20: {  	[tilespmem:$0xA1A0] =	vst v0  }
0x21: {  	[tilespmem:$0xA1B0] =	vst v0  }
0x22: {  	[tilespmem:$0xA1C0] =	vst v0  }
0x23: {  	[tilespmem:$0xA1D0] =	vst v0  }
0x24: {  	[tilespmem:$0xA1E0] =	vst v0  }
0x25: {  	[tilespmem:$0xA1F0] =	vst v0  }
0x26: {  	[tilespmem:$0xA200] =	vst v0  }
0x27: {  	[tilespmem:$0xA210] =	vst v0  }
0x28: {  	[tilespmem:$0xA220] =	vst v0  }
0x29: {  	[tilespmem:$0xA230] =	vst v0  }
0x2a: {  	[tilespmem:$0xA240] =	vst v0  }
0x2b: {  	[tilespmem:$0xA250] =	vst v0  }
0x2c: {  	[tilespmem:$0xA260] =	vst v0  }
0x2d: {  	[tilespmem:$0xA270] =	vst v0  }
0x2e: {  	[tilespmem:$0xA280] =	vst v0  }
0x2f: {  	[tilespmem:$0xA290] =	vst v0  }
0x30: {  	[tilespmem:$0xA2A0] =	vst v0  }
0x31: {  	[tilespmem:$0xA2B0] =	vst v0  }
0x32: {  	[tilespmem:$0xA2C0] =	vst v0  }
0x33: {  	[tilespmem:$0xA2D0] =	vst v0  }
0x34: {  	[tilespmem:$0xA2E0] =	vst v0  }
0x35: {  	[tilespmem:$0xA2F0] =	vst v0  }
0x36: {  	[tilespmem:$0xA000] =	vst v1  }
0x37: {  	[tilespmem:$0xA010] =	vst v1  }
0x38: {  	[tilespmem:$0xA020] =	vst v1  }
0x39: {  	[tilespmem:$0xA030] =	vst v1  }
0x3a: {  	[spmem:s4] =	stream.linear.scatter [tilespmem:s8], [sflag:$0x1], $0x280, $0x38;
	[tilespmem:$0xA580] =	vst v63  }
0x3b: {  	_ =	swait.ge [sflag:s9], $0x280  }
0x3c: {  	[sflag:s9] =	ssyncset.done $0x0  }
0x3d: {  	[sflag:s9] =	ssyncadd.s32 $0xFFFFFD80  }
0x3e: {  	[tilespmem:s3], [sflag:$0x1] =	stream.linear.gather [hbm4b:s5+s3], $0x9E00, $0x38;
	[tilespmem:$0xA580] =	vst v63  }
0x3f: {  	_ =	swait.ge [sflag:s9], $0x9E00  }
0x40: {  	[sflag:s9] =	ssyncset.done $0x0  }
0x41: {  	[sflag:s9] =	ssyncadd.s32 $0xFFFF6200  }
0x42: {  	s15 =	simm.s32 $0x0;
	[bflag:$0x0] =	sbarrier.arrive $0xFFFF  }
0x43: {  	[spmem:s2] =	stream.indirect.scatter.add.f32 [tilespmem:s11], [sflag:$0x1], $0x1, s15, s10, $0xb8;
	[tilespmem:$0xA580] =	vst v63  }
0x44: {  	_ =	swait.ge [sflag:s9], $0x40  }
0x45: {  	s15 =	simm.s32 $0x200;
	[sflag:s9] =	ssyncset.done $0x0  }
.LBB2_2:
0x46: {  	s16 =	sshra.s32 s15, $0x2;
	[sflag:s9] =	ssyncadd.s32 $0xFFFFFFC0;
	p0 =	sne.s32 s15, $0x27600  }
0x47: {  	[spmem:s2] =	stream.indirect.scatter.add.f32 [tilespmem:s11], [sflag:$0x1], $0x1, s16, s10, $0xb8;
	[tilespmem:$0xA580] =	vst v63  }
.Ltmp0:
0x48: {  	_ = 	snop;
	(pc) =	sbr.rel @p0 .LBB2_2-.Ltmp0, $4  }
0x49: {  	_ = 	snop  }
0x4a: {  	s15 =	sadd.s32 $0x200, s15  }
0x4b: {  	_ =	swait.ge [sflag:s9], $0x40  }
0x4c: {  	[sflag:s9] =	ssyncset.done $0x0  }
0x4d: {  	[sflag:s9] =	ssyncadd.s32 $0xFFFFFFC0  }
0x4e: {  	[bflag:$0x0] =	sbarrier.arrive $0xFFFF  }
0x4f: {  	[tilespmem:s8], [sflag:$0x1] =	stream.linear.gather [spmem:s4], $0x280, $0x38;
	[tilespmem:$0xA580] =	vst v63  }
0x50: {  	s14 =	sadd.s32 $0x1, s14;
	_ =	swait.ge [sflag:s9], $0x280  }
0x51: {  	p0 =	sne.s32 s14, s7;
	[sflag:s9] =	ssyncset.done $0x0  }
.Ltmp1:
0x52: {  	[sflag:s9] =	ssyncadd.s32 $0xFFFFFD80;
	(pc) =	sbr.rel @p0 .LBB2_1-.Ltmp1, $4  }
0x53: {  	[hbm4b:s6+s12] =	stream.strided.scatter [tilespmem:s8], [sflag:$0x1], $0x280, s13, s12, $0x38;
	[tilespmem:$0xA580] =	vst v63  }
0x54: {  	_ =	swait.ge [sflag:s9], $0x280  }
0x55: {  	[sflag:s9] =	ssyncset.done $0x0  }
0x56: {  	[sflag:s9] =	ssyncadd.s32 $0xFFFFFD80  }
0x57: {  	_ =	sfence.sel $0x180000  }
0x58: {  	[bflag:$0x0] =	sbarrier.arrive $0xFFFF  }
0x59: {  	p0 =	sne.s32 s1, $0x0;
	_ =	strace $0x90000047  }
0x5a: {  	s0 =	sadd.s32 @!p0 $0x100000, s0;
	[bflag:$0x2] =	sbarrier.arrive $0xFFFF  }
0x5b: {  	[sflag:s0] =	ssyncadd.tile.s32 @!p0 $0x1;
	_ =	shalt  }
.Lfunc_end2:
_tile_overlayer_lowered:
.L_overlay_start_2:
0x5c: {  	(tag) =	ssettag $0x2  }
0x5d: {  	s0 =	rddreg [dreg:$0x0];
	s2 =	stileid.u32  }
0x5e: {  	s1 =	rddreg [dreg:$0x1];
	p0 =	sne.s32 s2, $0x0  }
0x5f: {  	s3 =	rddreg [dreg:$0x2];
	[bflag:$0x3] =	sbarrier.arrive $0xFFFF;
	s2 =	simm.s32 @!p0 $0x1C01  }
0x60: {  	[timem:s3], [sflag:s2] =	dma.local @!p0 [hbm:s0], s1  }
0x61: {  	s0 =	simm.s32 @!p0 $0x1  }
0x62: {  	_ =	swait.ge @!p0 [sflag:s0], s1  }
0x63: {  	s1 =	ssub.s32 @!p0 $0x0, s1;
	[sflag:s0] =	ssyncset.done @!p0 $0x0  }
0x64: {  	[sflag:s0] =	ssyncadd.s32 @!p0 s1  }
0x65: {  	[bflag:$0x3] =	sbarrier.arrive $0xFFFF  }
0x66: {  	_ =	shalt  }

// kernel: kernel.15.cloned.1.call-start
scs
__scs_entry_jumppad:
0x0: {  	(pc) =	sbr.rel $0x88, $3  }
0x1: {  	(tag) =	ssettag $0x0;
	lr =	simm.s32 $0x1  }
0x2: {  	[smem:$0x3F94] =	sst lr;
	_ =	strace $0xD0000000  }
0x3: {  	_ = 	snop  }
0x4: {  	_ = 	snop  }
0x5: {  	_ = 	snop  }
0x6: {  	_ = 	snop  }
0x7: {  	_ = 	snop  }
__scs_overlays_trampoline_lowered:
0x8: {  	[smem:$0x3FA3] =	sst s0  }
0x9: {  	[smem:$0x3FA4] =	sst s1  }
0xa: {  	[smem:$0x3FA5] =	sst s2  }
0xb: {  	[smem:$0x3FA6] =	sst s3  }
0xc: {  	[smem:$0x3FA7] =	sst s4  }
0xd: {  	[smem:$0x3FA8] =	sst s5  }
0xe: {  	[smem:$0x3FA9] =	sst s6  }
0xf: {  	[smem:$0x3FAA] =	sst s7  }
0x10: {  	[smem:$0x3FAB] =	sst s8  }
0x11: {  	[smem:$0x3FAC] =	sst s9;
	s0 =	simm.s32 @!p0 $0x0  }
0x12: {  	s1 =	sld [smem:$0x3F92];
	s0 =	simm.s32 @p0 $0x1  }
0x13: {  	[smem:$0x3FAD] =	sst s0;
	s0 =	simm.s32 @!p1 $0x0  }
0x14: {  	s2 =	sld [smem:$0x3F91];
	s0 =	simm.s32 @p1 $0x1  }
0x15: {  	[smem:$0x3FAE] =	sst s0;
	s0 =	simm.s32 @!p2 $0x0  }
0x16: {  	s3 =	sld [smem:$0x3FDB];
	s0 =	simm.s32 @p2 $0x1  }
0x17: {  	s4 =	simm.s32 $0x1BF5;
	[smem:$0x3FB0] =	sst s0  }
0x18: {  	s0 =	sld [smem:$0x3F93];
	_ =	swait.ge [sflag:s4], $0x0  }
0x19: {  	s7 =	sld [smem:$0x3F94]  }
0x1a: {  	s8 =	sadd.s32 $0xFFFFE003, lr  }
0x1b: {  	s9 =	sadd.s32 $0xFFFFFEF7, lr;
	s5 =	simm.s32 $0xFFFFFFFF;
	p2 =	slt.u32 s8, $0xFFFFF086  }
0x1c: {  	p1 =	slt.u32 s9, $0xF7A;
	s5 =	simm.s32 @!p2 $0x0  }
0x1d: {  	s5 =	simm.s32 @p1 $0x1;
	p0 =	seq.s32 s7, s2  }
0x1e: {  	s7 =	smul.u32 @!p0 $0xF7A, s2;
	p2 =	seq.s32 @!p0 s5, $0x0  }
0x1f: {  	s9 =	smul.u32 $0xF7A, s1;
	s8 =	simm.s32 @!p0 $0x1BF5;
	p2 =	por !p2, p0  }
0x20: {  	[sflag:s8] =	ssyncset.s32 @!p0 $0xFFFFF086;
	s6 =	sadd.s32 @!p0 s3, s7;
	s7 =	simm.s32 @!p0 $0x108  }
0x21: {  	s3 =	sadd.s32 s3, s9;
	s6 =	sadd.s32 @!p0 $0x88, s6;
	s7 =	simm.s32 @p2 $0x1082  }
0x22: {  	[simem:s7], [sflag:s8] =	dma.local @!p0 [hbm:s6], $0xF7A  }
0x23: {  	s9 =	sor.u32 $0xD0000000, s2;
	s6 =	simm.s32 $0x108;
	_ =	swait.ge @!p0 [sflag:s8], $0x0  }
0x24: {  	s3 =	sadd.s32 $0x88, s3;
	s6 =	simm.s32 @!p1 $0x1082;
	[sflag:s4] =	ssyncset.s32 $0xFFFFF086  }
0x25: {  	[simem:s6], [sflag:s4] =	dma.local [hbm:s3], $0xF7A  }
0x26: {  	[smem:$0x3F94] =	sst s1;
	(tag) =	ssettag s2;
	_ =	strace s9  }
0x27: {  	s1 =	sld [smem:$0x3FA4]  }
0x28: {  	s2 =	sld [smem:$0x3FA5]  }
0x29: {  	s4 =	sld [smem:$0x3FA7]  }
0x2a: {  	p0 =	seq.s32 s5, $0x0;
	s5 =	sld [smem:$0x3FA8]  }
0x2b: {  	s6 =	sld [smem:$0x3FA9]  }
0x2c: {  	s7 =	sld [smem:$0x3FAA]  }
0x2d: {  	s3 =	simm.s32 $0x108;
	s8 =	sld [smem:$0x3FAB]  }
0x2e: {  	s3 =	simm.s32 @!p0 $0x1082;
	s9 =	sld [smem:$0x3FAC]  }
0x2f: {  	lr =	sadd.s32 s0, s3;
	s0 =	sld [smem:$0x3FA3]  }
0x30: {  	s3 =	sld [smem:$0x3FA6]  }
0x31: {  	[smem:$0x3FAF] =	sst s10  }
0x32: {  	s10 =	sld [smem:$0x3FAD];
	_ =	sdelay $0x3  }
0x33: {  	p0 =	seq.s32 s10, $0x1;
	s10 =	sld [smem:$0x3FAF];
	_ =	sdelay $0x3  }
0x34: {  	[smem:$0x3FAF] =	sst s10  }
0x35: {  	s10 =	sld [smem:$0x3FAE];
	_ =	sdelay $0x3  }
0x36: {  	p1 =	seq.s32 s10, $0x1;
	s10 =	sld [smem:$0x3FAF];
	_ =	sdelay $0x3  }
0x37: {  	[smem:$0x3FAF] =	sst s10  }
0x38: {  	s10 =	sld [smem:$0x3FB0]  }
0x39: {  	_ = 	snop;
	(pc) =	sbr.ind lr, $3  }
0x3a: {  	_ = 	snop  }
0x3b: {  	_ = 	snop  }
0x3c: {  	p2 =	seq.s32 s10, $0x1;
	s10 =	sld [smem:$0x3FAF]  }
0x3d: {  	_ =	shalt  }
0x3e: {  	_ =	shalt  }
0x3f: {  	_ =	shalt  }
0x40: {  	_ =	shalt  }
0x41: {  	_ =	shalt  }
0x42: {  	_ =	shalt  }
0x43: {  	_ =	shalt  }
0x44: {  	_ =	shalt  }
0x45: {  	_ =	shalt  }
0x46: {  	_ =	shalt  }
0x47: {  	_ =	shalt  }
0x48: {  	_ =	shalt  }
0x49: {  	_ =	shalt  }
0x4a: {  	_ =	shalt  }
0x4b: {  	_ =	shalt  }
0x4c: {  	_ =	shalt  }
0x4d: {  	_ =	shalt  }
0x4e: {  	_ =	shalt  }
0x4f: {  	_ =	shalt  }
0x50: {  	_ =	shalt  }
0x51: {  	_ =	shalt  }
0x52: {  	_ =	shalt  }
0x53: {  	_ =	shalt  }
0x54: {  	_ =	shalt  }
0x55: {  	_ =	shalt  }
0x56: {  	_ =	shalt  }
0x57: {  	_ =	shalt  }
0x58: {  	_ =	shalt  }
0x59: {  	_ =	shalt  }
0x5a: {  	_ =	shalt  }
0x5b: {  	_ =	shalt  }
0x5c: {  	_ =	shalt  }
0x5d: {  	_ =	shalt  }
0x5e: {  	_ =	shalt  }
0x5f: {  	_ =	shalt  }
0x60: {  	_ =	shalt  }
0x61: {  	_ =	shalt  }
0x62: {  	_ =	shalt  }
0x63: {  	_ =	shalt  }
0x64: {  	_ =	shalt  }
0x65: {  	_ =	shalt  }
0x66: {  	_ =	shalt  }
0x67: {  	_ =	shalt  }
0x68: {  	_ =	shalt  }
0x69: {  	_ =	shalt  }
0x6a: {  	_ =	shalt  }
0x6b: {  	_ =	shalt  }
0x6c: {  	_ =	shalt  }
0x6d: {  	_ =	shalt  }
0x6e: {  	_ =	shalt  }
0x6f: {  	_ =	shalt  }
0x70: {  	_ =	shalt  }
0x71: {  	_ =	shalt  }
0x72: {  	_ =	shalt  }
0x73: {  	_ =	shalt  }
0x74: {  	_ =	shalt  }
0x75: {  	_ =	shalt  }
0x76: {  	_ =	shalt  }
0x77: {  	_ =	shalt  }
0x78: {  	_ =	shalt  }
0x79: {  	_ =	shalt  }
0x7a: {  	_ =	shalt  }
0x7b: {  	_ =	shalt  }
0x7c: {  	_ =	shalt  }
0x7d: {  	_ =	shalt  }
0x7e: {  	_ =	shalt  }
0x7f: {  	_ =	shalt  }
0x80: {  	_ =	shalt  }
0x81: {  	_ =	shalt  }
0x82: {  	_ =	shalt  }
0x83: {  	_ =	shalt  }
0x84: {  	_ =	shalt  }
0x85: {  	_ =	shalt  }
0x86: {  	_ =	shalt  }
0x87: {  	_ =	shalt  }
.Lfunc_end0:
.L_simem_size_0:
called_computation.1_lowered:
.L_overlay_start_0:
0x88: {  	s2 =	sld [smem:$0x3FD9]  }
0x89: {  	s3 =	sld [smem:$0x3FFE];
	_ =	sdelay $0x1  }
0x8a: {  	s1 =	srdreg.scid  }
0x8b: {  	s0 =	sand.u32 $0x1, s1  }
0x8c: {  	s16 =	sshll.u32 s0, $0xA;
	s2 =	sadd.s32 s3, s2  }
0x8d: {  	s2 =	sadd.s32 s2, s16  }
0x8e: {  	[smem:$0x3FBB] =	sst s2  }
0x8f: {  	_ = 	snop  }
0x90: {  	(tm) =	ssettm $0x1  }
0x91: {  	s17 =	sld [smem:$0x3FFB];
	_ =	sdelay $0x3  }
0x92: {  	_ =	strace s17  }
0x93: {  	s2 =	sld [smem:$0x3FFC];
	_ =	sdelay $0x3  }
0x94: {  	_ =	strace s2  }
0x95: {  	s2 =	sld [smem:$0x3FFD];
	_ =	sdelay $0x3  }
0x96: {  	_ =	strace s2  }
0x97: {  	_ =	strace $0x8FFFFFFF  }
0x98: {  	s18 =	sld [smem:$0x3FDB];
	_ =	sdelay $0x1  }
0x99: {  	s19 =	simm.s32 $_scs_section_size  }
0x9a: {  	s4 =	simm.s32 $_size__tile_overlayer_lowered;
	s5 =	simm.s32 $_tile_overlayer_lowered  }
0x9b: {  	s22 =	simm.s32 $0x1BFF;
	s21 =	sshll.u32 s5, $0x1;
	s2 =	sadd.s32 s19, s18  }
0x9c: {  	s6 =	simm.s32 $0x0;
	s20 =	sshll.u32 s4, $0x1;
	s4 =	sadd.s32 s21, s2  }
0x9d: {  	[timem:s6], [sflag:s22] =	dma.local [hbm:s4], s20  }
0x9e: {  	_ =	swait.ge [sflag:s22], s20  }
0x9f: {  	s3 =	ssub.s32 $0x0, s20;
	[sflag:s22] =	ssyncset.done $0x0  }
0xa0: {  	[sflag:s22] =	ssyncadd.s32 s3;
	_ =	sdelay $0x1  }
0xa1: {  	s23 =	simm.s32 $0x1B8B  }
0xa2: {  	_ =	swait.ge [sflag:s23], $0x1  }
0xa3: {  	[sflag:s23] =	ssyncset.done $0x0  }
0xa4: {  	s25 =	simm.s32 $0x1B8E;
	s24 =	sld [smem:$0x3FFE];
	[sflag:s23] =	ssyncadd.s32 $0xFFFFFFFF  }
0xa5: {  	s26 =	simm.s32 $execute0_lowered;
	[smem:$0x3FD2] =	sst s25  }
0xa6: {  	s4 =	sshll.u32 s26, $0x1;
	_ =	strace $0x80000049;
	[dreg:$0x1] =	wrdreg $0xFFFFFFFF  }
0xa7: {  	s28 =	simm.s32 $_size_execute0_lowered;
	s2 =	sadd.s32 s2, s4;
	[dreg:$0x0] =	wrdreg $0x0  }
0xa8: {  	s4 =	sshll.u32 s28, $0x1;
	[dreg:$0x2] =	wrdreg s2  }
0xa9: {  	[dreg:$0x3] =	wrdreg s4  }
0xaa: {  	[dreg:$0x4] =	wrdreg $0xC0  }
0xab: {  	_ =	task [dreg:s6], $0x5FFFF  }
0xac: {  	[dreg:$0x1] =	wrdreg $0xFFFFFFFF  }
0xad: {  	[dreg:$0x0] =	wrdreg $0x60  }
0xae: {  	[dreg:$0x2] =	wrdreg s24  }
0xaf: {  	[dreg:$0x3] =	wrdreg $0xBE000  }
0xb0: {  	[dreg:$0x4] =	wrdreg $0x9  }
0xb1: {  	_ =	task.clear_ibuf [dreg:s6], $0x5FFFF;
	_ =	strace $0x90000049  }
0xb2: {  	s29 =	simm.s32 $0x9;
	_ =	strace $0x8000004B  }
0xb3: {  	_ =	swait.ge [sflag:s29], $0x1  }
0xb4: {  	[sflag:s29] =	ssyncadd.s32 $0xFFFFFFFF  }
0xb5: {  	_ =	strace $0x9000004B  }
0xb6: {  	_ =	sfence  }
0xb7: {  	s30 =	sld [smem:$0x0];
	_ =	sdelay $0x2  }
0xb8: {  	s31 =	sshll.u32 s1, $0xD;
	s1 =	sshrl.u32 s1, $0x2  }
0xb9: {  	s3 =	sand.u32 $0x4000, s31;
	s1 =	sadd.s32 s1, s30  }
0xba: {  	s0 =	sor.u32 s3, s0;
	s1 =	sshll.u32 s1, $0x11  }
0xbb: {  	s0 =	sor.u32 s1, s0  }
0xbc: {  	s0 =	sadd.s32 $0x8F2B, s0  }
0xbd: {  	[sflag:s0] =	ssyncadd.remote.s32 $0x1  }
0xbe: {  	_ =	sfence.sel $0xFFFF  }
0xbf: {  	[dreg:$0x0] =	wrdreg $0xFFFFFFFF;
	(pc) =	sbr.abs _section_cstart, $3  }
0xc0: {  	[dreg:$0x1] =	wrdreg $0xFFFFFFFF  }
0xc1: {  	_ =	task.clear_ibuf [dreg:s6], $0x2FFFF;
	_ =	strace $0x9FFFFFFF  }
0xc2: {  	(tm) =	ssettm $0x7FFFFFFF  }
0xc3: {  	_ =	shalt  }
tec
execute0_lowered:
.L_overlay_start_1:
0x0: {  	(tag) =	ssettag $0x1  }
0x1: {  	s15 =	stileid.u32  }
0x2: {  	s0 =	srdreg.scid;
	s3 =	rddreg [dreg:$0x0]  }
0x3: {  	s1 =	simm.s32 $0x0;
	s0 =	sand.u32 $0x1, s0;
	s2 =	smul.u32 $0xA000, s15  }
0x4: {  	[smem:$0x7FF] =	sst s1;
	s4 =	smul.u32 $0xA0000, s0;
	s6 =	ssub.s32 $0x2, s0  }
0x5: {  	s5 =	sadd.s32 $0xCC200, s3;
	s7 =	sshrl.u32 s6, $0x1;
	s9 =	sor.u32 $0x1000, s2  }
0x6: {  	s10 =	sadd.s32 $0x3000, s2;
	s12 =	sadd.s32 $0x4000, s2;
	s8 =	sadd.s32 s4, s2  }
0x7: {  	s6 =	ssub.s32 s6, s7;
	s14 =	sadd.s32 s4, s9;
	s11 =	sadd.s32 s4, s10  }
0x8: {  	s19 =	sadd.s32 s4, s12;
	s13 =	sshrl.u32 s8, $0x3;
	s16 =	sshrl.u32 s14, $0x3  }
0x9: {  	s8 =	sadd.s32 $0x2000, s2;
	s18 =	sshrl.u32 s11, $0x3;
	s20 =	sshrl.u32 s19, $0x3  }
0xa: {  	s19 =	sadd.s32 $0x9000, s2;
	s14 =	smul.u32 $0x9E0, s15;
	s11 =	rddreg [dreg:$0x1]  }
0xb: {  	s15 =	smul.u32 $0x28000, s15;
	s7 =	sadd.s32 s5, s13;
	s17 =	sadd.s32 s4, s8  }
0xc: {  	s13 =	sadd.s32 $0x5000, s2;
	s29 =	sadd.s32 s19, s11;
	[dreg:$0x3] =	wrdreg s7  }
0xd: {  	s7 =	sadd.s32 s5, s16;
	s21 =	sadd.s32 s4, s13;
	s16 =	sadd.s32 $0x6000, s2  }
0xe: {  	[dreg:$0x4] =	wrdreg s7;
	s7 =	sshrl.u32 s17, $0x3;
	s22 =	sadd.s32 s4, s16  }
0xf: {  	s17 =	sadd.s32 $0x7000, s2;
	s7 =	sadd.s32 s5, s7;
	s23 =	sshrl.u32 s22, $0x3  }
0x10: {  	s24 =	sadd.s32 s4, s17;
	[dreg:$0x5] =	wrdreg s7;
	s7 =	sadd.s32 s5, s18  }
0x11: {  	s25 =	sshrl.u32 s24, $0x3;
	s18 =	sadd.s32 $0x8000, s2;
	s24 =	smax.u32 s6, $0x1  }
0x12: {  	[dreg:$0x6] =	wrdreg s7;
	s7 =	sadd.s32 s5, s20;
	s26 =	sadd.s32 s4, s18  }
0x13: {  	s4 =	sadd.s32 s4, s19;
	s20 =	sshrl.u32 s15, $0x2;
	s28 =	sadd.s32 s18, s11  }
0x14: {  	[dreg:$0x7] =	wrdreg s7;
	s7 =	sshrl.u32 s21, $0x3;
	s4 =	sshrl.u32 s4, $0x3  }
0x15: {  	s15 =	sadd.s32 s20, s11;
	s20 =	smul.u32 $0x2800, s0;
	s7 =	sadd.s32 s5, s7  }
0x16: {  	s4 =	sadd.s32 s5, s4;
	s30 =	sadd.s32 $0x1000, s15;
	s31 =	sadd.s32 $0x2000, s15  }
0x17: {  	s0 =	sadd.s32 $0x4000, s15;
	s6 =	sadd.s32 $0x9000, s15;
	[dreg:$0x8] =	wrdreg s7  }
0x18: {  	s7 =	sadd.s32 s5, s23;
	[dreg:$0xc] =	wrdreg s4;
	s23 =	sadd.s32 s2, s11  }
0x19: {  	s2 =	sadd.s32 $0x5000, s15;
	[dreg:$0x9] =	wrdreg s7;
	s7 =	sadd.s32 s5, s25  }
0x1a: {  	s4 =	sadd.s32 $0x7000, s15;
	[dreg:$0xa] =	wrdreg s7;
	s7 =	sshrl.u32 s26, $0x3  }
0x1b: {  	s25 =	sadd.s32 s9, s11;
	s9 =	simm.s32 $0x40;
	s7 =	sadd.s32 s5, s7  }
0x1c: {  	s26 =	sadd.s32 s8, s11;
	s8 =	simm.s32 $0x3;
	[dreg:$0xb] =	wrdreg s7  }
0x1d: {  	s5 =	sadd.s32 $0x8000, s15;
	_ =	strace $0x8000004A;
	[dreg:$0xf] =	wrdreg s23  }
0x1e: {  	s7 =	sadd.s32 s14, s3;
	s14 =	sadd.s32 $0xA4200, s3;
	[dreg:$0x10] =	wrdreg s24  }
0x1f: {  	s3 =	sadd.s32 $0x6000, s15;
	s21 =	sadd.s32 $0x22400, s7;
	[dreg:$0x11] =	wrdreg s25  }
0x20: {  	s22 =	sadd.s32 $0x18600, s7;
	[dreg:$0x12] =	wrdreg s26;
	s23 =	sadd.s32 s12, s11  }
0x21: {  	s24 =	sadd.s32 s13, s11;
	s25 =	sadd.s32 s16, s11;
	s26 =	sadd.s32 s17, s11  }
0x22: {  	s7 =	simm.s32 $0x9E00;
	s12 =	simm.s32 $0xAE00;
	s13 =	simm.s32 $0x1  }
0x23: {  	s16 =	simm.s32 $0x2;
	s17 =	simm.s32 $0x0;
	[dreg:$0xd] =	wrdreg s21  }
0x24: {  	v1 =	vimm.f32 $0.0e+00;
	v0 =	vmov s20;
	[dreg:$0xe] =	wrdreg s22;
	s22 =	sadd.s32 s10, s11;
	s10 =	sadd.s32 $0x3000, s15  }
.LBB2_1:
0x25: {  	s19 =	simm.s32 $0x100;
	s18 =	simm.s32 $0x0  }
.LBB2_2:
0x26: {  	p0 =	sne.s32 s19, $0x3F00;
	[tilespmem:s18+$0x9E30] =	vst v1;
	s20 =	smov.u32 s19;
	s19 =	sadd.s32 $0x100, s19  }
.Ltmp0:
0x27: {  	[tilespmem:s18+$0x9E20] =	vst v1;
	(pc) =	sbr.rel @p0 .LBB2_2-.Ltmp0, $3  }
0x28: {  	[tilespmem:s18+$0x9E00] =	vst v1  }
0x29: {  	[tilespmem:s18+$0x9E10] =	vst v1;
	_ =	sdelay $0x1  }
0x2a: {  	s18 =	sshra.s32 s20, $0x2  }
0x2b: {  	[tilespmem:s18+$0x9E30] =	vst v1  }
0x2c: {  	[tilespmem:s18+$0x9E20] =	vst v1  }
0x2d: {  	[tilespmem:s18+$0x9E00] =	vst v1  }
0x2e: {  	[tilespmem:s18+$0x9E10] =	vst v1  }
0x2f: {  	[spmem:s15] =	stream.linear.scatter [tilespmem:s7], [sflag:$0x3], $0x1000, $0x38;
	[tilespmem:$0x15E00] =	vst v63  }
0x30: {  	_ =	swait.ge [sflag:s8], $0x1000  }
0x31: {  	[sflag:s8] =	ssyncset.done $0x0  }
0x32: {  	[sflag:s8] =	ssyncadd.s32 $0xFFFFF000  }
0x33: {  	[spmem:s30] =	stream.linear.scatter [tilespmem:s7], [sflag:$0x3], $0x1000, $0x38;
	[tilespmem:$0x15E00] =	vst v63  }
0x34: {  	_ =	swait.ge [sflag:s8], $0x1000  }
0x35: {  	[sflag:s8] =	ssyncset.done $0x0  }
0x36: {  	[sflag:s8] =	ssyncadd.s32 $0xFFFFF000  }
0x37: {  	[spmem:s31] =	stream.linear.scatter [tilespmem:s7], [sflag:$0x3], $0x1000, $0x38;
	[tilespmem:$0x15E00] =	vst v63  }
0x38: {  	_ =	swait.ge [sflag:s8], $0x1000  }
0x39: {  	[sflag:s8] =	ssyncset.done $0x0  }
0x3a: {  	[sflag:s8] =	ssyncadd.s32 $0xFFFFF000  }
0x3b: {  	[spmem:s10] =	stream.linear.scatter [tilespmem:s7], [sflag:$0x3], $0x1000, $0x38;
	[tilespmem:$0x15E00] =	vst v63  }
0x3c: {  	_ =	swait.ge [sflag:s8], $0x1000  }
0x3d: {  	[sflag:s8] =	ssyncset.done $0x0  }
0x3e: {  	[sflag:s8] =	ssyncadd.s32 $0xFFFFF000  }
0x3f: {  	[spmem:s0] =	stream.linear.scatter [tilespmem:s7], [sflag:$0x3], $0x1000, $0x38;
	[tilespmem:$0x15E00] =	vst v63  }
0x40: {  	_ =	swait.ge [sflag:s8], $0x1000  }
0x41: {  	[sflag:s8] =	ssyncset.done $0x0  }
0x42: {  	[sflag:s8] =	ssyncadd.s32 $0xFFFFF000  }
0x43: {  	[spmem:s2] =	stream.linear.scatter [tilespmem:s7], [sflag:$0x3], $0x1000, $0x38;
	[tilespmem:$0x15E00] =	vst v63  }
0x44: {  	_ =	swait.ge [sflag:s8], $0x1000  }
0x45: {  	[sflag:s8] =	ssyncset.done $0x0  }
0x46: {  	[sflag:s8] =	ssyncadd.s32 $0xFFFFF000  }
0x47: {  	[spmem:s3] =	stream.linear.scatter [tilespmem:s7], [sflag:$0x3], $0x1000, $0x38;
	[tilespmem:$0x15E00] =	vst v63  }
0x48: {  	_ =	swait.ge [sflag:s8], $0x1000  }
0x49: {  	[sflag:s8] =	ssyncset.done $0x0  }
0x4a: {  	[sflag:s8] =	ssyncadd.s32 $0xFFFFF000  }
0x4b: {  	[spmem:s4] =	stream.linear.scatter [tilespmem:s7], [sflag:$0x3], $0x1000, $0x38;
	[tilespmem:$0x15E00] =	vst v63  }
0x4c: {  	_ =	swait.ge [sflag:s8], $0x1000  }
0x4d: {  	[sflag:s8] =	ssyncset.done $0x0  }
0x4e: {  	[sflag:s8] =	ssyncadd.s32 $0xFFFFF000  }
0x4f: {  	[spmem:s5] =	stream.linear.scatter [tilespmem:s7], [sflag:$0x3], $0x1000, $0x38;
	[tilespmem:$0x15E00] =	vst v63  }
0x50: {  	_ =	swait.ge [sflag:s8], $0x1000  }
0x51: {  	[sflag:s8] =	ssyncset.done $0x0  }
0x52: {  	[sflag:s8] =	ssyncadd.s32 $0xFFFFF000  }
0x53: {  	[spmem:s6] =	stream.linear.scatter [tilespmem:s7], [sflag:$0x3], $0x1000, $0x38;
	[tilespmem:$0x15E00] =	vst v63  }
0x54: {  	_ =	swait.ge [sflag:s8], $0x1000  }
0x55: {  	[sflag:s8] =	ssyncset.done $0x0  }
0x56: {  	s18 =	simm.s32 $0x0;
	s19 =	rddreg [dreg:$0xd];
	[sflag:s8] =	ssyncadd.s32 $0xFFFFF000  }
0x57: {  	[tilespmem:s18], [sflag:$0x3] =	stream.linear.gather [hbm4b:s19+s18], $0x4F00, $0x38;
	[tilespmem:$0x15E00] =	vst v63  }
0x58: {  	_ =	swait.ge [sflag:s8], $0x4F00  }
0x59: {  	[sflag:s8] =	ssyncset.done $0x0  }
0x5a: {  	s20 =	simm.s32 $0x4F00;
	s21 =	rddreg [dreg:$0xe];
	[sflag:s8] =	ssyncadd.s32 $0xFFFFB100  }
0x5b: {  	[tilespmem:s20], [sflag:$0x3] =	stream.linear.gather [hbm4b:s21+s18], $0x4F00, $0x38;
	[tilespmem:$0x15E00] =	vst v63  }
0x5c: {  	_ =	swait.ge [sflag:s8], $0x4F00  }
0x5d: {  	[sflag:s8] =	ssyncset.done $0x0  }
0x5e: {  	s18 =	simm.s32 $0x0;
	[sflag:s8] =	ssyncadd.s32 $0xFFFFB100  }
0x5f: {  	v4 =	vld [tilespmem:s18+$0x0]  }
0x60: {  	v3 =	vld [tilespmem:s18+$0x10]  }
0x61: {  	s19 =	simm.s32 $0x100;
	v2 =	vld [tilespmem:s18+$0x20]  }
.LBB2_4:
0x62: {  	p0 =	sne.s32 s19, $0x13B00;
	v5 =	vld [tilespmem:s18+$0x30];
	_ =	sdelay $0x1  }
.Ltmp1:
0x63: {  	v4 =	vadd.s32 v0, v4;
	(pc) =	sbr.rel @p0 .LBB2_4-.Ltmp1, $4  }
0x64: {  	s20 =	sshra.s32 s19, $0x2;
	[tilespmem:s18+$0x0] =	vst v4;
	v3 =	vadd.s32 v0, v3  }
0x65: {  	v4 =	vld [tilespmem:s20+$0x0];
	[tilespmem:s18+$0x10] =	vst v3;
	v2 =	vadd.s32 v0, v2  }
0x66: {  	v3 =	vld [tilespmem:s20+$0x10];
	[tilespmem:s18+$0x20] =	vst v2;
	v5 =	vadd.s32 v0, v5  }
0x67: {  	s19 =	sadd.s32 $0x100, s19;
	v2 =	vld [tilespmem:s20+$0x20];
	[tilespmem:s18+$0x30] =	vst v5;
	s18 =	smov.u32 s20  }
0x68: {  	v5 =	vld [tilespmem:s18+$0x30];
	_ =	sdelay $0x1  }
0x69: {  	v4 =	vadd.s32 v0, v4  }
0x6a: {  	[tilespmem:s18+$0x0] =	vst v4;
	v3 =	vadd.s32 v0, v3  }
0x6b: {  	[tilespmem:s18+$0x10] =	vst v3;
	v2 =	vadd.s32 v0, v2  }
0x6c: {  	[tilespmem:s18+$0x20] =	vst v2;
	v2 =	vadd.s32 v0, v5  }
0x6d: {  	[tilespmem:s18+$0x30] =	vst v2  }
0x6e: {  	s21 =	simm.s32 $0x0;
	[bflag:$0x0] =	sbarrier.arrive $0xFFFF  }
0x6f: {  	[tilespmem:s7], [sflag:$0x1] =	stream.indirect.gather [hbm4b:s14+s9], $0x40, s21, s9, $0xb8;
	[tilespmem:$0x15E00] =	vst v63  }
0x70: {  	s19 =	simm.s32 $0x40  }
0x71: {  	[tilespmem:s12], [sflag:$0x2] =	stream.indirect.gather [hbm4b:s14+s9], $0x40, s19, s9, $0xb8;
	[tilespmem:$0x15E00] =	vst v63  }
0x72: {  	_ =	swait.ge [sflag:s13], $0x1000  }
0x73: {  	[sflag:s13] =	ssyncset.done $0x0  }
0x74: {  	s20 =	simm.s32 $0x4F00;
	[sflag:s13] =	ssyncadd.s32 $0xFFFFF000  }
0x75: {  	[spmem:s11] =	stream.indirect.scatter.add.f32 [tilespmem:s7], [sflag:$0x3], $0x40, s20, s9, $0xb8;
	[tilespmem:$0x15E00] =	vst v63  }
0x76: {  	_ =	swait.ge [sflag:s8], $0x1000  }
0x77: {  	[sflag:s8] =	ssyncset.done $0x0  }
0x78: {  	[sflag:s8] =	ssyncadd.s32 $0xFFFFF000  }
0x79: {  	_ =	swait.ge [sflag:s16], $0x1000  }
0x7a: {  	[sflag:s16] =	ssyncset.done $0x0  }
0x7b: {  	s21 =	simm.s32 $0x4F40;
	[sflag:s16] =	ssyncadd.s32 $0xFFFFF000  }
0x7c: {  	[spmem:s11] =	stream.indirect.scatter.add.f32 [tilespmem:s12], [sflag:$0x3], $0x40, s21, s9, $0xb8;
	[tilespmem:$0x15E00] =	vst v63  }
0x7d: {  	_ =	swait.ge [sflag:s8], $0x1000  }
0x7e: {  	s18 =	simm.s32 $0x200;
	s19 =	simm.s32 $0x400;
	[sflag:s8] =	ssyncset.done $0x0  }
.LBB2_6:
0x7f: {  	s20 =	sshra.s32 s18, $0x2  }
0x80: {  	[sflag:s8] =	ssyncadd.s32 $0xFFFFF000;
	s18 =	smov.u32 s19;
	s21 =	sadd.s32 $0x200, s19  }
0x81: {  	[tilespmem:s7], [sflag:$0x1] =	stream.indirect.gather [hbm4b:s14+s9], $0x40, s20, s9, $0xb8;
	[tilespmem:$0x15E00] =	vst v63  }
0x82: {  	p0 =	sne.s32 s19, $0x13A00;
	s19 =	sadd.s32 $0x40, s20  }
0x83: {  	[tilespmem:s12], [sflag:$0x2] =	stream.indirect.gather [hbm4b:s14+s9], $0x40, s19, s9, $0xb8;
	[tilespmem:$0x15E00] =	vst v63  }
0x84: {  	_ =	swait.ge [sflag:s13], $0x1000  }
0x85: {  	[sflag:s13] =	ssyncset.done $0x0  }
0x86: {  	s19 =	sadd.s32 $0x4F00, s20;
	[sflag:s13] =	ssyncadd.s32 $0xFFFFF000  }
0x87: {  	[spmem:s11] =	stream.indirect.scatter.add.f32 [tilespmem:s7], [sflag:$0x3], $0x40, s19, s9, $0xb8;
	[tilespmem:$0x15E00] =	vst v63  }
0x88: {  	_ =	swait.ge [sflag:s8], $0x1000  }
0x89: {  	[sflag:s8] =	ssyncset.done $0x0  }
0x8a: {  	[sflag:s8] =	ssyncadd.s32 $0xFFFFF000  }
0x8b: {  	_ =	swait.ge [sflag:s16], $0x1000  }
.Ltmp2:
0x8c: {  	[sflag:s16] =	ssyncset.done $0x0;
	(pc) =	sbr.rel @p0 .LBB2_6-.Ltmp2, $4  }
0x8d: {  	s19 =	sadd.s32 $0x4F40, s20;
	[sflag:s16] =	ssyncadd.s32 $0xFFFFF000  }
0x8e: {  	[spmem:s11] =	stream.indirect.scatter.add.f32 [tilespmem:s12], [sflag:$0x3], $0x40, s19, s9, $0xb8;
	[tilespmem:$0x15E00] =	vst v63  }
0x8f: {  	_ =	swait.ge [sflag:s8], $0x1000  }
0x90: {  	s19 =	smov.u32 s21;
	[sflag:s8] =	ssyncset.done $0x0  }
0x91: {  	s18 =	sshra.s32 s18, $0x2;
	[sflag:s8] =	ssyncadd.s32 $0xFFFFF000  }
0x92: {  	[tilespmem:s7], [sflag:$0x1] =	stream.indirect.gather [hbm4b:s14+s9], $0x40, s18, s9, $0xb8;
	[tilespmem:$0x15E00] =	vst v63  }
0x93: {  	s19 =	sadd.s32 $0x40, s18  }
0x94: {  	[tilespmem:s12], [sflag:$0x2] =	stream.indirect.gather [hbm4b:s14+s9], $0x40, s19, s9, $0xb8;
	[tilespmem:$0x15E00] =	vst v63  }
0x95: {  	_ =	swait.ge [sflag:s13], $0x1000  }
0x96: {  	[sflag:s13] =	ssyncset.done $0x0  }
0x97: {  	s21 =	sadd.s32 $0x4F00, s18;
	[sflag:s13] =	ssyncadd.s32 $0xFFFFF000  }
0x98: {  	[spmem:s11] =	stream.indirect.scatter.add.f32 [tilespmem:s7], [sflag:$0x3], $0x40, s21, s9, $0xb8;
	[tilespmem:$0x15E00] =	vst v63  }
0x99: {  	_ =	swait.ge [sflag:s8], $0x1000  }
0x9a: {  	[sflag:s8] =	ssyncset.done $0x0  }
0x9b: {  	[sflag:s8] =	ssyncadd.s32 $0xFFFFF000  }
0x9c: {  	_ =	swait.ge [sflag:s16], $0x1000  }
0x9d: {  	[sflag:s16] =	ssyncset.done $0x0  }
0x9e: {  	s18 =	sadd.s32 $0x4F40, s18;
	[sflag:s16] =	ssyncadd.s32 $0xFFFFF000  }
0x9f: {  	[spmem:s11] =	stream.indirect.scatter.add.f32 [tilespmem:s12], [sflag:$0x3], $0x40, s18, s9, $0xb8;
	[tilespmem:$0x15E00] =	vst v63  }
0xa0: {  	_ =	swait.ge [sflag:s8], $0x1000  }
0xa1: {  	[sflag:s8] =	ssyncset.done $0x0  }
0xa2: {  	[sflag:s8] =	ssyncadd.s32 $0xFFFFF000  }
0xa3: {  	[bflag:$0x0] =	sbarrier.arrive $0xFFFF  }
0xa4: {  	s20 =	rddreg [dreg:$0xf]  }
0xa5: {  	[tilespmem:s7], [sflag:$0x3] =	stream.linear.gather [spmem:s20], $0x1000, $0x38;
	[tilespmem:$0x15E00] =	vst v63  }
0xa6: {  	_ =	swait.ge [sflag:s8], $0x1000  }
0xa7: {  	[sflag:s8] =	ssyncset.done $0x0  }
0xa8: {  	s21 =	rddreg [dreg:$0x3];
	[sflag:s8] =	ssyncadd.s32 $0xFFFFF000  }
0xa9: {  	[hbm4b:s21+s1] =	stream.linear.scatter [tilespmem:s7], [sflag:$0x3], $0x1000, $0x38;
	[tilespmem:$0x15E00] =	vst v63  }
0xaa: {  	_ =	swait.ge [sflag:s8], $0x1000  }
0xab: {  	[sflag:s8] =	ssyncset.done $0x0  }
0xac: {  	s19 =	rddreg [dreg:$0x11];
	[sflag:s8] =	ssyncadd.s32 $0xFFFFF000  }
0xad: {  	[tilespmem:s7], [sflag:$0x3] =	stream.linear.gather [spmem:s19], $0x1000, $0x38;
	[tilespmem:$0x15E00] =	vst v63  }
0xae: {  	_ =	swait.ge [sflag:s8], $0x1000  }
0xaf: {  	[sflag:s8] =	ssyncset.done $0x0  }
0xb0: {  	s20 =	rddreg [dreg:$0x4];
	[sflag:s8] =	ssyncadd.s32 $0xFFFFF000  }
0xb1: {  	[hbm4b:s20+s1] =	stream.linear.scatter [tilespmem:s7], [sflag:$0x3], $0x1000, $0x38;
	[tilespmem:$0x15E00] =	vst v63  }
0xb2: {  	_ =	swait.ge [sflag:s8], $0x1000  }
0xb3: {  	[sflag:s8] =	ssyncset.done $0x0  }
0xb4: {  	s21 =	rddreg [dreg:$0x12];
	[sflag:s8] =	ssyncadd.s32 $0xFFFFF000  }
0xb5: {  	[tilespmem:s7], [sflag:$0x3] =	stream.linear.gather [spmem:s21], $0x1000, $0x38;
	[tilespmem:$0x15E00] =	vst v63  }
0xb6: {  	_ =	swait.ge [sflag:s8], $0x1000  }
0xb7: {  	[sflag:s8] =	ssyncset.done $0x0  }
0xb8: {  	s19 =	rddreg [dreg:$0x5];
	[sflag:s8] =	ssyncadd.s32 $0xFFFFF000  }
0xb9: {  	[hbm4b:s19+s1] =	stream.linear.scatter [tilespmem:s7], [sflag:$0x3], $0x1000, $0x38;
	[tilespmem:$0x15E00] =	vst v63  }
0xba: {  	_ =	swait.ge [sflag:s8], $0x1000  }
0xbb: {  	[sflag:s8] =	ssyncset.done $0x0  }
0xbc: {  	[sflag:s8] =	ssyncadd.s32 $0xFFFFF000  }
0xbd: {  	[tilespmem:s7], [sflag:$0x3] =	stream.linear.gather [spmem:s22], $0x1000, $0x38;
	[tilespmem:$0x15E00] =	vst v63  }
0xbe: {  	_ =	swait.ge [sflag:s8], $0x1000  }
0xbf: {  	[sflag:s8] =	ssyncset.done $0x0  }
0xc0: {  	s20 =	rddreg [dreg:$0x6];
	[sflag:s8] =	ssyncadd.s32 $0xFFFFF000  }
0xc1: {  	[hbm4b:s20+s1] =	stream.linear.scatter [tilespmem:s7], [sflag:$0x3], $0x1000, $0x38;
	[tilespmem:$0x15E00] =	vst v63  }
0xc2: {  	_ =	swait.ge [sflag:s8], $0x1000  }
0xc3: {  	[sflag:s8] =	ssyncset.done $0x0  }
0xc4: {  	[sflag:s8] =	ssyncadd.s32 $0xFFFFF000  }
0xc5: {  	[tilespmem:s7], [sflag:$0x3] =	stream.linear.gather [spmem:s23], $0x1000, $0x38;
	[tilespmem:$0x15E00] =	vst v63  }
0xc6: {  	_ =	swait.ge [sflag:s8], $0x1000  }
0xc7: {  	[sflag:s8] =	ssyncset.done $0x0  }
0xc8: {  	s21 =	rddreg [dreg:$0x7];
	[sflag:s8] =	ssyncadd.s32 $0xFFFFF000  }
0xc9: {  	[hbm4b:s21+s1] =	stream.linear.scatter [tilespmem:s7], [sflag:$0x3], $0x1000, $0x38;
	[tilespmem:$0x15E00] =	vst v63  }
0xca: {  	_ =	swait.ge [sflag:s8], $0x1000  }
0xcb: {  	[sflag:s8] =	ssyncset.done $0x0  }
0xcc: {  	[sflag:s8] =	ssyncadd.s32 $0xFFFFF000  }
0xcd: {  	[tilespmem:s7], [sflag:$0x3] =	stream.linear.gather [spmem:s24], $0x1000, $0x38;
	[tilespmem:$0x15E00] =	vst v63  }
0xce: {  	_ =	swait.ge [sflag:s8], $0x1000  }
0xcf: {  	[sflag:s8] =	ssyncset.done $0x0  }
0xd0: {  	s19 =	rddreg [dreg:$0x8];
	[sflag:s8] =	ssyncadd.s32 $0xFFFFF000  }
0xd1: {  	[hbm4b:s19+s1] =	stream.linear.scatter [tilespmem:s7], [sflag:$0x3], $0x1000, $0x38;
	[tilespmem:$0x15E00] =	vst v63  }
0xd2: {  	_ =	swait.ge [sflag:s8], $0x1000  }
0xd3: {  	[sflag:s8] =	ssyncset.done $0x0  }
0xd4: {  	[sflag:s8] =	ssyncadd.s32 $0xFFFFF000  }
0xd5: {  	[tilespmem:s7], [sflag:$0x3] =	stream.linear.gather [spmem:s25], $0x1000, $0x38;
	[tilespmem:$0x15E00] =	vst v63  }
0xd6: {  	_ =	swait.ge [sflag:s8], $0x1000  }
0xd7: {  	[sflag:s8] =	ssyncset.done $0x0  }
0xd8: {  	s20 =	rddreg [dreg:$0x9];
	[sflag:s8] =	ssyncadd.s32 $0xFFFFF000  }
0xd9: {  	[hbm4b:s20+s1] =	stream.linear.scatter [tilespmem:s7], [sflag:$0x3], $0x1000, $0x38;
	[tilespmem:$0x15E00] =	vst v63  }
0xda: {  	_ =	swait.ge [sflag:s8], $0x1000  }
0xdb: {  	[sflag:s8] =	ssyncset.done $0x0  }
0xdc: {  	[sflag:s8] =	ssyncadd.s32 $0xFFFFF000  }
0xdd: {  	[tilespmem:s7], [sflag:$0x3] =	stream.linear.gather [spmem:s26], $0x1000, $0x38;
	[tilespmem:$0x15E00] =	vst v63  }
0xde: {  	_ =	swait.ge [sflag:s8], $0x1000  }
0xdf: {  	[sflag:s8] =	ssyncset.done $0x0  }
0xe0: {  	s21 =	rddreg [dreg:$0xa];
	[sflag:s8] =	ssyncadd.s32 $0xFFFFF000  }
0xe1: {  	[hbm4b:s21+s1] =	stream.linear.scatter [tilespmem:s7], [sflag:$0x3], $0x1000, $0x38;
	[tilespmem:$0x15E00] =	vst v63  }
0xe2: {  	_ =	swait.ge [sflag:s8], $0x1000  }
0xe3: {  	[sflag:s8] =	ssyncset.done $0x0  }
0xe4: {  	[sflag:s8] =	ssyncadd.s32 $0xFFFFF000  }
0xe5: {  	[tilespmem:s7], [sflag:$0x3] =	stream.linear.gather [spmem:s28], $0x1000, $0x38;
	[tilespmem:$0x15E00] =	vst v63  }
0xe6: {  	_ =	swait.ge [sflag:s8], $0x1000  }
0xe7: {  	[sflag:s8] =	ssyncset.done $0x0  }
0xe8: {  	s19 =	rddreg [dreg:$0xb];
	[sflag:s8] =	ssyncadd.s32 $0xFFFFF000  }
0xe9: {  	[hbm4b:s19+s1] =	stream.linear.scatter [tilespmem:s7], [sflag:$0x3], $0x1000, $0x38;
	[tilespmem:$0x15E00] =	vst v63  }
0xea: {  	_ =	swait.ge [sflag:s8], $0x1000  }
0xeb: {  	[sflag:s8] =	ssyncset.done $0x0  }
0xec: {  	[sflag:s8] =	ssyncadd.s32 $0xFFFFF000  }
0xed: {  	[tilespmem:s7], [sflag:$0x3] =	stream.linear.gather [spmem:s29], $0x1000, $0x38;
	[tilespmem:$0x15E00] =	vst v63  }
0xee: {  	_ =	swait.ge [sflag:s8], $0x1000  }
0xef: {  	[sflag:s8] =	ssyncset.done $0x0  }
0xf0: {  	s20 =	rddreg [dreg:$0xc];
	[sflag:s8] =	ssyncadd.s32 $0xFFFFF000  }
0xf1: {  	[hbm4b:s20+s1] =	stream.linear.scatter [tilespmem:s7], [sflag:$0x3], $0x1000, $0x38;
	[tilespmem:$0x15E00] =	vst v63  }
0xf2: {  	_ =	swait.ge [sflag:s8], $0x1000  }
0xf3: {  	s17 =	sadd.s32 $0x1, s17;
	s21 =	rddreg [dreg:$0x10]  }
0xf4: {  	p0 =	sne.s32 s17, s21  }
.Ltmp3:
0xf5: {  	_ = 	snop;
	(pc) =	sbr.rel @p0 .LBB2_1-.Ltmp3, $3  }
0xf6: {  	_ =	sdelay $0x1  }
0xf7: {  	[sflag:s8] =	ssyncset.done $0x0  }
0xf8: {  	[sflag:s8] =	ssyncadd.s32 $0xFFFFF000  }
0xf9: {  	_ =	sfence.sel $0x180000  }
0xfa: {  	[bflag:$0x0] =	sbarrier.arrive $0xFFFF  }
0xfb: {  	_ =	strace $0x9000004A  }
0xfc: {  	s0 =	stileid.u32;
	[bflag:$0x2] =	sbarrier.arrive $0xFFFF  }
0xfd: {  	p0 =	sne.s32 s0, $0x0;
	s0 =	rddreg [dreg:$0x2]  }
0xfe: {  	s0 =	sadd.s32 @!p0 $0x100000, s0  }
0xff: {  	[sflag:s0] =	ssyncadd.tile.s32 @!p0 $0x1;
	_ =	shalt  }
.Lfunc_end2:
_tile_overlayer_lowered:
.L_overlay_start_2:
0x100: {  	(tag) =	ssettag $0x2  }
0x101: {  	s0 =	rddreg [dreg:$0x0];
	s2 =	stileid.u32  }
0x102: {  	s1 =	rddreg [dreg:$0x1];
	p0 =	sne.s32 s2, $0x0  }
0x103: {  	s3 =	rddreg [dreg:$0x2];
	[bflag:$0x3] =	sbarrier.arrive $0xFFFF;
	s2 =	simm.s32 @!p0 $0x1C03  }
0x104: {  	[timem:s3], [sflag:s2] =	dma.local @!p0 [hbm:s0], s1  }
0x105: {  	s0 =	simm.s32 @!p0 $0x3  }
0x106: {  	_ =	swait.ge @!p0 [sflag:s0], s1  }
0x107: {  	s1 =	ssub.s32 @!p0 $0x0, s1;
	[sflag:s0] =	ssyncset.done @!p0 $0x0  }
0x108: {  	[sflag:s0] =	ssyncadd.s32 @!p0 s1  }
0x109: {  	[bflag:$0x3] =	sbarrier.arrive $0xFFFF  }
0x10a: {  	_ =	shalt  }

// kernel: kernel.18.cloned.1.call-start
scs
__scs_entry_jumppad:
0x0: {  	(pc) =	sbr.rel $0x88, $3  }
0x1: {  	(tag) =	ssettag $0x0;
	lr =	simm.s32 $0x1  }
0x2: {  	[smem:$0x3F94] =	sst lr;
	_ =	strace $0xD0000000  }
0x3: {  	_ = 	snop  }
0x4: {  	_ = 	snop  }
0x5: {  	_ = 	snop  }
0x6: {  	_ = 	snop  }
0x7: {  	_ = 	snop  }
__scs_overlays_trampoline_lowered:
0x8: {  	[smem:$0x3FA3] =	sst s0  }
0x9: {  	[smem:$0x3FA4] =	sst s1  }
0xa: {  	[smem:$0x3FA5] =	sst s2  }
0xb: {  	[smem:$0x3FA6] =	sst s3  }
0xc: {  	[smem:$0x3FA7] =	sst s4  }
0xd: {  	[smem:$0x3FA8] =	sst s5  }
0xe: {  	[smem:$0x3FA9] =	sst s6  }
0xf: {  	[smem:$0x3FAA] =	sst s7  }
0x10: {  	[smem:$0x3FAB] =	sst s8  }
0x11: {  	[smem:$0x3FAC] =	sst s9;
	s0 =	simm.s32 @!p0 $0x0  }
0x12: {  	s1 =	sld [smem:$0x3F92];
	s0 =	simm.s32 @p0 $0x1  }
0x13: {  	[smem:$0x3FAD] =	sst s0;
	s0 =	simm.s32 @!p1 $0x0  }
0x14: {  	s2 =	sld [smem:$0x3F91];
	s0 =	simm.s32 @p1 $0x1  }
0x15: {  	[smem:$0x3FAE] =	sst s0;
	s0 =	simm.s32 @!p2 $0x0  }
0x16: {  	s3 =	sld [smem:$0x3FDB];
	s0 =	simm.s32 @p2 $0x1  }
0x17: {  	s4 =	simm.s32 $0x1BF5;
	[smem:$0x3FB0] =	sst s0  }
0x18: {  	s0 =	sld [smem:$0x3F93];
	_ =	swait.ge [sflag:s4], $0x0  }
0x19: {  	s7 =	sld [smem:$0x3F94]  }
0x1a: {  	s8 =	sadd.s32 $0xFFFFE003, lr  }
0x1b: {  	s9 =	sadd.s32 $0xFFFFFEF7, lr;
	s5 =	simm.s32 $0xFFFFFFFF;
	p2 =	slt.u32 s8, $0xFFFFF086  }
0x1c: {  	p1 =	slt.u32 s9, $0xF7A;
	s5 =	simm.s32 @!p2 $0x0  }
0x1d: {  	s5 =	simm.s32 @p1 $0x1;
	p0 =	seq.s32 s7, s2  }
0x1e: {  	s7 =	smul.u32 @!p0 $0xF7A, s2;
	p2 =	seq.s32 @!p0 s5, $0x0  }
0x1f: {  	s9 =	smul.u32 $0xF7A, s1;
	s8 =	simm.s32 @!p0 $0x1BF5;
	p2 =	por !p2, p0  }
0x20: {  	[sflag:s8] =	ssyncset.s32 @!p0 $0xFFFFF086;
	s6 =	sadd.s32 @!p0 s3, s7;
	s7 =	simm.s32 @!p0 $0x108  }
0x21: {  	s3 =	sadd.s32 s3, s9;
	s6 =	sadd.s32 @!p0 $0x88, s6;
	s7 =	simm.s32 @p2 $0x1082  }
0x22: {  	[simem:s7], [sflag:s8] =	dma.local @!p0 [hbm:s6], $0xF7A  }
0x23: {  	s9 =	sor.u32 $0xD0000000, s2;
	s6 =	simm.s32 $0x108;
	_ =	swait.ge @!p0 [sflag:s8], $0x0  }
0x24: {  	s3 =	sadd.s32 $0x88, s3;
	s6 =	simm.s32 @!p1 $0x1082;
	[sflag:s4] =	ssyncset.s32 $0xFFFFF086  }
0x25: {  	[simem:s6], [sflag:s4] =	dma.local [hbm:s3], $0xF7A  }
0x26: {  	[smem:$0x3F94] =	sst s1;
	(tag) =	ssettag s2;
	_ =	strace s9  }
0x27: {  	s1 =	sld [smem:$0x3FA4]  }
0x28: {  	s2 =	sld [smem:$0x3FA5]  }
0x29: {  	s4 =	sld [smem:$0x3FA7]  }
0x2a: {  	p0 =	seq.s32 s5, $0x0;
	s5 =	sld [smem:$0x3FA8]  }
0x2b: {  	s6 =	sld [smem:$0x3FA9]  }
0x2c: {  	s7 =	sld [smem:$0x3FAA]  }
0x2d: {  	s3 =	simm.s32 $0x108;
	s8 =	sld [smem:$0x3FAB]  }
0x2e: {  	s3 =	simm.s32 @!p0 $0x1082;
	s9 =	sld [smem:$0x3FAC]  }
0x2f: {  	lr =	sadd.s32 s0, s3;
	s0 =	sld [smem:$0x3FA3]  }
0x30: {  	s3 =	sld [smem:$0x3FA6]  }
0x31: {  	[smem:$0x3FAF] =	sst s10  }
0x32: {  	s10 =	sld [smem:$0x3FAD];
	_ =	sdelay $0x3  }
0x33: {  	p0 =	seq.s32 s10, $0x1;
	s10 =	sld [smem:$0x3FAF];
	_ =	sdelay $0x3  }
0x34: {  	[smem:$0x3FAF] =	sst s10  }
0x35: {  	s10 =	sld [smem:$0x3FAE];
	_ =	sdelay $0x3  }
0x36: {  	p1 =	seq.s32 s10, $0x1;
	s10 =	sld [smem:$0x3FAF];
	_ =	sdelay $0x3  }
0x37: {  	[smem:$0x3FAF] =	sst s10  }
0x38: {  	s10 =	sld [smem:$0x3FB0]  }
0x39: {  	_ = 	snop;
	(pc) =	sbr.ind lr, $3  }
0x3a: {  	_ = 	snop  }
0x3b: {  	_ = 	snop  }
0x3c: {  	p2 =	seq.s32 s10, $0x1;
	s10 =	sld [smem:$0x3FAF]  }
0x3d: {  	_ =	shalt  }
0x3e: {  	_ =	shalt  }
0x3f: {  	_ =	shalt  }
0x40: {  	_ =	shalt  }
0x41: {  	_ =	shalt  }
0x42: {  	_ =	shalt  }
0x43: {  	_ =	shalt  }
0x44: {  	_ =	shalt  }
0x45: {  	_ =	shalt  }
0x46: {  	_ =	shalt  }
0x47: {  	_ =	shalt  }
0x48: {  	_ =	shalt  }
0x49: {  	_ =	shalt  }
0x4a: {  	_ =	shalt  }
0x4b: {  	_ =	shalt  }
0x4c: {  	_ =	shalt  }
0x4d: {  	_ =	shalt  }
0x4e: {  	_ =	shalt  }
0x4f: {  	_ =	shalt  }
0x50: {  	_ =	shalt  }
0x51: {  	_ =	shalt  }
0x52: {  	_ =	shalt  }
0x53: {  	_ =	shalt  }
0x54: {  	_ =	shalt  }
0x55: {  	_ =	shalt  }
0x56: {  	_ =	shalt  }
0x57: {  	_ =	shalt  }
0x58: {  	_ =	shalt  }
0x59: {  	_ =	shalt  }
0x5a: {  	_ =	shalt  }
0x5b: {  	_ =	shalt  }
0x5c: {  	_ =	shalt  }
0x5d: {  	_ =	shalt  }
0x5e: {  	_ =	shalt  }
0x5f: {  	_ =	shalt  }
0x60: {  	_ =	shalt  }
0x61: {  	_ =	shalt  }
0x62: {  	_ =	shalt  }
0x63: {  	_ =	shalt  }
0x64: {  	_ =	shalt  }
0x65: {  	_ =	shalt  }
0x66: {  	_ =	shalt  }
0x67: {  	_ =	shalt  }
0x68: {  	_ =	shalt  }
0x69: {  	_ =	shalt  }
0x6a: {  	_ =	shalt  }
0x6b: {  	_ =	shalt  }
0x6c: {  	_ =	shalt  }
0x6d: {  	_ =	shalt  }
0x6e: {  	_ =	shalt  }
0x6f: {  	_ =	shalt  }
0x70: {  	_ =	shalt  }
0x71: {  	_ =	shalt  }
0x72: {  	_ =	shalt  }
0x73: {  	_ =	shalt  }
0x74: {  	_ =	shalt  }
0x75: {  	_ =	shalt  }
0x76: {  	_ =	shalt  }
0x77: {  	_ =	shalt  }
0x78: {  	_ =	shalt  }
0x79: {  	_ =	shalt  }
0x7a: {  	_ =	shalt  }
0x7b: {  	_ =	shalt  }
0x7c: {  	_ =	shalt  }
0x7d: {  	_ =	shalt  }
0x7e: {  	_ =	shalt  }
0x7f: {  	_ =	shalt  }
0x80: {  	_ =	shalt  }
0x81: {  	_ =	shalt  }
0x82: {  	_ =	shalt  }
0x83: {  	_ =	shalt  }
0x84: {  	_ =	shalt  }
0x85: {  	_ =	shalt  }
0x86: {  	_ =	shalt  }
0x87: {  	_ =	shalt  }
.Lfunc_end0:
.L_simem_size_0:
called_computation.2_lowered:
.L_overlay_start_0:
0x88: {  	s2 =	sld [smem:$0x3FD9]  }
0x89: {  	s3 =	sld [smem:$0x3FFE];
	_ =	sdelay $0x1  }
0x8a: {  	s1 =	srdreg.scid  }
0x8b: {  	s0 =	sand.u32 $0x1, s1  }
0x8c: {  	s16 =	sshll.u32 s0, $0xA;
	s2 =	sadd.s32 s3, s2  }
0x8d: {  	s2 =	sadd.s32 s2, s16  }
0x8e: {  	[smem:$0x3FBB] =	sst s2  }
0x8f: {  	_ = 	snop  }
0x90: {  	(tm) =	ssettm $0x1  }
0x91: {  	s17 =	sld [smem:$0x3FFB];
	_ =	sdelay $0x3  }
0x92: {  	_ =	strace s17  }
0x93: {  	s2 =	sld [smem:$0x3FFC];
	_ =	sdelay $0x3  }
0x94: {  	_ =	strace s2  }
0x95: {  	s2 =	sld [smem:$0x3FFD];
	_ =	sdelay $0x3  }
0x96: {  	_ =	strace s2  }
0x97: {  	_ =	strace $0x8FFFFFFF  }
0x98: {  	s18 =	sld [smem:$0x3FDB];
	_ =	sdelay $0x1  }
0x99: {  	s19 =	simm.s32 $_scs_section_size  }
0x9a: {  	s4 =	simm.s32 $_size__tile_overlayer_lowered;
	s5 =	simm.s32 $_tile_overlayer_lowered  }
0x9b: {  	s22 =	simm.s32 $0x1BFF;
	s21 =	sshll.u32 s5, $0x1;
	s2 =	sadd.s32 s19, s18  }
0x9c: {  	s6 =	simm.s32 $0x0;
	s20 =	sshll.u32 s4, $0x1;
	s4 =	sadd.s32 s21, s2  }
0x9d: {  	[timem:s6], [sflag:s22] =	dma.local [hbm:s4], s20  }
0x9e: {  	_ =	swait.ge [sflag:s22], s20  }
0x9f: {  	s3 =	ssub.s32 $0x0, s20;
	[sflag:s22] =	ssyncset.done $0x0  }
0xa0: {  	[sflag:s22] =	ssyncadd.s32 s3;
	_ =	sdelay $0x1  }
0xa1: {  	s23 =	simm.s32 $0x1B8B  }
0xa2: {  	_ =	swait.ge [sflag:s23], $0x1  }
0xa3: {  	[sflag:s23] =	ssyncset.done $0x0  }
0xa4: {  	s25 =	simm.s32 $0x1B8E;
	s24 =	sld [smem:$0x3FFE];
	[sflag:s23] =	ssyncadd.s32 $0xFFFFFFFF  }
0xa5: {  	s26 =	simm.s32 $execute0_lowered;
	[smem:$0x3FD2] =	sst s25  }
0xa6: {  	s4 =	sshll.u32 s26, $0x1;
	_ =	strace $0x8000004C;
	[dreg:$0x1] =	wrdreg $0xFFFFFFFF  }
0xa7: {  	s28 =	simm.s32 $_size_execute0_lowered;
	s2 =	sadd.s32 s2, s4;
	[dreg:$0x0] =	wrdreg $0x0  }
0xa8: {  	s4 =	sshll.u32 s28, $0x1;
	[dreg:$0x2] =	wrdreg s2  }
0xa9: {  	[dreg:$0x3] =	wrdreg s4  }
0xaa: {  	[dreg:$0x4] =	wrdreg $0xC0  }
0xab: {  	_ =	task [dreg:s6], $0x5FFFF  }
0xac: {  	[dreg:$0x1] =	wrdreg $0xFFFFFFFF  }
0xad: {  	[dreg:$0x0] =	wrdreg $0x60  }
0xae: {  	[dreg:$0x2] =	wrdreg s24  }
0xaf: {  	[dreg:$0x3] =	wrdreg $0xBE000  }
0xb0: {  	[dreg:$0x4] =	wrdreg $0x9  }
0xb1: {  	_ =	task.clear_ibuf [dreg:s6], $0x5FFFF;
	_ =	strace $0x9000004C  }
0xb2: {  	s29 =	simm.s32 $0x9;
	_ =	strace $0x8000004E  }
0xb3: {  	_ =	swait.ge [sflag:s29], $0x1  }
0xb4: {  	[sflag:s29] =	ssyncadd.s32 $0xFFFFFFFF  }
0xb5: {  	_ =	strace $0x9000004E  }
0xb6: {  	_ =	sfence  }
0xb7: {  	s30 =	sld [smem:$0x0];
	_ =	sdelay $0x2  }
0xb8: {  	s31 =	sshll.u32 s1, $0xD;
	s1 =	sshrl.u32 s1, $0x2  }
0xb9: {  	s3 =	sand.u32 $0x4000, s31;
	s1 =	sadd.s32 s1, s30  }
0xba: {  	s0 =	sor.u32 s3, s0;
	s1 =	sshll.u32 s1, $0x11  }
0xbb: {  	s0 =	sor.u32 s1, s0  }
0xbc: {  	s0 =	sadd.s32 $0x8F2B, s0  }
0xbd: {  	[sflag:s0] =	ssyncadd.remote.s32 $0x1  }
0xbe: {  	_ =	sfence.sel $0xFFFF  }
0xbf: {  	[dreg:$0x0] =	wrdreg $0xFFFFFFFF;
	(pc) =	sbr.abs _section_cstart, $3  }
0xc0: {  	[dreg:$0x1] =	wrdreg $0xFFFFFFFF  }
0xc1: {  	_ =	task.clear_ibuf [dreg:s6], $0x2FFFF;
	_ =	strace $0x9FFFFFFF  }
0xc2: {  	(tm) =	ssettm $0x7FFFFFFF  }
0xc3: {  	_ =	shalt  }
tec
execute0_lowered:
.L_overlay_start_1:
0x0: {  	(tag) =	ssettag $0x1  }
0x1: {  	s15 =	stileid.u32  }
0x2: {  	s0 =	srdreg.scid;
	s3 =	rddreg [dreg:$0x0]  }
0x3: {  	s1 =	simm.s32 $0x0;
	s0 =	sand.u32 $0x1, s0;
	s2 =	smul.u32 $0xA000, s15  }
0x4: {  	[smem:$0x7FF] =	sst s1;
	s4 =	smul.u32 $0xA0000, s0;
	s6 =	ssub.s32 $0x2, s0  }
0x5: {  	s5 =	sadd.s32 $0xCC200, s3;
	s7 =	sshrl.u32 s6, $0x1;
	s9 =	sor.u32 $0x1000, s2  }
0x6: {  	s10 =	sadd.s32 $0x3000, s2;
	s12 =	sadd.s32 $0x4000, s2;
	s8 =	sadd.s32 s4, s2  }
0x7: {  	s6 =	ssub.s32 s6, s7;
	s14 =	sadd.s32 s4, s9;
	s11 =	sadd.s32 s4, s10  }
0x8: {  	s19 =	sadd.s32 s4, s12;
	s13 =	sshrl.u32 s8, $0x3;
	s16 =	sshrl.u32 s14, $0x3  }
0x9: {  	s8 =	sadd.s32 $0x2000, s2;
	s18 =	sshrl.u32 s11, $0x3;
	s20 =	sshrl.u32 s19, $0x3  }
0xa: {  	s19 =	sadd.s32 $0x9000, s2;
	s14 =	smul.u32 $0x9E0, s15;
	s11 =	rddreg [dreg:$0x1]  }
0xb: {  	s15 =	smul.u32 $0x28000, s15;
	s7 =	sadd.s32 s5, s13;
	s17 =	sadd.s32 s4, s8  }
0xc: {  	s13 =	sadd.s32 $0x5000, s2;
	s29 =	sadd.s32 s19, s11;
	[dreg:$0x3] =	wrdreg s7  }
0xd: {  	s7 =	sadd.s32 s5, s16;
	s21 =	sadd.s32 s4, s13;
	s16 =	sadd.s32 $0x6000, s2  }
0xe: {  	[dreg:$0x4] =	wrdreg s7;
	s7 =	sshrl.u32 s17, $0x3;
	s22 =	sadd.s32 s4, s16  }
0xf: {  	s17 =	sadd.s32 $0x7000, s2;
	s7 =	sadd.s32 s5, s7;
	s23 =	sshrl.u32 s22, $0x3  }
0x10: {  	s24 =	sadd.s32 s4, s17;
	[dreg:$0x5] =	wrdreg s7;
	s7 =	sadd.s32 s5, s18  }
0x11: {  	s25 =	sshrl.u32 s24, $0x3;
	s18 =	sadd.s32 $0x8000, s2;
	s24 =	smax.u32 s6, $0x1  }
0x12: {  	[dreg:$0x6] =	wrdreg s7;
	s7 =	sadd.s32 s5, s20;
	s26 =	sadd.s32 s4, s18  }
0x13: {  	s4 =	sadd.s32 s4, s19;
	s20 =	sshrl.u32 s15, $0x2;
	s28 =	sadd.s32 s18, s11  }
0x14: {  	[dreg:$0x7] =	wrdreg s7;
	s7 =	sshrl.u32 s21, $0x3;
	s4 =	sshrl.u32 s4, $0x3  }
0x15: {  	s15 =	sadd.s32 s20, s11;
	s20 =	smul.u32 $0x2800, s0;
	s7 =	sadd.s32 s5, s7  }
0x16: {  	s4 =	sadd.s32 s5, s4;
	s30 =	sadd.s32 $0x1000, s15;
	s31 =	sadd.s32 $0x2000, s15  }
0x17: {  	s0 =	sadd.s32 $0x4000, s15;
	s6 =	sadd.s32 $0x9000, s15;
	[dreg:$0x8] =	wrdreg s7  }
0x18: {  	s7 =	sadd.s32 s5, s23;
	[dreg:$0xc] =	wrdreg s4;
	s23 =	sadd.s32 s2, s11  }
0x19: {  	s2 =	sadd.s32 $0x5000, s15;
	[dreg:$0x9] =	wrdreg s7;
	s7 =	sadd.s32 s5, s25  }
0x1a: {  	s4 =	sadd.s32 $0x7000, s15;
	[dreg:$0xa] =	wrdreg s7;
	s7 =	sshrl.u32 s26, $0x3  }
0x1b: {  	s25 =	sadd.s32 s9, s11;
	s9 =	simm.s32 $0x40;
	s7 =	sadd.s32 s5, s7  }
0x1c: {  	s26 =	sadd.s32 s8, s11;
	s8 =	simm.s32 $0x3;
	[dreg:$0xb] =	wrdreg s7  }
0x1d: {  	s5 =	sadd.s32 $0x8000, s15;
	_ =	strace $0x8000004D;
	[dreg:$0xf] =	wrdreg s23  }
0x1e: {  	s7 =	sadd.s32 s14, s3;
	s14 =	sadd.s32 $0xA4200, s3;
	[dreg:$0x10] =	wrdreg s24  }
0x1f: {  	s3 =	sadd.s32 $0x6000, s15;
	s21 =	sadd.s32 $0x22400, s7;
	[dreg:$0x11] =	wrdreg s25  }
0x20: {  	s22 =	sadd.s32 $0x18600, s7;
	[dreg:$0x12] =	wrdreg s26;
	s23 =	sadd.s32 s12, s11  }
0x21: {  	s24 =	sadd.s32 s13, s11;
	s25 =	sadd.s32 s16, s11;
	s26 =	sadd.s32 s17, s11  }
0x22: {  	s7 =	simm.s32 $0x9E00;
	s12 =	simm.s32 $0xAE00;
	s13 =	simm.s32 $0x1  }
0x23: {  	s16 =	simm.s32 $0x2;
	s17 =	simm.s32 $0x0;
	[dreg:$0xd] =	wrdreg s21  }
0x24: {  	v1 =	vimm.f32 $0.0e+00;
	v0 =	vmov s20;
	[dreg:$0xe] =	wrdreg s22;
	s22 =	sadd.s32 s10, s11;
	s10 =	sadd.s32 $0x3000, s15  }
.LBB2_1:
0x25: {  	s19 =	simm.s32 $0x100;
	s18 =	simm.s32 $0x0  }
.LBB2_2:
0x26: {  	p0 =	sne.s32 s19, $0x3F00;
	[tilespmem:s18+$0x9E30] =	vst v1;
	s20 =	smov.u32 s19;
	s19 =	sadd.s32 $0x100, s19  }
.Ltmp0:
0x27: {  	[tilespmem:s18+$0x9E20] =	vst v1;
	(pc) =	sbr.rel @p0 .LBB2_2-.Ltmp0, $3  }
0x28: {  	[tilespmem:s18+$0x9E00] =	vst v1  }
0x29: {  	[tilespmem:s18+$0x9E10] =	vst v1;
	_ =	sdelay $0x1  }
0x2a: {  	s18 =	sshra.s32 s20, $0x2  }
0x2b: {  	[tilespmem:s18+$0x9E30] =	vst v1  }
0x2c: {  	[tilespmem:s18+$0x9E20] =	vst v1  }
0x2d: {  	[tilespmem:s18+$0x9E00] =	vst v1  }
0x2e: {  	[tilespmem:s18+$0x9E10] =	vst v1  }
0x2f: {  	[spmem:s15] =	stream.linear.scatter [tilespmem:s7], [sflag:$0x3], $0x1000, $0x38;
	[tilespmem:$0x15E00] =	vst v63  }
0x30: {  	_ =	swait.ge [sflag:s8], $0x1000  }
0x31: {  	[sflag:s8] =	ssyncset.done $0x0  }
0x32: {  	[sflag:s8] =	ssyncadd.s32 $0xFFFFF000  }
0x33: {  	[spmem:s30] =	stream.linear.scatter [tilespmem:s7], [sflag:$0x3], $0x1000, $0x38;
	[tilespmem:$0x15E00] =	vst v63  }
0x34: {  	_ =	swait.ge [sflag:s8], $0x1000  }
0x35: {  	[sflag:s8] =	ssyncset.done $0x0  }
0x36: {  	[sflag:s8] =	ssyncadd.s32 $0xFFFFF000  }
0x37: {  	[spmem:s31] =	stream.linear.scatter [tilespmem:s7], [sflag:$0x3], $0x1000, $0x38;
	[tilespmem:$0x15E00] =	vst v63  }
0x38: {  	_ =	swait.ge [sflag:s8], $0x1000  }
0x39: {  	[sflag:s8] =	ssyncset.done $0x0  }
0x3a: {  	[sflag:s8] =	ssyncadd.s32 $0xFFFFF000  }
0x3b: {  	[spmem:s10] =	stream.linear.scatter [tilespmem:s7], [sflag:$0x3], $0x1000, $0x38;
	[tilespmem:$0x15E00] =	vst v63  }
0x3c: {  	_ =	swait.ge [sflag:s8], $0x1000  }
0x3d: {  	[sflag:s8] =	ssyncset.done $0x0  }
0x3e: {  	[sflag:s8] =	ssyncadd.s32 $0xFFFFF000  }
0x3f: {  	[spmem:s0] =	stream.linear.scatter [tilespmem:s7], [sflag:$0x3], $0x1000, $0x38;
	[tilespmem:$0x15E00] =	vst v63  }
0x40: {  	_ =	swait.ge [sflag:s8], $0x1000  }
0x41: {  	[sflag:s8] =	ssyncset.done $0x0  }
0x42: {  	[sflag:s8] =	ssyncadd.s32 $0xFFFFF000  }
0x43: {  	[spmem:s2] =	stream.linear.scatter [tilespmem:s7], [sflag:$0x3], $0x1000, $0x38;
	[tilespmem:$0x15E00] =	vst v63  }
0x44: {  	_ =	swait.ge [sflag:s8], $0x1000  }
0x45: {  	[sflag:s8] =	ssyncset.done $0x0  }
0x46: {  	[sflag:s8] =	ssyncadd.s32 $0xFFFFF000  }
0x47: {  	[spmem:s3] =	stream.linear.scatter [tilespmem:s7], [sflag:$0x3], $0x1000, $0x38;
	[tilespmem:$0x15E00] =	vst v63  }
0x48: {  	_ =	swait.ge [sflag:s8], $0x1000  }
0x49: {  	[sflag:s8] =	ssyncset.done $0x0  }
0x4a: {  	[sflag:s8] =	ssyncadd.s32 $0xFFFFF000  }
0x4b: {  	[spmem:s4] =	stream.linear.scatter [tilespmem:s7], [sflag:$0x3], $0x1000, $0x38;
	[tilespmem:$0x15E00] =	vst v63  }
0x4c: {  	_ =	swait.ge [sflag:s8], $0x1000  }
0x4d: {  	[sflag:s8] =	ssyncset.done $0x0  }
0x4e: {  	[sflag:s8] =	ssyncadd.s32 $0xFFFFF000  }
0x4f: {  	[spmem:s5] =	stream.linear.scatter [tilespmem:s7], [sflag:$0x3], $0x1000, $0x38;
	[tilespmem:$0x15E00] =	vst v63  }
0x50: {  	_ =	swait.ge [sflag:s8], $0x1000  }
0x51: {  	[sflag:s8] =	ssyncset.done $0x0  }
0x52: {  	[sflag:s8] =	ssyncadd.s32 $0xFFFFF000  }
0x53: {  	[spmem:s6] =	stream.linear.scatter [tilespmem:s7], [sflag:$0x3], $0x1000, $0x38;
	[tilespmem:$0x15E00] =	vst v63  }
0x54: {  	_ =	swait.ge [sflag:s8], $0x1000  }
0x55: {  	[sflag:s8] =	ssyncset.done $0x0  }
0x56: {  	s18 =	simm.s32 $0x0;
	s19 =	rddreg [dreg:$0xd];
	[sflag:s8] =	ssyncadd.s32 $0xFFFFF000  }
0x57: {  	[tilespmem:s18], [sflag:$0x3] =	stream.linear.gather [hbm4b:s19+s18], $0x4F00, $0x38;
	[tilespmem:$0x15E00] =	vst v63  }
0x58: {  	_ =	swait.ge [sflag:s8], $0x4F00  }
0x59: {  	[sflag:s8] =	ssyncset.done $0x0  }
0x5a: {  	s20 =	simm.s32 $0x4F00;
	s21 =	rddreg [dreg:$0xe];
	[sflag:s8] =	ssyncadd.s32 $0xFFFFB100  }
0x5b: {  	[tilespmem:s20], [sflag:$0x3] =	stream.linear.gather [hbm4b:s21+s18], $0x4F00, $0x38;
	[tilespmem:$0x15E00] =	vst v63  }
0x5c: {  	_ =	swait.ge [sflag:s8], $0x4F00  }
0x5d: {  	[sflag:s8] =	ssyncset.done $0x0  }
0x5e: {  	s18 =	simm.s32 $0x0;
	[sflag:s8] =	ssyncadd.s32 $0xFFFFB100  }
0x5f: {  	v4 =	vld [tilespmem:s18+$0x0]  }
0x60: {  	v3 =	vld [tilespmem:s18+$0x10]  }
0x61: {  	s19 =	simm.s32 $0x100;
	v2 =	vld [tilespmem:s18+$0x20]  }
.LBB2_4:
0x62: {  	p0 =	sne.s32 s19, $0x13B00;
	v5 =	vld [tilespmem:s18+$0x30];
	_ =	sdelay $0x1  }
.Ltmp1:
0x63: {  	v4 =	vadd.s32 v0, v4;
	(pc) =	sbr.rel @p0 .LBB2_4-.Ltmp1, $4  }
0x64: {  	s20 =	sshra.s32 s19, $0x2;
	[tilespmem:s18+$0x0] =	vst v4;
	v3 =	vadd.s32 v0, v3  }
0x65: {  	v4 =	vld [tilespmem:s20+$0x0];
	[tilespmem:s18+$0x10] =	vst v3;
	v2 =	vadd.s32 v0, v2  }
0x66: {  	v3 =	vld [tilespmem:s20+$0x10];
	[tilespmem:s18+$0x20] =	vst v2;
	v5 =	vadd.s32 v0, v5  }
0x67: {  	s19 =	sadd.s32 $0x100, s19;
	v2 =	vld [tilespmem:s20+$0x20];
	[tilespmem:s18+$0x30] =	vst v5;
	s18 =	smov.u32 s20  }
0x68: {  	v5 =	vld [tilespmem:s18+$0x30];
	_ =	sdelay $0x1  }
0x69: {  	v4 =	vadd.s32 v0, v4  }
0x6a: {  	[tilespmem:s18+$0x0] =	vst v4;
	v3 =	vadd.s32 v0, v3  }
0x6b: {  	[tilespmem:s18+$0x10] =	vst v3;
	v2 =	vadd.s32 v0, v2  }
0x6c: {  	[tilespmem:s18+$0x20] =	vst v2;
	v2 =	vadd.s32 v0, v5  }
0x6d: {  	[tilespmem:s18+$0x30] =	vst v2  }
0x6e: {  	s21 =	simm.s32 $0x0;
	[bflag:$0x0] =	sbarrier.arrive $0xFFFF  }
0x6f: {  	[tilespmem:s7], [sflag:$0x1] =	stream.indirect.gather [hbm4b:s14+s9], $0x40, s21, s9, $0xb8;
	[tilespmem:$0x15E00] =	vst v63  }
0x70: {  	s19 =	simm.s32 $0x40  }
0x71: {  	[tilespmem:s12], [sflag:$0x2] =	stream.indirect.gather [hbm4b:s14+s9], $0x40, s19, s9, $0xb8;
	[tilespmem:$0x15E00] =	vst v63  }
0x72: {  	_ =	swait.ge [sflag:s13], $0x1000  }
0x73: {  	[sflag:s13] =	ssyncset.done $0x0  }
0x74: {  	s20 =	simm.s32 $0x4F00;
	[sflag:s13] =	ssyncadd.s32 $0xFFFFF000  }
0x75: {  	[spmem:s11] =	stream.indirect.scatter.add.f32 [tilespmem:s7], [sflag:$0x3], $0x40, s20, s9, $0xb8;
	[tilespmem:$0x15E00] =	vst v63  }
0x76: {  	_ =	swait.ge [sflag:s8], $0x1000  }
0x77: {  	[sflag:s8] =	ssyncset.done $0x0  }
0x78: {  	[sflag:s8] =	ssyncadd.s32 $0xFFFFF000  }
0x79: {  	_ =	swait.ge [sflag:s16], $0x1000  }
0x7a: {  	[sflag:s16] =	ssyncset.done $0x0  }
0x7b: {  	s21 =	simm.s32 $0x4F40;
	[sflag:s16] =	ssyncadd.s32 $0xFFFFF000  }
0x7c: {  	[spmem:s11] =	stream.indirect.scatter.add.f32 [tilespmem:s12], [sflag:$0x3], $0x40, s21, s9, $0xb8;
	[tilespmem:$0x15E00] =	vst v63  }
0x7d: {  	_ =	swait.ge [sflag:s8], $0x1000  }
0x7e: {  	s18 =	simm.s32 $0x200;
	s19 =	simm.s32 $0x400;
	[sflag:s8] =	ssyncset.done $0x0  }
.LBB2_6:
0x7f: {  	s20 =	sshra.s32 s18, $0x2  }
0x80: {  	[sflag:s8] =	ssyncadd.s32 $0xFFFFF000;
	s18 =	smov.u32 s19;
	s21 =	sadd.s32 $0x200, s19  }
0x81: {  	[tilespmem:s7], [sflag:$0x1] =	stream.indirect.gather [hbm4b:s14+s9], $0x40, s20, s9, $0xb8;
	[tilespmem:$0x15E00] =	vst v63  }
0x82: {  	p0 =	sne.s32 s19, $0x13A00;
	s19 =	sadd.s32 $0x40, s20  }
0x83: {  	[tilespmem:s12], [sflag:$0x2] =	stream.indirect.gather [hbm4b:s14+s9], $0x40, s19, s9, $0xb8;
	[tilespmem:$0x15E00] =	vst v63  }
0x84: {  	_ =	swait.ge [sflag:s13], $0x1000  }
0x85: {  	[sflag:s13] =	ssyncset.done $0x0  }
0x86: {  	s19 =	sadd.s32 $0x4F00, s20;
	[sflag:s13] =	ssyncadd.s32 $0xFFFFF000  }
0x87: {  	[spmem:s11] =	stream.indirect.scatter.add.f32 [tilespmem:s7], [sflag:$0x3], $0x40, s19, s9, $0xb8;
	[tilespmem:$0x15E00] =	vst v63  }
0x88: {  	_ =	swait.ge [sflag:s8], $0x1000  }
0x89: {  	[sflag:s8] =	ssyncset.done $0x0  }
0x8a: {  	[sflag:s8] =	ssyncadd.s32 $0xFFFFF000  }
0x8b: {  	_ =	swait.ge [sflag:s16], $0x1000  }
.Ltmp2:
0x8c: {  	[sflag:s16] =	ssyncset.done $0x0;
	(pc) =	sbr.rel @p0 .LBB2_6-.Ltmp2, $4  }
0x8d: {  	s19 =	sadd.s32 $0x4F40, s20;
	[sflag:s16] =	ssyncadd.s32 $0xFFFFF000  }
0x8e: {  	[spmem:s11] =	stream.indirect.scatter.add.f32 [tilespmem:s12], [sflag:$0x3], $0x40, s19, s9, $0xb8;
	[tilespmem:$0x15E00] =	vst v63  }
0x8f: {  	_ =	swait.ge [sflag:s8], $0x1000  }
0x90: {  	s19 =	smov.u32 s21;
	[sflag:s8] =	ssyncset.done $0x0  }
0x91: {  	s18 =	sshra.s32 s18, $0x2;
	[sflag:s8] =	ssyncadd.s32 $0xFFFFF000  }
0x92: {  	[tilespmem:s7], [sflag:$0x1] =	stream.indirect.gather [hbm4b:s14+s9], $0x40, s18, s9, $0xb8;
	[tilespmem:$0x15E00] =	vst v63  }
0x93: {  	s19 =	sadd.s32 $0x40, s18  }
0x94: {  	[tilespmem:s12], [sflag:$0x2] =	stream.indirect.gather [hbm4b:s14+s9], $0x40, s19, s9, $0xb8;
	[tilespmem:$0x15E00] =	vst v63  }
0x95: {  	_ =	swait.ge [sflag:s13], $0x1000  }
0x96: {  	[sflag:s13] =	ssyncset.done $0x0  }
0x97: {  	s21 =	sadd.s32 $0x4F00, s18;
	[sflag:s13] =	ssyncadd.s32 $0xFFFFF000  }
0x98: {  	[spmem:s11] =	stream.indirect.scatter.add.f32 [tilespmem:s7], [sflag:$0x3], $0x40, s21, s9, $0xb8;
	[tilespmem:$0x15E00] =	vst v63  }
0x99: {  	_ =	swait.ge [sflag:s8], $0x1000  }
0x9a: {  	[sflag:s8] =	ssyncset.done $0x0  }
0x9b: {  	[sflag:s8] =	ssyncadd.s32 $0xFFFFF000  }
0x9c: {  	_ =	swait.ge [sflag:s16], $0x1000  }
0x9d: {  	[sflag:s16] =	ssyncset.done $0x0  }
0x9e: {  	s18 =	sadd.s32 $0x4F40, s18;
	[sflag:s16] =	ssyncadd.s32 $0xFFFFF000  }
0x9f: {  	[spmem:s11] =	stream.indirect.scatter.add.f32 [tilespmem:s12], [sflag:$0x3], $0x40, s18, s9, $0xb8;
	[tilespmem:$0x15E00] =	vst v63  }
0xa0: {  	_ =	swait.ge [sflag:s8], $0x1000  }
0xa1: {  	[sflag:s8] =	ssyncset.done $0x0  }
0xa2: {  	[sflag:s8] =	ssyncadd.s32 $0xFFFFF000  }
0xa3: {  	[bflag:$0x0] =	sbarrier.arrive $0xFFFF  }
0xa4: {  	s20 =	rddreg [dreg:$0xf]  }
0xa5: {  	[tilespmem:s7], [sflag:$0x3] =	stream.linear.gather [spmem:s20], $0x1000, $0x38;
	[tilespmem:$0x15E00] =	vst v63  }
0xa6: {  	_ =	swait.ge [sflag:s8], $0x1000  }
0xa7: {  	[sflag:s8] =	ssyncset.done $0x0  }
0xa8: {  	s21 =	rddreg [dreg:$0x3];
	[sflag:s8] =	ssyncadd.s32 $0xFFFFF000  }
0xa9: {  	[hbm4b:s21+s1] =	stream.linear.scatter [tilespmem:s7], [sflag:$0x3], $0x1000, $0x38;
	[tilespmem:$0x15E00] =	vst v63  }
0xaa: {  	_ =	swait.ge [sflag:s8], $0x1000  }
0xab: {  	[sflag:s8] =	ssyncset.done $0x0  }
0xac: {  	s19 =	rddreg [dreg:$0x11];
	[sflag:s8] =	ssyncadd.s32 $0xFFFFF000  }
0xad: {  	[tilespmem:s7], [sflag:$0x3] =	stream.linear.gather [spmem:s19], $0x1000, $0x38;
	[tilespmem:$0x15E00] =	vst v63  }
0xae: {  	_ =	swait.ge [sflag:s8], $0x1000  }
0xaf: {  	[sflag:s8] =	ssyncset.done $0x0  }
0xb0: {  	s20 =	rddreg [dreg:$0x4];
	[sflag:s8] =	ssyncadd.s32 $0xFFFFF000  }
0xb1: {  	[hbm4b:s20+s1] =	stream.linear.scatter [tilespmem:s7], [sflag:$0x3], $0x1000, $0x38;
	[tilespmem:$0x15E00] =	vst v63  }
0xb2: {  	_ =	swait.ge [sflag:s8], $0x1000  }
0xb3: {  	[sflag:s8] =	ssyncset.done $0x0  }
0xb4: {  	s21 =	rddreg [dreg:$0x12];
	[sflag:s8] =	ssyncadd.s32 $0xFFFFF000  }
0xb5: {  	[tilespmem:s7], [sflag:$0x3] =	stream.linear.gather [spmem:s21], $0x1000, $0x38;
	[tilespmem:$0x15E00] =	vst v63  }
0xb6: {  	_ =	swait.ge [sflag:s8], $0x1000  }
0xb7: {  	[sflag:s8] =	ssyncset.done $0x0  }
0xb8: {  	s19 =	rddreg [dreg:$0x5];
	[sflag:s8] =	ssyncadd.s32 $0xFFFFF000  }
0xb9: {  	[hbm4b:s19+s1] =	stream.linear.scatter [tilespmem:s7], [sflag:$0x3], $0x1000, $0x38;
	[tilespmem:$0x15E00] =	vst v63  }
0xba: {  	_ =	swait.ge [sflag:s8], $0x1000  }
0xbb: {  	[sflag:s8] =	ssyncset.done $0x0  }
0xbc: {  	[sflag:s8] =	ssyncadd.s32 $0xFFFFF000  }
0xbd: {  	[tilespmem:s7], [sflag:$0x3] =	stream.linear.gather [spmem:s22], $0x1000, $0x38;
	[tilespmem:$0x15E00] =	vst v63  }
0xbe: {  	_ =	swait.ge [sflag:s8], $0x1000  }
0xbf: {  	[sflag:s8] =	ssyncset.done $0x0  }
0xc0: {  	s20 =	rddreg [dreg:$0x6];
	[sflag:s8] =	ssyncadd.s32 $0xFFFFF000  }
0xc1: {  	[hbm4b:s20+s1] =	stream.linear.scatter [tilespmem:s7], [sflag:$0x3], $0x1000, $0x38;
	[tilespmem:$0x15E00] =	vst v63  }
0xc2: {  	_ =	swait.ge [sflag:s8], $0x1000  }
0xc3: {  	[sflag:s8] =	ssyncset.done $0x0  }
0xc4: {  	[sflag:s8] =	ssyncadd.s32 $0xFFFFF000  }
0xc5: {  	[tilespmem:s7], [sflag:$0x3] =	stream.linear.gather [spmem:s23], $0x1000, $0x38;
	[tilespmem:$0x15E00] =	vst v63  }
0xc6: {  	_ =	swait.ge [sflag:s8], $0x1000  }
0xc7: {  	[sflag:s8] =	ssyncset.done $0x0  }
0xc8: {  	s21 =	rddreg [dreg:$0x7];
	[sflag:s8] =	ssyncadd.s32 $0xFFFFF000  }
0xc9: {  	[hbm4b:s21+s1] =	stream.linear.scatter [tilespmem:s7], [sflag:$0x3], $0x1000, $0x38;
	[tilespmem:$0x15E00] =	vst v63  }
0xca: {  	_ =	swait.ge [sflag:s8], $0x1000  }
0xcb: {  	[sflag:s8] =	ssyncset.done $0x0  }
0xcc: {  	[sflag:s8] =	ssyncadd.s32 $0xFFFFF000  }
0xcd: {  	[tilespmem:s7], [sflag:$0x3] =	stream.linear.gather [spmem:s24], $0x1000, $0x38;
	[tilespmem:$0x15E00] =	vst v63  }
0xce: {  	_ =	swait.ge [sflag:s8], $0x1000  }
0xcf: {  	[sflag:s8] =	ssyncset.done $0x0  }
0xd0: {  	s19 =	rddreg [dreg:$0x8];
	[sflag:s8] =	ssyncadd.s32 $0xFFFFF000  }
0xd1: {  	[hbm4b:s19+s1] =	stream.linear.scatter [tilespmem:s7], [sflag:$0x3], $0x1000, $0x38;
	[tilespmem:$0x15E00] =	vst v63  }
0xd2: {  	_ =	swait.ge [sflag:s8], $0x1000  }
0xd3: {  	[sflag:s8] =	ssyncset.done $0x0  }
0xd4: {  	[sflag:s8] =	ssyncadd.s32 $0xFFFFF000  }
0xd5: {  	[tilespmem:s7], [sflag:$0x3] =	stream.linear.gather [spmem:s25], $0x1000, $0x38;
	[tilespmem:$0x15E00] =	vst v63  }
0xd6: {  	_ =	swait.ge [sflag:s8], $0x1000  }
0xd7: {  	[sflag:s8] =	ssyncset.done $0x0  }
0xd8: {  	s20 =	rddreg [dreg:$0x9];
	[sflag:s8] =	ssyncadd.s32 $0xFFFFF000  }
0xd9: {  	[hbm4b:s20+s1] =	stream.linear.scatter [tilespmem:s7], [sflag:$0x3], $0x1000, $0x38;
	[tilespmem:$0x15E00] =	vst v63  }
0xda: {  	_ =	swait.ge [sflag:s8], $0x1000  }
0xdb: {  	[sflag:s8] =	ssyncset.done $0x0  }
0xdc: {  	[sflag:s8] =	ssyncadd.s32 $0xFFFFF000  }
0xdd: {  	[tilespmem:s7], [sflag:$0x3] =	stream.linear.gather [spmem:s26], $0x1000, $0x38;
	[tilespmem:$0x15E00] =	vst v63  }
0xde: {  	_ =	swait.ge [sflag:s8], $0x1000  }
0xdf: {  	[sflag:s8] =	ssyncset.done $0x0  }
0xe0: {  	s21 =	rddreg [dreg:$0xa];
	[sflag:s8] =	ssyncadd.s32 $0xFFFFF000  }
0xe1: {  	[hbm4b:s21+s1] =	stream.linear.scatter [tilespmem:s7], [sflag:$0x3], $0x1000, $0x38;
	[tilespmem:$0x15E00] =	vst v63  }
0xe2: {  	_ =	swait.ge [sflag:s8], $0x1000  }
0xe3: {  	[sflag:s8] =	ssyncset.done $0x0  }
0xe4: {  	[sflag:s8] =	ssyncadd.s32 $0xFFFFF000  }
0xe5: {  	[tilespmem:s7], [sflag:$0x3] =	stream.linear.gather [spmem:s28], $0x1000, $0x38;
	[tilespmem:$0x15E00] =	vst v63  }
0xe6: {  	_ =	swait.ge [sflag:s8], $0x1000  }
0xe7: {  	[sflag:s8] =	ssyncset.done $0x0  }
0xe8: {  	s19 =	rddreg [dreg:$0xb];
	[sflag:s8] =	ssyncadd.s32 $0xFFFFF000  }
0xe9: {  	[hbm4b:s19+s1] =	stream.linear.scatter [tilespmem:s7], [sflag:$0x3], $0x1000, $0x38;
	[tilespmem:$0x15E00] =	vst v63  }
0xea: {  	_ =	swait.ge [sflag:s8], $0x1000  }
0xeb: {  	[sflag:s8] =	ssyncset.done $0x0  }
0xec: {  	[sflag:s8] =	ssyncadd.s32 $0xFFFFF000  }
0xed: {  	[tilespmem:s7], [sflag:$0x3] =	stream.linear.gather [spmem:s29], $0x1000, $0x38;
	[tilespmem:$0x15E00] =	vst v63  }
0xee: {  	_ =	swait.ge [sflag:s8], $0x1000  }
0xef: {  	[sflag:s8] =	ssyncset.done $0x0  }
0xf0: {  	s20 =	rddreg [dreg:$0xc];
	[sflag:s8] =	ssyncadd.s32 $0xFFFFF000  }
0xf1: {  	[hbm4b:s20+s1] =	stream.linear.scatter [tilespmem:s7], [sflag:$0x3], $0x1000, $0x38;
	[tilespmem:$0x15E00] =	vst v63  }
0xf2: {  	_ =	swait.ge [sflag:s8], $0x1000  }
0xf3: {  	s17 =	sadd.s32 $0x1, s17;
	s21 =	rddreg [dreg:$0x10]  }
0xf4: {  	p0 =	sne.s32 s17, s21  }
.Ltmp3:
0xf5: {  	_ = 	snop;
	(pc) =	sbr.rel @p0 .LBB2_1-.Ltmp3, $3  }
0xf6: {  	_ =	sdelay $0x1  }
0xf7: {  	[sflag:s8] =	ssyncset.done $0x0  }
0xf8: {  	[sflag:s8] =	ssyncadd.s32 $0xFFFFF000  }
0xf9: {  	_ =	sfence.sel $0x180000  }
0xfa: {  	[bflag:$0x0] =	sbarrier.arrive $0xFFFF  }
0xfb: {  	_ =	strace $0x9000004D  }
0xfc: {  	s0 =	stileid.u32;
	[bflag:$0x2] =	sbarrier.arrive $0xFFFF  }
0xfd: {  	p0 =	sne.s32 s0, $0x0;
	s0 =	rddreg [dreg:$0x2]  }
0xfe: {  	s0 =	sadd.s32 @!p0 $0x100000, s0  }
0xff: {  	[sflag:s0] =	ssyncadd.tile.s32 @!p0 $0x1;
	_ =	shalt  }
.Lfunc_end2:
_tile_overlayer_lowered:
.L_overlay_start_2:
0x100: {  	(tag) =	ssettag $0x2  }
0x101: {  	s0 =	rddreg [dreg:$0x0];
	s2 =	stileid.u32  }
0x102: {  	s1 =	rddreg [dreg:$0x1];
	p0 =	sne.s32 s2, $0x0  }
0x103: {  	s3 =	rddreg [dreg:$0x2];
	[bflag:$0x3] =	sbarrier.arrive $0xFFFF;
	s2 =	simm.s32 @!p0 $0x1C03  }
0x104: {  	[timem:s3], [sflag:s2] =	dma.local @!p0 [hbm:s0], s1  }
0x105: {  	s0 =	simm.s32 @!p0 $0x3  }
0x106: {  	_ =	swait.ge @!p0 [sflag:s0], s1  }
0x107: {  	s1 =	ssub.s32 @!p0 $0x0, s1;
	[sflag:s0] =	ssyncset.done @!p0 $0x0  }
0x108: {  	[sflag:s0] =	ssyncadd.s32 @!p0 s1  }
0x109: {  	[bflag:$0x3] =	sbarrier.arrive $0xFFFF  }
0x10a: {  	_ =	shalt  }

// kernel: kernel.21.cloned.1.call-start
scs
__scs_entry_jumppad:
0x0: {  	(pc) =	sbr.rel $0x88, $3  }
0x1: {  	(tag) =	ssettag $0x0;
	lr =	simm.s32 $0x1  }
0x2: {  	[smem:$0x3F94] =	sst lr;
	_ =	strace $0xD0000000  }
0x3: {  	_ = 	snop  }
0x4: {  	_ = 	snop  }
0x5: {  	_ = 	snop  }
0x6: {  	_ = 	snop  }
0x7: {  	_ = 	snop  }
__scs_overlays_trampoline_lowered:
0x8: {  	[smem:$0x3FA3] =	sst s0  }
0x9: {  	[smem:$0x3FA4] =	sst s1  }
0xa: {  	[smem:$0x3FA5] =	sst s2  }
0xb: {  	[smem:$0x3FA6] =	sst s3  }
0xc: {  	[smem:$0x3FA7] =	sst s4  }
0xd: {  	[smem:$0x3FA8] =	sst s5  }
0xe: {  	[smem:$0x3FA9] =	sst s6  }
0xf: {  	[smem:$0x3FAA] =	sst s7  }
0x10: {  	[smem:$0x3FAB] =	sst s8  }
0x11: {  	[smem:$0x3FAC] =	sst s9;
	s0 =	simm.s32 @!p0 $0x0  }
0x12: {  	s1 =	sld [smem:$0x3F92];
	s0 =	simm.s32 @p0 $0x1  }
0x13: {  	[smem:$0x3FAD] =	sst s0;
	s0 =	simm.s32 @!p1 $0x0  }
0x14: {  	s2 =	sld [smem:$0x3F91];
	s0 =	simm.s32 @p1 $0x1  }
0x15: {  	[smem:$0x3FAE] =	sst s0;
	s0 =	simm.s32 @!p2 $0x0  }
0x16: {  	s3 =	sld [smem:$0x3FDB];
	s0 =	simm.s32 @p2 $0x1  }
0x17: {  	s4 =	simm.s32 $0x1BF5;
	[smem:$0x3FB0] =	sst s0  }
0x18: {  	s0 =	sld [smem:$0x3F93];
	_ =	swait.ge [sflag:s4], $0x0  }
0x19: {  	s7 =	sld [smem:$0x3F94]  }
0x1a: {  	s8 =	sadd.s32 $0xFFFFE003, lr  }
0x1b: {  	s9 =	sadd.s32 $0xFFFFFEF7, lr;
	s5 =	simm.s32 $0xFFFFFFFF;
	p2 =	slt.u32 s8, $0xFFFFF086  }
0x1c: {  	p1 =	slt.u32 s9, $0xF7A;
	s5 =	simm.s32 @!p2 $0x0  }
0x1d: {  	s5 =	simm.s32 @p1 $0x1;
	p0 =	seq.s32 s7, s2  }
0x1e: {  	s7 =	smul.u32 @!p0 $0xF7A, s2;
	p2 =	seq.s32 @!p0 s5, $0x0  }
0x1f: {  	s9 =	smul.u32 $0xF7A, s1;
	s8 =	simm.s32 @!p0 $0x1BF5;
	p2 =	por !p2, p0  }
0x20: {  	[sflag:s8] =	ssyncset.s32 @!p0 $0xFFFFF086;
	s6 =	sadd.s32 @!p0 s3, s7;
	s7 =	simm.s32 @!p0 $0x108  }
0x21: {  	s3 =	sadd.s32 s3, s9;
	s6 =	sadd.s32 @!p0 $0x88, s6;
	s7 =	simm.s32 @p2 $0x1082  }
0x22: {  	[simem:s7], [sflag:s8] =	dma.local @!p0 [hbm:s6], $0xF7A  }
0x23: {  	s9 =	sor.u32 $0xD0000000, s2;
	s6 =	simm.s32 $0x108;
	_ =	swait.ge @!p0 [sflag:s8], $0x0  }
0x24: {  	s3 =	sadd.s32 $0x88, s3;
	s6 =	simm.s32 @!p1 $0x1082;
	[sflag:s4] =	ssyncset.s32 $0xFFFFF086  }
0x25: {  	[simem:s6], [sflag:s4] =	dma.local [hbm:s3], $0xF7A  }
0x26: {  	[smem:$0x3F94] =	sst s1;
	(tag) =	ssettag s2;
	_ =	strace s9  }
0x27: {  	s1 =	sld [smem:$0x3FA4]  }
0x28: {  	s2 =	sld [smem:$0x3FA5]  }
0x29: {  	s4 =	sld [smem:$0x3FA7]  }
0x2a: {  	p0 =	seq.s32 s5, $0x0;
	s5 =	sld [smem:$0x3FA8]  }
0x2b: {  	s6 =	sld [smem:$0x3FA9]  }
0x2c: {  	s7 =	sld [smem:$0x3FAA]  }
0x2d: {  	s3 =	simm.s32 $0x108;
	s8 =	sld [smem:$0x3FAB]  }
0x2e: {  	s3 =	simm.s32 @!p0 $0x1082;
	s9 =	sld [smem:$0x3FAC]  }
0x2f: {  	lr =	sadd.s32 s0, s3;
	s0 =	sld [smem:$0x3FA3]  }
0x30: {  	s3 =	sld [smem:$0x3FA6]  }
0x31: {  	[smem:$0x3FAF] =	sst s10  }
0x32: {  	s10 =	sld [smem:$0x3FAD];
	_ =	sdelay $0x3  }
0x33: {  	p0 =	seq.s32 s10, $0x1;
	s10 =	sld [smem:$0x3FAF];
	_ =	sdelay $0x3  }
0x34: {  	[smem:$0x3FAF] =	sst s10  }
0x35: {  	s10 =	sld [smem:$0x3FAE];
	_ =	sdelay $0x3  }
0x36: {  	p1 =	seq.s32 s10, $0x1;
	s10 =	sld [smem:$0x3FAF];
	_ =	sdelay $0x3  }
0x37: {  	[smem:$0x3FAF] =	sst s10  }
0x38: {  	s10 =	sld [smem:$0x3FB0]  }
0x39: {  	_ = 	snop;
	(pc) =	sbr.ind lr, $3  }
0x3a: {  	_ = 	snop  }
0x3b: {  	_ = 	snop  }
0x3c: {  	p2 =	seq.s32 s10, $0x1;
	s10 =	sld [smem:$0x3FAF]  }
0x3d: {  	_ =	shalt  }
0x3e: {  	_ =	shalt  }
0x3f: {  	_ =	shalt  }
0x40: {  	_ =	shalt  }
0x41: {  	_ =	shalt  }
0x42: {  	_ =	shalt  }
0x43: {  	_ =	shalt  }
0x44: {  	_ =	shalt  }
0x45: {  	_ =	shalt  }
0x46: {  	_ =	shalt  }
0x47: {  	_ =	shalt  }
0x48: {  	_ =	shalt  }
0x49: {  	_ =	shalt  }
0x4a: {  	_ =	shalt  }
0x4b: {  	_ =	shalt  }
0x4c: {  	_ =	shalt  }
0x4d: {  	_ =	shalt  }
0x4e: {  	_ =	shalt  }
0x4f: {  	_ =	shalt  }
0x50: {  	_ =	shalt  }
0x51: {  	_ =	shalt  }
0x52: {  	_ =	shalt  }
0x53: {  	_ =	shalt  }
0x54: {  	_ =	shalt  }
0x55: {  	_ =	shalt  }
0x56: {  	_ =	shalt  }
0x57: {  	_ =	shalt  }
0x58: {  	_ =	shalt  }
0x59: {  	_ =	shalt  }
0x5a: {  	_ =	shalt  }
0x5b: {  	_ =	shalt  }
0x5c: {  	_ =	shalt  }
0x5d: {  	_ =	shalt  }
0x5e: {  	_ =	shalt  }
0x5f: {  	_ =	shalt  }
0x60: {  	_ =	shalt  }
0x61: {  	_ =	shalt  }
0x62: {  	_ =	shalt  }
0x63: {  	_ =	shalt  }
0x64: {  	_ =	shalt  }
0x65: {  	_ =	shalt  }
0x66: {  	_ =	shalt  }
0x67: {  	_ =	shalt  }
0x68: {  	_ =	shalt  }
0x69: {  	_ =	shalt  }
0x6a: {  	_ =	shalt  }
0x6b: {  	_ =	shalt  }
0x6c: {  	_ =	shalt  }
0x6d: {  	_ =	shalt  }
0x6e: {  	_ =	shalt  }
0x6f: {  	_ =	shalt  }
0x70: {  	_ =	shalt  }
0x71: {  	_ =	shalt  }
0x72: {  	_ =	shalt  }
0x73: {  	_ =	shalt  }
0x74: {  	_ =	shalt  }
0x75: {  	_ =	shalt  }
0x76: {  	_ =	shalt  }
0x77: {  	_ =	shalt  }
0x78: {  	_ =	shalt  }
0x79: {  	_ =	shalt  }
0x7a: {  	_ =	shalt  }
0x7b: {  	_ =	shalt  }
0x7c: {  	_ =	shalt  }
0x7d: {  	_ =	shalt  }
0x7e: {  	_ =	shalt  }
0x7f: {  	_ =	shalt  }
0x80: {  	_ =	shalt  }
0x81: {  	_ =	shalt  }
0x82: {  	_ =	shalt  }
0x83: {  	_ =	shalt  }
0x84: {  	_ =	shalt  }
0x85: {  	_ =	shalt  }
0x86: {  	_ =	shalt  }
0x87: {  	_ =	shalt  }
.Lfunc_end0:
.L_simem_size_0:
called_computation.3_lowered:
.L_overlay_start_0:
0x88: {  	s2 =	sld [smem:$0x3FD9]  }
0x89: {  	s3 =	sld [smem:$0x3FFE];
	_ =	sdelay $0x1  }
0x8a: {  	s1 =	srdreg.scid  }
0x8b: {  	s0 =	sand.u32 $0x1, s1  }
0x8c: {  	s16 =	sshll.u32 s0, $0xA;
	s2 =	sadd.s32 s3, s2  }
0x8d: {  	s2 =	sadd.s32 s2, s16  }
0x8e: {  	[smem:$0x3FBB] =	sst s2  }
0x8f: {  	_ = 	snop  }
0x90: {  	(tm) =	ssettm $0x1  }
0x91: {  	s17 =	sld [smem:$0x3FFB];
	_ =	sdelay $0x3  }
0x92: {  	_ =	strace s17  }
0x93: {  	s2 =	sld [smem:$0x3FFC];
	_ =	sdelay $0x3  }
0x94: {  	_ =	strace s2  }
0x95: {  	s2 =	sld [smem:$0x3FFD];
	_ =	sdelay $0x3  }
0x96: {  	_ =	strace s2  }
0x97: {  	_ =	strace $0x8FFFFFFF  }
0x98: {  	s18 =	sld [smem:$0x3FDB];
	_ =	sdelay $0x1  }
0x99: {  	s19 =	simm.s32 $_scs_section_size  }
0x9a: {  	s4 =	simm.s32 $_size__tile_overlayer_lowered;
	s5 =	simm.s32 $_tile_overlayer_lowered  }
0x9b: {  	s22 =	simm.s32 $0x1BFF;
	s21 =	sshll.u32 s5, $0x1;
	s2 =	sadd.s32 s19, s18  }
0x9c: {  	s6 =	simm.s32 $0x0;
	s20 =	sshll.u32 s4, $0x1;
	s4 =	sadd.s32 s21, s2  }
0x9d: {  	[timem:s6], [sflag:s22] =	dma.local [hbm:s4], s20  }
0x9e: {  	_ =	swait.ge [sflag:s22], s20  }
0x9f: {  	s3 =	ssub.s32 $0x0, s20;
	[sflag:s22] =	ssyncset.done $0x0  }
0xa0: {  	[sflag:s22] =	ssyncadd.s32 s3;
	_ =	sdelay $0x1  }
0xa1: {  	s23 =	simm.s32 $0x1B8B  }
0xa2: {  	_ =	swait.ge [sflag:s23], $0x1  }
0xa3: {  	[sflag:s23] =	ssyncset.done $0x0  }
0xa4: {  	s25 =	simm.s32 $0x1B8E;
	s24 =	sld [smem:$0x3FFE];
	[sflag:s23] =	ssyncadd.s32 $0xFFFFFFFF  }
0xa5: {  	s26 =	simm.s32 $execute0_lowered;
	[smem:$0x3FD2] =	sst s25  }
0xa6: {  	s4 =	sshll.u32 s26, $0x1;
	_ =	strace $0x8000004F;
	[dreg:$0x1] =	wrdreg $0xFFFFFFFF  }
0xa7: {  	s28 =	simm.s32 $_size_execute0_lowered;
	s2 =	sadd.s32 s2, s4;
	[dreg:$0x0] =	wrdreg $0x0  }
0xa8: {  	s4 =	sshll.u32 s28, $0x1;
	[dreg:$0x2] =	wrdreg s2  }
0xa9: {  	[dreg:$0x3] =	wrdreg s4  }
0xaa: {  	[dreg:$0x4] =	wrdreg $0xC0  }
0xab: {  	_ =	task [dreg:s6], $0x5FFFF  }
0xac: {  	[dreg:$0x1] =	wrdreg $0xFFFFFFFF  }
0xad: {  	[dreg:$0x0] =	wrdreg $0x60  }
0xae: {  	[dreg:$0x2] =	wrdreg s24  }
0xaf: {  	[dreg:$0x3] =	wrdreg $0xBE000  }
0xb0: {  	[dreg:$0x4] =	wrdreg $0x9  }
0xb1: {  	_ =	task.clear_ibuf [dreg:s6], $0x5FFFF;
	_ =	strace $0x9000004F  }
0xb2: {  	s29 =	simm.s32 $0x9;
	_ =	strace $0x80000051  }
0xb3: {  	_ =	swait.ge [sflag:s29], $0x1  }
0xb4: {  	[sflag:s29] =	ssyncadd.s32 $0xFFFFFFFF  }
0xb5: {  	_ =	strace $0x90000051  }
0xb6: {  	_ =	sfence  }
0xb7: {  	s30 =	sld [smem:$0x0];
	_ =	sdelay $0x2  }
0xb8: {  	s31 =	sshll.u32 s1, $0xD;
	s1 =	sshrl.u32 s1, $0x2  }
0xb9: {  	s3 =	sand.u32 $0x4000, s31;
	s1 =	sadd.s32 s1, s30  }
0xba: {  	s0 =	sor.u32 s3, s0;
	s1 =	sshll.u32 s1, $0x11  }
0xbb: {  	s0 =	sor.u32 s1, s0  }
0xbc: {  	s0 =	sadd.s32 $0x8F2B, s0  }
0xbd: {  	[sflag:s0] =	ssyncadd.remote.s32 $0x1  }
0xbe: {  	_ =	sfence.sel $0xFFFF  }
0xbf: {  	[dreg:$0x0] =	wrdreg $0xFFFFFFFF;
	(pc) =	sbr.abs _section_cstart, $3  }
0xc0: {  	[dreg:$0x1] =	wrdreg $0xFFFFFFFF  }
0xc1: {  	_ =	task.clear_ibuf [dreg:s6], $0x2FFFF;
	_ =	strace $0x9FFFFFFF  }
0xc2: {  	(tm) =	ssettm $0x7FFFFFFF  }
0xc3: {  	_ =	shalt  }
tec
execute0_lowered:
.L_overlay_start_1:
0x0: {  	(tag) =	ssettag $0x1  }
0x1: {  	s15 =	stileid.u32  }
0x2: {  	s0 =	srdreg.scid;
	s3 =	rddreg [dreg:$0x0]  }
0x3: {  	s1 =	simm.s32 $0x0;
	s0 =	sand.u32 $0x1, s0;
	s2 =	smul.u32 $0xA000, s15  }
0x4: {  	[smem:$0x7FF] =	sst s1;
	s4 =	smul.u32 $0xA0000, s0;
	s6 =	ssub.s32 $0x2, s0  }
0x5: {  	s5 =	sadd.s32 $0xCC200, s3;
	s7 =	sshrl.u32 s6, $0x1;
	s9 =	sor.u32 $0x1000, s2  }
0x6: {  	s10 =	sadd.s32 $0x3000, s2;
	s12 =	sadd.s32 $0x4000, s2;
	s8 =	sadd.s32 s4, s2  }
0x7: {  	s6 =	ssub.s32 s6, s7;
	s14 =	sadd.s32 s4, s9;
	s11 =	sadd.s32 s4, s10  }
0x8: {  	s19 =	sadd.s32 s4, s12;
	s13 =	sshrl.u32 s8, $0x3;
	s16 =	sshrl.u32 s14, $0x3  }
0x9: {  	s8 =	sadd.s32 $0x2000, s2;
	s18 =	sshrl.u32 s11, $0x3;
	s20 =	sshrl.u32 s19, $0x3  }
0xa: {  	s19 =	sadd.s32 $0x9000, s2;
	s14 =	smul.u32 $0x9E0, s15;
	s11 =	rddreg [dreg:$0x1]  }
0xb: {  	s15 =	smul.u32 $0x28000, s15;
	s7 =	sadd.s32 s5, s13;
	s17 =	sadd.s32 s4, s8  }
0xc: {  	s13 =	sadd.s32 $0x5000, s2;
	s29 =	sadd.s32 s19, s11;
	[dreg:$0x3] =	wrdreg s7  }
0xd: {  	s7 =	sadd.s32 s5, s16;
	s21 =	sadd.s32 s4, s13;
	s16 =	sadd.s32 $0x6000, s2  }
0xe: {  	[dreg:$0x4] =	wrdreg s7;
	s7 =	sshrl.u32 s17, $0x3;
	s22 =	sadd.s32 s4, s16  }
0xf: {  	s17 =	sadd.s32 $0x7000, s2;
	s7 =	sadd.s32 s5, s7;
	s23 =	sshrl.u32 s22, $0x3  }
0x10: {  	s24 =	sadd.s32 s4, s17;
	[dreg:$0x5] =	wrdreg s7;
	s7 =	sadd.s32 s5, s18  }
0x11: {  	s25 =	sshrl.u32 s24, $0x3;
	s18 =	sadd.s32 $0x8000, s2;
	s24 =	smax.u32 s6, $0x1  }
0x12: {  	[dreg:$0x6] =	wrdreg s7;
	s7 =	sadd.s32 s5, s20;
	s26 =	sadd.s32 s4, s18  }
0x13: {  	s4 =	sadd.s32 s4, s19;
	s20 =	sshrl.u32 s15, $0x2;
	s28 =	sadd.s32 s18, s11  }
0x14: {  	[dreg:$0x7] =	wrdreg s7;
	s7 =	sshrl.u32 s21, $0x3;
	s4 =	sshrl.u32 s4, $0x3  }
0x15: {  	s15 =	sadd.s32 s20, s11;
	s20 =	smul.u32 $0x2800, s0;
	s7 =	sadd.s32 s5, s7  }
0x16: {  	s4 =	sadd.s32 s5, s4;
	s30 =	sadd.s32 $0x1000, s15;
	s31 =	sadd.s32 $0x2000, s15  }
0x17: {  	s0 =	sadd.s32 $0x4000, s15;
	s6 =	sadd.s32 $0x9000, s15;
	[dreg:$0x8] =	wrdreg s7  }
0x18: {  	s7 =	sadd.s32 s5, s23;
	[dreg:$0xc] =	wrdreg s4;
	s23 =	sadd.s32 s2, s11  }
0x19: {  	s2 =	sadd.s32 $0x5000, s15;
	[dreg:$0x9] =	wrdreg s7;
	s7 =	sadd.s32 s5, s25  }
0x1a: {  	s4 =	sadd.s32 $0x7000, s15;
	[dreg:$0xa] =	wrdreg s7;
	s7 =	sshrl.u32 s26, $0x3  }
0x1b: {  	s25 =	sadd.s32 s9, s11;
	s9 =	simm.s32 $0x40;
	s7 =	sadd.s32 s5, s7  }
0x1c: {  	s26 =	sadd.s32 s8, s11;
	s8 =	simm.s32 $0x3;
	[dreg:$0xb] =	wrdreg s7  }
0x1d: {  	s5 =	sadd.s32 $0x8000, s15;
	_ =	strace $0x80000050;
	[dreg:$0xf] =	wrdreg s23  }
0x1e: {  	s7 =	sadd.s32 s14, s3;
	s14 =	sadd.s32 $0xA4200, s3;
	[dreg:$0x10] =	wrdreg s24  }
0x1f: {  	s3 =	sadd.s32 $0x6000, s15;
	s21 =	sadd.s32 $0x22400, s7;
	[dreg:$0x11] =	wrdreg s25  }
0x20: {  	s22 =	sadd.s32 $0x18600, s7;
	[dreg:$0x12] =	wrdreg s26;
	s23 =	sadd.s32 s12, s11  }
0x21: {  	s24 =	sadd.s32 s13, s11;
	s25 =	sadd.s32 s16, s11;
	s26 =	sadd.s32 s17, s11  }
0x22: {  	s7 =	simm.s32 $0x9E00;
	s12 =	simm.s32 $0xAE00;
	s13 =	simm.s32 $0x1  }
0x23: {  	s16 =	simm.s32 $0x2;
	s17 =	simm.s32 $0x0;
	[dreg:$0xd] =	wrdreg s21  }
0x24: {  	v1 =	vimm.f32 $0.0e+00;
	v0 =	vmov s20;
	[dreg:$0xe] =	wrdreg s22;
	s22 =	sadd.s32 s10, s11;
	s10 =	sadd.s32 $0x3000, s15  }
.LBB2_1:
0x25: {  	s19 =	simm.s32 $0x100;
	s18 =	simm.s32 $0x0  }
.LBB2_2:
0x26: {  	p0 =	sne.s32 s19, $0x3F00;
	[tilespmem:s18+$0x9E30] =	vst v1;
	s20 =	smov.u32 s19;
	s19 =	sadd.s32 $0x100, s19  }
.Ltmp0:
0x27: {  	[tilespmem:s18+$0x9E20] =	vst v1;
	(pc) =	sbr.rel @p0 .LBB2_2-.Ltmp0, $3  }
0x28: {  	[tilespmem:s18+$0x9E00] =	vst v1  }
0x29: {  	[tilespmem:s18+$0x9E10] =	vst v1;
	_ =	sdelay $0x1  }
0x2a: {  	s18 =	sshra.s32 s20, $0x2  }
0x2b: {  	[tilespmem:s18+$0x9E30] =	vst v1  }
0x2c: {  	[tilespmem:s18+$0x9E20] =	vst v1  }
0x2d: {  	[tilespmem:s18+$0x9E00] =	vst v1  }
0x2e: {  	[tilespmem:s18+$0x9E10] =	vst v1  }
0x2f: {  	[spmem:s15] =	stream.linear.scatter [tilespmem:s7], [sflag:$0x3], $0x1000, $0x38;
	[tilespmem:$0x15E00] =	vst v63  }
0x30: {  	_ =	swait.ge [sflag:s8], $0x1000  }
0x31: {  	[sflag:s8] =	ssyncset.done $0x0  }
0x32: {  	[sflag:s8] =	ssyncadd.s32 $0xFFFFF000  }
0x33: {  	[spmem:s30] =	stream.linear.scatter [tilespmem:s7], [sflag:$0x3], $0x1000, $0x38;
	[tilespmem:$0x15E00] =	vst v63  }
0x34: {  	_ =	swait.ge [sflag:s8], $0x1000  }
0x35: {  	[sflag:s8] =	ssyncset.done $0x0  }
0x36: {  	[sflag:s8] =	ssyncadd.s32 $0xFFFFF000  }
0x37: {  	[spmem:s31] =	stream.linear.scatter [tilespmem:s7], [sflag:$0x3], $0x1000, $0x38;
	[tilespmem:$0x15E00] =	vst v63  }
0x38: {  	_ =	swait.ge [sflag:s8], $0x1000  }
0x39: {  	[sflag:s8] =	ssyncset.done $0x0  }
0x3a: {  	[sflag:s8] =	ssyncadd.s32 $0xFFFFF000  }
0x3b: {  	[spmem:s10] =	stream.linear.scatter [tilespmem:s7], [sflag:$0x3], $0x1000, $0x38;
	[tilespmem:$0x15E00] =	vst v63  }
0x3c: {  	_ =	swait.ge [sflag:s8], $0x1000  }
0x3d: {  	[sflag:s8] =	ssyncset.done $0x0  }
0x3e: {  	[sflag:s8] =	ssyncadd.s32 $0xFFFFF000  }
0x3f: {  	[spmem:s0] =	stream.linear.scatter [tilespmem:s7], [sflag:$0x3], $0x1000, $0x38;
	[tilespmem:$0x15E00] =	vst v63  }
0x40: {  	_ =	swait.ge [sflag:s8], $0x1000  }
0x41: {  	[sflag:s8] =	ssyncset.done $0x0  }
0x42: {  	[sflag:s8] =	ssyncadd.s32 $0xFFFFF000  }
0x43: {  	[spmem:s2] =	stream.linear.scatter [tilespmem:s7], [sflag:$0x3], $0x1000, $0x38;
	[tilespmem:$0x15E00] =	vst v63  }
0x44: {  	_ =	swait.ge [sflag:s8], $0x1000  }
0x45: {  	[sflag:s8] =	ssyncset.done $0x0  }
0x46: {  	[sflag:s8] =	ssyncadd.s32 $0xFFFFF000  }
0x47: {  	[spmem:s3] =	stream.linear.scatter [tilespmem:s7], [sflag:$0x3], $0x1000, $0x38;
	[tilespmem:$0x15E00] =	vst v63  }
0x48: {  	_ =	swait.ge [sflag:s8], $0x1000  }
0x49: {  	[sflag:s8] =	ssyncset.done $0x0  }
0x4a: {  	[sflag:s8] =	ssyncadd.s32 $0xFFFFF000  }
0x4b: {  	[spmem:s4] =	stream.linear.scatter [tilespmem:s7], [sflag:$0x3], $0x1000, $0x38;
	[tilespmem:$0x15E00] =	vst v63  }
0x4c: {  	_ =	swait.ge [sflag:s8], $0x1000  }
0x4d: {  	[sflag:s8] =	ssyncset.done $0x0  }
0x4e: {  	[sflag:s8] =	ssyncadd.s32 $0xFFFFF000  }
0x4f: {  	[spmem:s5] =	stream.linear.scatter [tilespmem:s7], [sflag:$0x3], $0x1000, $0x38;
	[tilespmem:$0x15E00] =	vst v63  }
0x50: {  	_ =	swait.ge [sflag:s8], $0x1000  }
0x51: {  	[sflag:s8] =	ssyncset.done $0x0  }
0x52: {  	[sflag:s8] =	ssyncadd.s32 $0xFFFFF000  }
0x53: {  	[spmem:s6] =	stream.linear.scatter [tilespmem:s7], [sflag:$0x3], $0x1000, $0x38;
	[tilespmem:$0x15E00] =	vst v63  }
0x54: {  	_ =	swait.ge [sflag:s8], $0x1000  }
0x55: {  	[sflag:s8] =	ssyncset.done $0x0  }
0x56: {  	s18 =	simm.s32 $0x0;
	s19 =	rddreg [dreg:$0xd];
	[sflag:s8] =	ssyncadd.s32 $0xFFFFF000  }
0x57: {  	[tilespmem:s18], [sflag:$0x3] =	stream.linear.gather [hbm4b:s19+s18], $0x4F00, $0x38;
	[tilespmem:$0x15E00] =	vst v63  }
0x58: {  	_ =	swait.ge [sflag:s8], $0x4F00  }
0x59: {  	[sflag:s8] =	ssyncset.done $0x0  }
0x5a: {  	s20 =	simm.s32 $0x4F00;
	s21 =	rddreg [dreg:$0xe];
	[sflag:s8] =	ssyncadd.s32 $0xFFFFB100  }
0x5b: {  	[tilespmem:s20], [sflag:$0x3] =	stream.linear.gather [hbm4b:s21+s18], $0x4F00, $0x38;
	[tilespmem:$0x15E00] =	vst v63  }
0x5c: {  	_ =	swait.ge [sflag:s8], $0x4F00  }
0x5d: {  	[sflag:s8] =	ssyncset.done $0x0  }
0x5e: {  	s18 =	simm.s32 $0x0;
	[sflag:s8] =	ssyncadd.s32 $0xFFFFB100  }
0x5f: {  	v4 =	vld [tilespmem:s18+$0x0]  }
0x60: {  	v3 =	vld [tilespmem:s18+$0x10]  }
0x61: {  	s19 =	simm.s32 $0x100;
	v2 =	vld [tilespmem:s18+$0x20]  }
.LBB2_4:
0x62: {  	p0 =	sne.s32 s19, $0x13B00;
	v5 =	vld [tilespmem:s18+$0x30];
	_ =	sdelay $0x1  }
.Ltmp1:
0x63: {  	v4 =	vadd.s32 v0, v4;
	(pc) =	sbr.rel @p0 .LBB2_4-.Ltmp1, $4  }
0x64: {  	s20 =	sshra.s32 s19, $0x2;
	[tilespmem:s18+$0x0] =	vst v4;
	v3 =	vadd.s32 v0, v3  }
0x65: {  	v4 =	vld [tilespmem:s20+$0x0];
	[tilespmem:s18+$0x10] =	vst v3;
	v2 =	vadd.s32 v0, v2  }
0x66: {  	v3 =	vld [tilespmem:s20+$0x10];
	[tilespmem:s18+$0x20] =	vst v2;
	v5 =	vadd.s32 v0, v5  }
0x67: {  	s19 =	sadd.s32 $0x100, s19;
	v2 =	vld [tilespmem:s20+$0x20];
	[tilespmem:s18+$0x30] =	vst v5;
	s18 =	smov.u32 s20  }
0x68: {  	v5 =	vld [tilespmem:s18+$0x30];
	_ =	sdelay $0x1  }
0x69: {  	v4 =	vadd.s32 v0, v4  }
0x6a: {  	[tilespmem:s18+$0x0] =	vst v4;
	v3 =	vadd.s32 v0, v3  }
0x6b: {  	[tilespmem:s18+$0x10] =	vst v3;
	v2 =	vadd.s32 v0, v2  }
0x6c: {  	[tilespmem:s18+$0x20] =	vst v2;
	v2 =	vadd.s32 v0, v5  }
0x6d: {  	[tilespmem:s18+$0x30] =	vst v2  }
0x6e: {  	s21 =	simm.s32 $0x0;
	[bflag:$0x0] =	sbarrier.arrive $0xFFFF  }
0x6f: {  	[tilespmem:s7], [sflag:$0x1] =	stream.indirect.gather [hbm4b:s14+s9], $0x40, s21, s9, $0xb8;
	[tilespmem:$0x15E00] =	vst v63  }
0x70: {  	s19 =	simm.s32 $0x40  }
0x71: {  	[tilespmem:s12], [sflag:$0x2] =	stream.indirect.gather [hbm4b:s14+s9], $0x40, s19, s9, $0xb8;
	[tilespmem:$0x15E00] =	vst v63  }
0x72: {  	_ =	swait.ge [sflag:s13], $0x1000  }
0x73: {  	[sflag:s13] =	ssyncset.done $0x0  }
0x74: {  	s20 =	simm.s32 $0x4F00;
	[sflag:s13] =	ssyncadd.s32 $0xFFFFF000  }
0x75: {  	[spmem:s11] =	stream.indirect.scatter.add.f32 [tilespmem:s7], [sflag:$0x3], $0x40, s20, s9, $0xb8;
	[tilespmem:$0x15E00] =	vst v63  }
0x76: {  	_ =	swait.ge [sflag:s8], $0x1000  }
0x77: {  	[sflag:s8] =	ssyncset.done $0x0  }
0x78: {  	[sflag:s8] =	ssyncadd.s32 $0xFFFFF000  }
0x79: {  	_ =	swait.ge [sflag:s16], $0x1000  }
0x7a: {  	[sflag:s16] =	ssyncset.done $0x0  }
0x7b: {  	s21 =	simm.s32 $0x4F40;
	[sflag:s16] =	ssyncadd.s32 $0xFFFFF000  }
0x7c: {  	[spmem:s11] =	stream.indirect.scatter.add.f32 [tilespmem:s12], [sflag:$0x3], $0x40, s21, s9, $0xb8;
	[tilespmem:$0x15E00] =	vst v63  }
0x7d: {  	_ =	swait.ge [sflag:s8], $0x1000  }
0x7e: {  	s18 =	simm.s32 $0x200;
	s19 =	simm.s32 $0x400;
	[sflag:s8] =	ssyncset.done $0x0  }
.LBB2_6:
0x7f: {  	s20 =	sshra.s32 s18, $0x2  }
0x80: {  	[sflag:s8] =	ssyncadd.s32 $0xFFFFF000;
	s18 =	smov.u32 s19;
	s21 =	sadd.s32 $0x200, s19  }
0x81: {  	[tilespmem:s7], [sflag:$0x1] =	stream.indirect.gather [hbm4b:s14+s9], $0x40, s20, s9, $0xb8;
	[tilespmem:$0x15E00] =	vst v63  }
0x82: {  	p0 =	sne.s32 s19, $0x13A00;
	s19 =	sadd.s32 $0x40, s20  }
0x83: {  	[tilespmem:s12], [sflag:$0x2] =	stream.indirect.gather [hbm4b:s14+s9], $0x40, s19, s9, $0xb8;
	[tilespmem:$0x15E00] =	vst v63  }
0x84: {  	_ =	swait.ge [sflag:s13], $0x1000  }
0x85: {  	[sflag:s13] =	ssyncset.done $0x0  }
0x86: {  	s19 =	sadd.s32 $0x4F00, s20;
	[sflag:s13] =	ssyncadd.s32 $0xFFFFF000  }
0x87: {  	[spmem:s11] =	stream.indirect.scatter.add.f32 [tilespmem:s7], [sflag:$0x3], $0x40, s19, s9, $0xb8;
	[tilespmem:$0x15E00] =	vst v63  }
0x88: {  	_ =	swait.ge [sflag:s8], $0x1000  }
0x89: {  	[sflag:s8] =	ssyncset.done $0x0  }
0x8a: {  	[sflag:s8] =	ssyncadd.s32 $0xFFFFF000  }
0x8b: {  	_ =	swait.ge [sflag:s16], $0x1000  }
.Ltmp2:
0x8c: {  	[sflag:s16] =	ssyncset.done $0x0;
	(pc) =	sbr.rel @p0 .LBB2_6-.Ltmp2, $4  }
0x8d: {  	s19 =	sadd.s32 $0x4F40, s20;
	[sflag:s16] =	ssyncadd.s32 $0xFFFFF000  }
0x8e: {  	[spmem:s11] =	stream.indirect.scatter.add.f32 [tilespmem:s12], [sflag:$0x3], $0x40, s19, s9, $0xb8;
	[tilespmem:$0x15E00] =	vst v63  }
0x8f: {  	_ =	swait.ge [sflag:s8], $0x1000  }
0x90: {  	s19 =	smov.u32 s21;
	[sflag:s8] =	ssyncset.done $0x0  }
0x91: {  	s18 =	sshra.s32 s18, $0x2;
	[sflag:s8] =	ssyncadd.s32 $0xFFFFF000  }
0x92: {  	[tilespmem:s7], [sflag:$0x1] =	stream.indirect.gather [hbm4b:s14+s9], $0x40, s18, s9, $0xb8;
	[tilespmem:$0x15E00] =	vst v63  }
0x93: {  	s19 =	sadd.s32 $0x40, s18  }
0x94: {  	[tilespmem:s12], [sflag:$0x2] =	stream.indirect.gather [hbm4b:s14+s9], $0x40, s19, s9, $0xb8;
	[tilespmem:$0x15E00] =	vst v63  }
0x95: {  	_ =	swait.ge [sflag:s13], $0x1000  }
0x96: {  	[sflag:s13] =	ssyncset.done $0x0  }
0x97: {  	s21 =	sadd.s32 $0x4F00, s18;
	[sflag:s13] =	ssyncadd.s32 $0xFFFFF000  }
0x98: {  	[spmem:s11] =	stream.indirect.scatter.add.f32 [tilespmem:s7], [sflag:$0x3], $0x40, s21, s9, $0xb8;
	[tilespmem:$0x15E00] =	vst v63  }
0x99: {  	_ =	swait.ge [sflag:s8], $0x1000  }
0x9a: {  	[sflag:s8] =	ssyncset.done $0x0  }
0x9b: {  	[sflag:s8] =	ssyncadd.s32 $0xFFFFF000  }
0x9c: {  	_ =	swait.ge [sflag:s16], $0x1000  }
0x9d: {  	[sflag:s16] =	ssyncset.done $0x0  }
0x9e: {  	s18 =	sadd.s32 $0x4F40, s18;
	[sflag:s16] =	ssyncadd.s32 $0xFFFFF000  }
0x9f: {  	[spmem:s11] =	stream.indirect.scatter.add.f32 [tilespmem:s12], [sflag:$0x3], $0x40, s18, s9, $0xb8;
	[tilespmem:$0x15E00] =	vst v63  }
0xa0: {  	_ =	swait.ge [sflag:s8], $0x1000  }
0xa1: {  	[sflag:s8] =	ssyncset.done $0x0  }
0xa2: {  	[sflag:s8] =	ssyncadd.s32 $0xFFFFF000  }
0xa3: {  	[bflag:$0x0] =	sbarrier.arrive $0xFFFF  }
0xa4: {  	s20 =	rddreg [dreg:$0xf]  }
0xa5: {  	[tilespmem:s7], [sflag:$0x3] =	stream.linear.gather [spmem:s20], $0x1000, $0x38;
	[tilespmem:$0x15E00] =	vst v63  }
0xa6: {  	_ =	swait.ge [sflag:s8], $0x1000  }
0xa7: {  	[sflag:s8] =	ssyncset.done $0x0  }
0xa8: {  	s21 =	rddreg [dreg:$0x3];
	[sflag:s8] =	ssyncadd.s32 $0xFFFFF000  }
0xa9: {  	[hbm4b:s21+s1] =	stream.linear.scatter [tilespmem:s7], [sflag:$0x3], $0x1000, $0x38;
	[tilespmem:$0x15E00] =	vst v63  }
0xaa: {  	_ =	swait.ge [sflag:s8], $0x1000  }
0xab: {  	[sflag:s8] =	ssyncset.done $0x0  }
0xac: {  	s19 =	rddreg [dreg:$0x11];
	[sflag:s8] =	ssyncadd.s32 $0xFFFFF000  }
0xad: {  	[tilespmem:s7], [sflag:$0x3] =	stream.linear.gather [spmem:s19], $0x1000, $0x38;
	[tilespmem:$0x15E00] =	vst v63  }
0xae: {  	_ =	swait.ge [sflag:s8], $0x1000  }
0xaf: {  	[sflag:s8] =	ssyncset.done $0x0  }
0xb0: {  	s20 =	rddreg [dreg:$0x4];
	[sflag:s8] =	ssyncadd.s32 $0xFFFFF000  }
0xb1: {  	[hbm4b:s20+s1] =	stream.linear.scatter [tilespmem:s7], [sflag:$0x3], $0x1000, $0x38;
	[tilespmem:$0x15E00] =	vst v63  }
0xb2: {  	_ =	swait.ge [sflag:s8], $0x1000  }
0xb3: {  	[sflag:s8] =	ssyncset.done $0x0  }
0xb4: {  	s21 =	rddreg [dreg:$0x12];
	[sflag:s8] =	ssyncadd.s32 $0xFFFFF000  }
0xb5: {  	[tilespmem:s7], [sflag:$0x3] =	stream.linear.gather [spmem:s21], $0x1000, $0x38;
	[tilespmem:$0x15E00] =	vst v63  }
0xb6: {  	_ =	swait.ge [sflag:s8], $0x1000  }
0xb7: {  	[sflag:s8] =	ssyncset.done $0x0  }
0xb8: {  	s19 =	rddreg [dreg:$0x5];
	[sflag:s8] =	ssyncadd.s32 $0xFFFFF000  }
0xb9: {  	[hbm4b:s19+s1] =	stream.linear.scatter [tilespmem:s7], [sflag:$0x3], $0x1000, $0x38;
	[tilespmem:$0x15E00] =	vst v63  }
0xba: {  	_ =	swait.ge [sflag:s8], $0x1000  }
0xbb: {  	[sflag:s8] =	ssyncset.done $0x0  }
0xbc: {  	[sflag:s8] =	ssyncadd.s32 $0xFFFFF000  }
0xbd: {  	[tilespmem:s7], [sflag:$0x3] =	stream.linear.gather [spmem:s22], $0x1000, $0x38;
	[tilespmem:$0x15E00] =	vst v63  }
0xbe: {  	_ =	swait.ge [sflag:s8], $0x1000  }
0xbf: {  	[sflag:s8] =	ssyncset.done $0x0  }
0xc0: {  	s20 =	rddreg [dreg:$0x6];
	[sflag:s8] =	ssyncadd.s32 $0xFFFFF000  }
0xc1: {  	[hbm4b:s20+s1] =	stream.linear.scatter [tilespmem:s7], [sflag:$0x3], $0x1000, $0x38;
	[tilespmem:$0x15E00] =	vst v63  }
0xc2: {  	_ =	swait.ge [sflag:s8], $0x1000  }
0xc3: {  	[sflag:s8] =	ssyncset.done $0x0  }
0xc4: {  	[sflag:s8] =	ssyncadd.s32 $0xFFFFF000  }
0xc5: {  	[tilespmem:s7], [sflag:$0x3] =	stream.linear.gather [spmem:s23], $0x1000, $0x38;
	[tilespmem:$0x15E00] =	vst v63  }
0xc6: {  	_ =	swait.ge [sflag:s8], $0x1000  }
0xc7: {  	[sflag:s8] =	ssyncset.done $0x0  }
0xc8: {  	s21 =	rddreg [dreg:$0x7];
	[sflag:s8] =	ssyncadd.s32 $0xFFFFF000  }
0xc9: {  	[hbm4b:s21+s1] =	stream.linear.scatter [tilespmem:s7], [sflag:$0x3], $0x1000, $0x38;
	[tilespmem:$0x15E00] =	vst v63  }
0xca: {  	_ =	swait.ge [sflag:s8], $0x1000  }
0xcb: {  	[sflag:s8] =	ssyncset.done $0x0  }
0xcc: {  	[sflag:s8] =	ssyncadd.s32 $0xFFFFF000  }
0xcd: {  	[tilespmem:s7], [sflag:$0x3] =	stream.linear.gather [spmem:s24], $0x1000, $0x38;
	[tilespmem:$0x15E00] =	vst v63  }
0xce: {  	_ =	swait.ge [sflag:s8], $0x1000  }
0xcf: {  	[sflag:s8] =	ssyncset.done $0x0  }
0xd0: {  	s19 =	rddreg [dreg:$0x8];
	[sflag:s8] =	ssyncadd.s32 $0xFFFFF000  }
0xd1: {  	[hbm4b:s19+s1] =	stream.linear.scatter [tilespmem:s7], [sflag:$0x3], $0x1000, $0x38;
	[tilespmem:$0x15E00] =	vst v63  }
0xd2: {  	_ =	swait.ge [sflag:s8], $0x1000  }
0xd3: {  	[sflag:s8] =	ssyncset.done $0x0  }
0xd4: {  	[sflag:s8] =	ssyncadd.s32 $0xFFFFF000  }
0xd5: {  	[tilespmem:s7], [sflag:$0x3] =	stream.linear.gather [spmem:s25], $0x1000, $0x38;
	[tilespmem:$0x15E00] =	vst v63  }
0xd6: {  	_ =	swait.ge [sflag:s8], $0x1000  }
0xd7: {  	[sflag:s8] =	ssyncset.done $0x0  }
0xd8: {  	s20 =	rddreg [dreg:$0x9];
	[sflag:s8] =	ssyncadd.s32 $0xFFFFF000  }
0xd9: {  	[hbm4b:s20+s1] =	stream.linear.scatter [tilespmem:s7], [sflag:$0x3], $0x1000, $0x38;
	[tilespmem:$0x15E00] =	vst v63  }
0xda: {  	_ =	swait.ge [sflag:s8], $0x1000  }
0xdb: {  	[sflag:s8] =	ssyncset.done $0x0  }
0xdc: {  	[sflag:s8] =	ssyncadd.s32 $0xFFFFF000  }
0xdd: {  	[tilespmem:s7], [sflag:$0x3] =	stream.linear.gather [spmem:s26], $0x1000, $0x38;
	[tilespmem:$0x15E00] =	vst v63  }
0xde: {  	_ =	swait.ge [sflag:s8], $0x1000  }
0xdf: {  	[sflag:s8] =	ssyncset.done $0x0  }
0xe0: {  	s21 =	rddreg [dreg:$0xa];
	[sflag:s8] =	ssyncadd.s32 $0xFFFFF000  }
0xe1: {  	[hbm4b:s21+s1] =	stream.linear.scatter [tilespmem:s7], [sflag:$0x3], $0x1000, $0x38;
	[tilespmem:$0x15E00] =	vst v63  }
0xe2: {  	_ =	swait.ge [sflag:s8], $0x1000  }
0xe3: {  	[sflag:s8] =	ssyncset.done $0x0  }
0xe4: {  	[sflag:s8] =	ssyncadd.s32 $0xFFFFF000  }
0xe5: {  	[tilespmem:s7], [sflag:$0x3] =	stream.linear.gather [spmem:s28], $0x1000, $0x38;
	[tilespmem:$0x15E00] =	vst v63  }
0xe6: {  	_ =	swait.ge [sflag:s8], $0x1000  }
0xe7: {  	[sflag:s8] =	ssyncset.done $0x0  }
0xe8: {  	s19 =	rddreg [dreg:$0xb];
	[sflag:s8] =	ssyncadd.s32 $0xFFFFF000  }
0xe9: {  	[hbm4b:s19+s1] =	stream.linear.scatter [tilespmem:s7], [sflag:$0x3], $0x1000, $0x38;
	[tilespmem:$0x15E00] =	vst v63  }
0xea: {  	_ =	swait.ge [sflag:s8], $0x1000  }
0xeb: {  	[sflag:s8] =	ssyncset.done $0x0  }
0xec: {  	[sflag:s8] =	ssyncadd.s32 $0xFFFFF000  }
0xed: {  	[tilespmem:s7], [sflag:$0x3] =	stream.linear.gather [spmem:s29], $0x1000, $0x38;
	[tilespmem:$0x15E00] =	vst v63  }
0xee: {  	_ =	swait.ge [sflag:s8], $0x1000  }
0xef: {  	[sflag:s8] =	ssyncset.done $0x0  }
0xf0: {  	s20 =	rddreg [dreg:$0xc];
	[sflag:s8] =	ssyncadd.s32 $0xFFFFF000  }
0xf1: {  	[hbm4b:s20+s1] =	stream.linear.scatter [tilespmem:s7], [sflag:$0x3], $0x1000, $0x38;
	[tilespmem:$0x15E00] =	vst v63  }
0xf2: {  	_ =	swait.ge [sflag:s8], $0x1000  }
0xf3: {  	s17 =	sadd.s32 $0x1, s17;
	s21 =	rddreg [dreg:$0x10]  }
0xf4: {  	p0 =	sne.s32 s17, s21  }
.Ltmp3:
0xf5: {  	_ = 	snop;
	(pc) =	sbr.rel @p0 .LBB2_1-.Ltmp3, $3  }
0xf6: {  	_ =	sdelay $0x1  }
0xf7: {  	[sflag:s8] =	ssyncset.done $0x0  }
0xf8: {  	[sflag:s8] =	ssyncadd.s32 $0xFFFFF000  }
0xf9: {  	_ =	sfence.sel $0x180000  }
0xfa: {  	[bflag:$0x0] =	sbarrier.arrive $0xFFFF  }
0xfb: {  	_ =	strace $0x90000050  }
0xfc: {  	s0 =	stileid.u32;
	[bflag:$0x2] =	sbarrier.arrive $0xFFFF  }
0xfd: {  	p0 =	sne.s32 s0, $0x0;
	s0 =	rddreg [dreg:$0x2]  }
0xfe: {  	s0 =	sadd.s32 @!p0 $0x100000, s0  }
0xff: {  	[sflag:s0] =	ssyncadd.tile.s32 @!p0 $0x1;
	_ =	shalt  }
.Lfunc_end2:
_tile_overlayer_lowered:
.L_overlay_start_2:
0x100: {  	(tag) =	ssettag $0x2  }
0x101: {  	s0 =	rddreg [dreg:$0x0];
	s2 =	stileid.u32  }
0x102: {  	s1 =	rddreg [dreg:$0x1];
	p0 =	sne.s32 s2, $0x0  }
0x103: {  	s3 =	rddreg [dreg:$0x2];
	[bflag:$0x3] =	sbarrier.arrive $0xFFFF;
	s2 =	simm.s32 @!p0 $0x1C03  }
0x104: {  	[timem:s3], [sflag:s2] =	dma.local @!p0 [hbm:s0], s1  }
0x105: {  	s0 =	simm.s32 @!p0 $0x3  }
0x106: {  	_ =	swait.ge @!p0 [sflag:s0], s1  }
0x107: {  	s1 =	ssub.s32 @!p0 $0x0, s1;
	[sflag:s0] =	ssyncset.done @!p0 $0x0  }
0x108: {  	[sflag:s0] =	ssyncadd.s32 @!p0 s1  }
0x109: {  	[bflag:$0x3] =	sbarrier.arrive $0xFFFF  }
0x10a: {  	_ =	shalt  }

// kernel: kernel.24.cloned.1.call-start
scs
__scs_entry_jumppad:
0x0: {  	(pc) =	sbr.rel $0x88, $3  }
0x1: {  	(tag) =	ssettag $0x0;
	lr =	simm.s32 $0x1  }
0x2: {  	[smem:$0x3F94] =	sst lr;
	_ =	strace $0xD0000000  }
0x3: {  	_ = 	snop  }
0x4: {  	_ = 	snop  }
0x5: {  	_ = 	snop  }
0x6: {  	_ = 	snop  }
0x7: {  	_ = 	snop  }
__scs_overlays_trampoline_lowered:
0x8: {  	[smem:$0x3FA3] =	sst s0  }
0x9: {  	[smem:$0x3FA4] =	sst s1  }
0xa: {  	[smem:$0x3FA5] =	sst s2  }
0xb: {  	[smem:$0x3FA6] =	sst s3  }
0xc: {  	[smem:$0x3FA7] =	sst s4  }
0xd: {  	[smem:$0x3FA8] =	sst s5  }
0xe: {  	[smem:$0x3FA9] =	sst s6  }
0xf: {  	[smem:$0x3FAA] =	sst s7  }
0x10: {  	[smem:$0x3FAB] =	sst s8  }
0x11: {  	[smem:$0x3FAC] =	sst s9;
	s0 =	simm.s32 @!p0 $0x0  }
0x12: {  	s1 =	sld [smem:$0x3F92];
	s0 =	simm.s32 @p0 $0x1  }
0x13: {  	[smem:$0x3FAD] =	sst s0;
	s0 =	simm.s32 @!p1 $0x0  }
0x14: {  	s2 =	sld [smem:$0x3F91];
	s0 =	simm.s32 @p1 $0x1  }
0x15: {  	[smem:$0x3FAE] =	sst s0;
	s0 =	simm.s32 @!p2 $0x0  }
0x16: {  	s3 =	sld [smem:$0x3FDB];
	s0 =	simm.s32 @p2 $0x1  }
0x17: {  	s4 =	simm.s32 $0x1BF5;
	[smem:$0x3FB0] =	sst s0  }
0x18: {  	s0 =	sld [smem:$0x3F93];
	_ =	swait.ge [sflag:s4], $0x0  }
0x19: {  	s7 =	sld [smem:$0x3F94]  }
0x1a: {  	s8 =	sadd.s32 $0xFFFFE003, lr  }
0x1b: {  	s9 =	sadd.s32 $0xFFFFFEF7, lr;
	s5 =	simm.s32 $0xFFFFFFFF;
	p2 =	slt.u32 s8, $0xFFFFF086  }
0x1c: {  	p1 =	slt.u32 s9, $0xF7A;
	s5 =	simm.s32 @!p2 $0x0  }
0x1d: {  	s5 =	simm.s32 @p1 $0x1;
	p0 =	seq.s32 s7, s2  }
0x1e: {  	s7 =	smul.u32 @!p0 $0xF7A, s2;
	p2 =	seq.s32 @!p0 s5, $0x0  }
0x1f: {  	s9 =	smul.u32 $0xF7A, s1;
	s8 =	simm.s32 @!p0 $0x1BF5;
	p2 =	por !p2, p0  }
0x20: {  	[sflag:s8] =	ssyncset.s32 @!p0 $0xFFFFF086;
	s6 =	sadd.s32 @!p0 s3, s7;
	s7 =	simm.s32 @!p0 $0x108  }
0x21: {  	s3 =	sadd.s32 s3, s9;
	s6 =	sadd.s32 @!p0 $0x88, s6;
	s7 =	simm.s32 @p2 $0x1082  }
0x22: {  	[simem:s7], [sflag:s8] =	dma.local @!p0 [hbm:s6], $0xF7A  }
0x23: {  	s9 =	sor.u32 $0xD0000000, s2;
	s6 =	simm.s32 $0x108;
	_ =	swait.ge @!p0 [sflag:s8], $0x0  }
0x24: {  	s3 =	sadd.s32 $0x88, s3;
	s6 =	simm.s32 @!p1 $0x1082;
	[sflag:s4] =	ssyncset.s32 $0xFFFFF086  }
0x25: {  	[simem:s6], [sflag:s4] =	dma.local [hbm:s3], $0xF7A  }
0x26: {  	[smem:$0x3F94] =	sst s1;
	(tag) =	ssettag s2;
	_ =	strace s9  }
0x27: {  	s1 =	sld [smem:$0x3FA4]  }
0x28: {  	s2 =	sld [smem:$0x3FA5]  }
0x29: {  	s4 =	sld [smem:$0x3FA7]  }
0x2a: {  	p0 =	seq.s32 s5, $0x0;
	s5 =	sld [smem:$0x3FA8]  }
0x2b: {  	s6 =	sld [smem:$0x3FA9]  }
0x2c: {  	s7 =	sld [smem:$0x3FAA]  }
0x2d: {  	s3 =	simm.s32 $0x108;
	s8 =	sld [smem:$0x3FAB]  }
0x2e: {  	s3 =	simm.s32 @!p0 $0x1082;
	s9 =	sld [smem:$0x3FAC]  }
0x2f: {  	lr =	sadd.s32 s0, s3;
	s0 =	sld [smem:$0x3FA3]  }
0x30: {  	s3 =	sld [smem:$0x3FA6]  }
0x31: {  	[smem:$0x3FAF] =	sst s10  }
0x32: {  	s10 =	sld [smem:$0x3FAD];
	_ =	sdelay $0x3  }
0x33: {  	p0 =	seq.s32 s10, $0x1;
	s10 =	sld [smem:$0x3FAF];
	_ =	sdelay $0x3  }
0x34: {  	[smem:$0x3FAF] =	sst s10  }
0x35: {  	s10 =	sld [smem:$0x3FAE];
	_ =	sdelay $0x3  }
0x36: {  	p1 =	seq.s32 s10, $0x1;
	s10 =	sld [smem:$0x3FAF];
	_ =	sdelay $0x3  }
0x37: {  	[smem:$0x3FAF] =	sst s10  }
0x38: {  	s10 =	sld [smem:$0x3FB0]  }
0x39: {  	_ = 	snop;
	(pc) =	sbr.ind lr, $3  }
0x3a: {  	_ = 	snop  }
0x3b: {  	_ = 	snop  }
0x3c: {  	p2 =	seq.s32 s10, $0x1;
	s10 =	sld [smem:$0x3FAF]  }
0x3d: {  	_ =	shalt  }
0x3e: {  	_ =	shalt  }
0x3f: {  	_ =	shalt  }
0x40: {  	_ =	shalt  }
0x41: {  	_ =	shalt  }
0x42: {  	_ =	shalt  }
0x43: {  	_ =	shalt  }
0x44: {  	_ =	shalt  }
0x45: {  	_ =	shalt  }
0x46: {  	_ =	shalt  }
0x47: {  	_ =	shalt  }
0x48: {  	_ =	shalt  }
0x49: {  	_ =	shalt  }
0x4a: {  	_ =	shalt  }
0x4b: {  	_ =	shalt  }
0x4c: {  	_ =	shalt  }
0x4d: {  	_ =	shalt  }
0x4e: {  	_ =	shalt  }
0x4f: {  	_ =	shalt  }
0x50: {  	_ =	shalt  }
0x51: {  	_ =	shalt  }
0x52: {  	_ =	shalt  }
0x53: {  	_ =	shalt  }
0x54: {  	_ =	shalt  }
0x55: {  	_ =	shalt  }
0x56: {  	_ =	shalt  }
0x57: {  	_ =	shalt  }
0x58: {  	_ =	shalt  }
0x59: {  	_ =	shalt  }
0x5a: {  	_ =	shalt  }
0x5b: {  	_ =	shalt  }
0x5c: {  	_ =	shalt  }
0x5d: {  	_ =	shalt  }
0x5e: {  	_ =	shalt  }
0x5f: {  	_ =	shalt  }
0x60: {  	_ =	shalt  }
0x61: {  	_ =	shalt  }
0x62: {  	_ =	shalt  }
0x63: {  	_ =	shalt  }
0x64: {  	_ =	shalt  }
0x65: {  	_ =	shalt  }
0x66: {  	_ =	shalt  }
0x67: {  	_ =	shalt  }
0x68: {  	_ =	shalt  }
0x69: {  	_ =	shalt  }
0x6a: {  	_ =	shalt  }
0x6b: {  	_ =	shalt  }
0x6c: {  	_ =	shalt  }
0x6d: {  	_ =	shalt  }
0x6e: {  	_ =	shalt  }
0x6f: {  	_ =	shalt  }
0x70: {  	_ =	shalt  }
0x71: {  	_ =	shalt  }
0x72: {  	_ =	shalt  }
0x73: {  	_ =	shalt  }
0x74: {  	_ =	shalt  }
0x75: {  	_ =	shalt  }
0x76: {  	_ =	shalt  }
0x77: {  	_ =	shalt  }
0x78: {  	_ =	shalt  }
0x79: {  	_ =	shalt  }
0x7a: {  	_ =	shalt  }
0x7b: {  	_ =	shalt  }
0x7c: {  	_ =	shalt  }
0x7d: {  	_ =	shalt  }
0x7e: {  	_ =	shalt  }
0x7f: {  	_ =	shalt  }
0x80: {  	_ =	shalt  }
0x81: {  	_ =	shalt  }
0x82: {  	_ =	shalt  }
0x83: {  	_ =	shalt  }
0x84: {  	_ =	shalt  }
0x85: {  	_ =	shalt  }
0x86: {  	_ =	shalt  }
0x87: {  	_ =	shalt  }
.Lfunc_end0:
.L_simem_size_0:
called_computation.4_lowered:
.L_overlay_start_0:
0x88: {  	s2 =	sld [smem:$0x3FD9]  }
0x89: {  	s3 =	sld [smem:$0x3FFE];
	_ =	sdelay $0x1  }
0x8a: {  	s1 =	srdreg.scid  }
0x8b: {  	s0 =	sand.u32 $0x1, s1  }
0x8c: {  	s16 =	sshll.u32 s0, $0xA;
	s2 =	sadd.s32 s3, s2  }
0x8d: {  	s2 =	sadd.s32 s2, s16  }
0x8e: {  	[smem:$0x3FBB] =	sst s2  }
0x8f: {  	_ = 	snop  }
0x90: {  	(tm) =	ssettm $0x1  }
0x91: {  	s17 =	sld [smem:$0x3FFB];
	_ =	sdelay $0x3  }
0x92: {  	_ =	strace s17  }
0x93: {  	s2 =	sld [smem:$0x3FFC];
	_ =	sdelay $0x3  }
0x94: {  	_ =	strace s2  }
0x95: {  	s2 =	sld [smem:$0x3FFD];
	_ =	sdelay $0x3  }
0x96: {  	_ =	strace s2  }
0x97: {  	_ =	strace $0x8FFFFFFF  }
0x98: {  	s18 =	sld [smem:$0x3FDB];
	_ =	sdelay $0x1  }
0x99: {  	s19 =	simm.s32 $_scs_section_size  }
0x9a: {  	s4 =	simm.s32 $_size__tile_overlayer_lowered;
	s5 =	simm.s32 $_tile_overlayer_lowered  }
0x9b: {  	s22 =	simm.s32 $0x1BFF;
	s21 =	sshll.u32 s5, $0x1;
	s2 =	sadd.s32 s19, s18  }
0x9c: {  	s6 =	simm.s32 $0x0;
	s20 =	sshll.u32 s4, $0x1;
	s4 =	sadd.s32 s21, s2  }
0x9d: {  	[timem:s6], [sflag:s22] =	dma.local [hbm:s4], s20  }
0x9e: {  	_ =	swait.ge [sflag:s22], s20  }
0x9f: {  	s3 =	ssub.s32 $0x0, s20;
	[sflag:s22] =	ssyncset.done $0x0  }
0xa0: {  	[sflag:s22] =	ssyncadd.s32 s3;
	_ =	sdelay $0x1  }
0xa1: {  	s23 =	simm.s32 $0x1B8B  }
0xa2: {  	_ =	swait.ge [sflag:s23], $0x1  }
0xa3: {  	[sflag:s23] =	ssyncset.done $0x0  }
0xa4: {  	s25 =	simm.s32 $0x1B8E;
	s24 =	sld [smem:$0x3FFE];
	[sflag:s23] =	ssyncadd.s32 $0xFFFFFFFF  }
0xa5: {  	s26 =	simm.s32 $execute0_lowered;
	[smem:$0x3FD2] =	sst s25  }
0xa6: {  	s4 =	sshll.u32 s26, $0x1;
	_ =	strace $0x80000052;
	[dreg:$0x1] =	wrdreg $0xFFFFFFFF  }
0xa7: {  	s28 =	simm.s32 $_size_execute0_lowered;
	s2 =	sadd.s32 s2, s4;
	[dreg:$0x0] =	wrdreg $0x0  }
0xa8: {  	s4 =	sshll.u32 s28, $0x1;
	[dreg:$0x2] =	wrdreg s2  }
0xa9: {  	[dreg:$0x3] =	wrdreg s4  }
0xaa: {  	[dreg:$0x4] =	wrdreg $0xC0  }
0xab: {  	_ =	task [dreg:s6], $0x5FFFF  }
0xac: {  	[dreg:$0x1] =	wrdreg $0xFFFFFFFF  }
0xad: {  	[dreg:$0x0] =	wrdreg $0x60  }
0xae: {  	[dreg:$0x2] =	wrdreg s24  }
0xaf: {  	[dreg:$0x3] =	wrdreg $0xBE000  }
0xb0: {  	[dreg:$0x4] =	wrdreg $0x9  }
0xb1: {  	_ =	task.clear_ibuf [dreg:s6], $0x5FFFF;
	_ =	strace $0x90000052  }
0xb2: {  	s29 =	simm.s32 $0x9;
	_ =	strace $0x80000054  }
0xb3: {  	_ =	swait.ge [sflag:s29], $0x1  }
0xb4: {  	[sflag:s29] =	ssyncadd.s32 $0xFFFFFFFF  }
0xb5: {  	_ =	strace $0x90000054  }
0xb6: {  	_ =	sfence  }
0xb7: {  	s30 =	sld [smem:$0x0];
	_ =	sdelay $0x2  }
0xb8: {  	s31 =	sshll.u32 s1, $0xD;
	s1 =	sshrl.u32 s1, $0x2  }
0xb9: {  	s3 =	sand.u32 $0x4000, s31;
	s1 =	sadd.s32 s1, s30  }
0xba: {  	s0 =	sor.u32 s3, s0;
	s1 =	sshll.u32 s1, $0x11  }
0xbb: {  	s0 =	sor.u32 s1, s0  }
0xbc: {  	s0 =	sadd.s32 $0x8F2B, s0  }
0xbd: {  	[sflag:s0] =	ssyncadd.remote.s32 $0x1  }
0xbe: {  	_ =	sfence.sel $0xFFFF  }
0xbf: {  	[dreg:$0x0] =	wrdreg $0xFFFFFFFF;
	(pc) =	sbr.abs _section_cstart, $3  }
0xc0: {  	[dreg:$0x1] =	wrdreg $0xFFFFFFFF  }
0xc1: {  	_ =	task.clear_ibuf [dreg:s6], $0x2FFFF;
	_ =	strace $0x9FFFFFFF  }
0xc2: {  	(tm) =	ssettm $0x7FFFFFFF  }
0xc3: {  	_ =	shalt  }
tec
execute0_lowered:
.L_overlay_start_1:
0x0: {  	(tag) =	ssettag $0x1  }
0x1: {  	s15 =	stileid.u32  }
0x2: {  	s0 =	srdreg.scid;
	s3 =	rddreg [dreg:$0x0]  }
0x3: {  	s1 =	simm.s32 $0x0;
	s0 =	sand.u32 $0x1, s0;
	s2 =	smul.u32 $0xA000, s15  }
0x4: {  	[smem:$0x7FF] =	sst s1;
	s4 =	smul.u32 $0xA0000, s0;
	s6 =	ssub.s32 $0x2, s0  }
0x5: {  	s5 =	sadd.s32 $0xA4200, s3;
	s7 =	sshrl.u32 s6, $0x1;
	s9 =	sor.u32 $0x1000, s2  }
0x6: {  	s10 =	sadd.s32 $0x3000, s2;
	s12 =	sadd.s32 $0x4000, s2;
	s8 =	sadd.s32 s4, s2  }
0x7: {  	s6 =	ssub.s32 s6, s7;
	s14 =	sadd.s32 s4, s9;
	s11 =	sadd.s32 s4, s10  }
0x8: {  	s19 =	sadd.s32 s4, s12;
	s13 =	sshrl.u32 s8, $0x3;
	s16 =	sshrl.u32 s14, $0x3  }
0x9: {  	s8 =	sadd.s32 $0x2000, s2;
	s18 =	sshrl.u32 s11, $0x3;
	s20 =	sshrl.u32 s19, $0x3  }
0xa: {  	s19 =	sadd.s32 $0x9000, s2;
	s14 =	smul.u32 $0x9E0, s15;
	s11 =	rddreg [dreg:$0x1]  }
0xb: {  	s15 =	smul.u32 $0x28000, s15;
	s7 =	sadd.s32 s5, s13;
	s17 =	sadd.s32 s4, s8  }
0xc: {  	s13 =	sadd.s32 $0x5000, s2;
	s29 =	sadd.s32 s19, s11;
	[dreg:$0x3] =	wrdreg s7  }
0xd: {  	s7 =	sadd.s32 s5, s16;
	s21 =	sadd.s32 s4, s13;
	s16 =	sadd.s32 $0x6000, s2  }
0xe: {  	[dreg:$0x4] =	wrdreg s7;
	s7 =	sshrl.u32 s17, $0x3;
	s22 =	sadd.s32 s4, s16  }
0xf: {  	s17 =	sadd.s32 $0x7000, s2;
	s7 =	sadd.s32 s5, s7;
	s23 =	sshrl.u32 s22, $0x3  }
0x10: {  	s24 =	sadd.s32 s4, s17;
	[dreg:$0x5] =	wrdreg s7;
	s7 =	sadd.s32 s5, s18  }
0x11: {  	s25 =	sshrl.u32 s24, $0x3;
	s18 =	sadd.s32 $0x8000, s2;
	s24 =	smax.u32 s6, $0x1  }
0x12: {  	[dreg:$0x6] =	wrdreg s7;
	s7 =	sadd.s32 s5, s20;
	s26 =	sadd.s32 s4, s18  }
0x13: {  	s4 =	sadd.s32 s4, s19;
	s20 =	sshrl.u32 s15, $0x2;
	s28 =	sadd.s32 s18, s11  }
0x14: {  	[dreg:$0x7] =	wrdreg s7;
	s7 =	sshrl.u32 s21, $0x3;
	s4 =	sshrl.u32 s4, $0x3  }
0x15: {  	s15 =	sadd.s32 s20, s11;
	s20 =	smul.u32 $0x2800, s0;
	s7 =	sadd.s32 s5, s7  }
0x16: {  	s4 =	sadd.s32 s5, s4;
	s30 =	sadd.s32 $0x1000, s15;
	s31 =	sadd.s32 $0x2000, s15  }
0x17: {  	s0 =	sadd.s32 $0x4000, s15;
	s6 =	sadd.s32 $0x9000, s15;
	[dreg:$0x8] =	wrdreg s7  }
0x18: {  	s7 =	sadd.s32 s5, s23;
	[dreg:$0xc] =	wrdreg s4;
	s23 =	sadd.s32 s2, s11  }
0x19: {  	s2 =	sadd.s32 $0x5000, s15;
	[dreg:$0x9] =	wrdreg s7;
	s7 =	sadd.s32 s5, s25  }
0x1a: {  	s4 =	sadd.s32 $0x7000, s15;
	[dreg:$0xa] =	wrdreg s7;
	s7 =	sshrl.u32 s26, $0x3  }
0x1b: {  	s25 =	sadd.s32 s9, s11;
	s9 =	simm.s32 $0x40;
	s7 =	sadd.s32 s5, s7  }
0x1c: {  	s26 =	sadd.s32 s8, s11;
	s8 =	simm.s32 $0x3;
	[dreg:$0xb] =	wrdreg s7  }
0x1d: {  	s5 =	sadd.s32 $0x8000, s15;
	_ =	strace $0x80000053;
	[dreg:$0xf] =	wrdreg s23  }
0x1e: {  	s7 =	sadd.s32 s14, s3;
	s14 =	sadd.s32 $0x7C200, s3;
	[dreg:$0x10] =	wrdreg s24  }
0x1f: {  	s3 =	sadd.s32 $0x6000, s15;
	s21 =	sadd.s32 $0x22400, s7;
	[dreg:$0x11] =	wrdreg s25  }
0x20: {  	s22 =	sadd.s32 $0x18600, s7;
	[dreg:$0x12] =	wrdreg s26;
	s23 =	sadd.s32 s12, s11  }
0x21: {  	s24 =	sadd.s32 s13, s11;
	s25 =	sadd.s32 s16, s11;
	s26 =	sadd.s32 s17, s11  }
0x22: {  	s7 =	simm.s32 $0x9E00;
	s12 =	simm.s32 $0xAE00;
	s13 =	simm.s32 $0x1  }
0x23: {  	s16 =	simm.s32 $0x2;
	s17 =	simm.s32 $0x0;
	[dreg:$0xd] =	wrdreg s21  }
0x24: {  	v1 =	vimm.f32 $0.0e+00;
	v0 =	vmov s20;
	[dreg:$0xe] =	wrdreg s22;
	s22 =	sadd.s32 s10, s11;
	s10 =	sadd.s32 $0x3000, s15  }
.LBB2_1:
0x25: {  	s19 =	simm.s32 $0x100;
	s18 =	simm.s32 $0x0  }
.LBB2_2:
0x26: {  	p0 =	sne.s32 s19, $0x3F00;
	[tilespmem:s18+$0x9E30] =	vst v1;
	s20 =	smov.u32 s19;
	s19 =	sadd.s32 $0x100, s19  }
.Ltmp0:
0x27: {  	[tilespmem:s18+$0x9E20] =	vst v1;
	(pc) =	sbr.rel @p0 .LBB2_2-.Ltmp0, $3  }
0x28: {  	[tilespmem:s18+$0x9E00] =	vst v1  }
0x29: {  	[tilespmem:s18+$0x9E10] =	vst v1;
	_ =	sdelay $0x1  }
0x2a: {  	s18 =	sshra.s32 s20, $0x2  }
0x2b: {  	[tilespmem:s18+$0x9E30] =	vst v1  }
0x2c: {  	[tilespmem:s18+$0x9E20] =	vst v1  }
0x2d: {  	[tilespmem:s18+$0x9E00] =	vst v1  }
0x2e: {  	[tilespmem:s18+$0x9E10] =	vst v1  }
0x2f: {  	[spmem:s15] =	stream.linear.scatter [tilespmem:s7], [sflag:$0x3], $0x1000, $0x38;
	[tilespmem:$0x15E00] =	vst v63  }
0x30: {  	_ =	swait.ge [sflag:s8], $0x1000  }
0x31: {  	[sflag:s8] =	ssyncset.done $0x0  }
0x32: {  	[sflag:s8] =	ssyncadd.s32 $0xFFFFF000  }
0x33: {  	[spmem:s30] =	stream.linear.scatter [tilespmem:s7], [sflag:$0x3], $0x1000, $0x38;
	[tilespmem:$0x15E00] =	vst v63  }
0x34: {  	_ =	swait.ge [sflag:s8], $0x1000  }
0x35: {  	[sflag:s8] =	ssyncset.done $0x0  }
0x36: {  	[sflag:s8] =	ssyncadd.s32 $0xFFFFF000  }
0x37: {  	[spmem:s31] =	stream.linear.scatter [tilespmem:s7], [sflag:$0x3], $0x1000, $0x38;
	[tilespmem:$0x15E00] =	vst v63  }
0x38: {  	_ =	swait.ge [sflag:s8], $0x1000  }
0x39: {  	[sflag:s8] =	ssyncset.done $0x0  }
0x3a: {  	[sflag:s8] =	ssyncadd.s32 $0xFFFFF000  }
0x3b: {  	[spmem:s10] =	stream.linear.scatter [tilespmem:s7], [sflag:$0x3], $0x1000, $0x38;
	[tilespmem:$0x15E00] =	vst v63  }
0x3c: {  	_ =	swait.ge [sflag:s8], $0x1000  }
0x3d: {  	[sflag:s8] =	ssyncset.done $0x0  }
0x3e: {  	[sflag:s8] =	ssyncadd.s32 $0xFFFFF000  }
0x3f: {  	[spmem:s0] =	stream.linear.scatter [tilespmem:s7], [sflag:$0x3], $0x1000, $0x38;
	[tilespmem:$0x15E00] =	vst v63  }
0x40: {  	_ =	swait.ge [sflag:s8], $0x1000  }
0x41: {  	[sflag:s8] =	ssyncset.done $0x0  }
0x42: {  	[sflag:s8] =	ssyncadd.s32 $0xFFFFF000  }
0x43: {  	[spmem:s2] =	stream.linear.scatter [tilespmem:s7], [sflag:$0x3], $0x1000, $0x38;
	[tilespmem:$0x15E00] =	vst v63  }
0x44: {  	_ =	swait.ge [sflag:s8], $0x1000  }
0x45: {  	[sflag:s8] =	ssyncset.done $0x0  }
0x46: {  	[sflag:s8] =	ssyncadd.s32 $0xFFFFF000  }
0x47: {  	[spmem:s3] =	stream.linear.scatter [tilespmem:s7], [sflag:$0x3], $0x1000, $0x38;
	[tilespmem:$0x15E00] =	vst v63  }
0x48: {  	_ =	swait.ge [sflag:s8], $0x1000  }
0x49: {  	[sflag:s8] =	ssyncset.done $0x0  }
0x4a: {  	[sflag:s8] =	ssyncadd.s32 $0xFFFFF000  }
0x4b: {  	[spmem:s4] =	stream.linear.scatter [tilespmem:s7], [sflag:$0x3], $0x1000, $0x38;
	[tilespmem:$0x15E00] =	vst v63  }
0x4c: {  	_ =	swait.ge [sflag:s8], $0x1000  }
0x4d: {  	[sflag:s8] =	ssyncset.done $0x0  }
0x4e: {  	[sflag:s8] =	ssyncadd.s32 $0xFFFFF000  }
0x4f: {  	[spmem:s5] =	stream.linear.scatter [tilespmem:s7], [sflag:$0x3], $0x1000, $0x38;
	[tilespmem:$0x15E00] =	vst v63  }
0x50: {  	_ =	swait.ge [sflag:s8], $0x1000  }
0x51: {  	[sflag:s8] =	ssyncset.done $0x0  }
0x52: {  	[sflag:s8] =	ssyncadd.s32 $0xFFFFF000  }
0x53: {  	[spmem:s6] =	stream.linear.scatter [tilespmem:s7], [sflag:$0x3], $0x1000, $0x38;
	[tilespmem:$0x15E00] =	vst v63  }
0x54: {  	_ =	swait.ge [sflag:s8], $0x1000  }
0x55: {  	[sflag:s8] =	ssyncset.done $0x0  }
0x56: {  	s18 =	simm.s32 $0x0;
	s19 =	rddreg [dreg:$0xd];
	[sflag:s8] =	ssyncadd.s32 $0xFFFFF000  }
0x57: {  	[tilespmem:s18], [sflag:$0x3] =	stream.linear.gather [hbm4b:s19+s18], $0x4F00, $0x38;
	[tilespmem:$0x15E00] =	vst v63  }
0x58: {  	_ =	swait.ge [sflag:s8], $0x4F00  }
0x59: {  	[sflag:s8] =	ssyncset.done $0x0  }
0x5a: {  	s20 =	simm.s32 $0x4F00;
	s21 =	rddreg [dreg:$0xe];
	[sflag:s8] =	ssyncadd.s32 $0xFFFFB100  }
0x5b: {  	[tilespmem:s20], [sflag:$0x3] =	stream.linear.gather [hbm4b:s21+s18], $0x4F00, $0x38;
	[tilespmem:$0x15E00] =	vst v63  }
0x5c: {  	_ =	swait.ge [sflag:s8], $0x4F00  }
0x5d: {  	[sflag:s8] =	ssyncset.done $0x0  }
0x5e: {  	s18 =	simm.s32 $0x0;
	[sflag:s8] =	ssyncadd.s32 $0xFFFFB100  }
0x5f: {  	v4 =	vld [tilespmem:s18+$0x0]  }
0x60: {  	v3 =	vld [tilespmem:s18+$0x10]  }
0x61: {  	s19 =	simm.s32 $0x100;
	v2 =	vld [tilespmem:s18+$0x20]  }
.LBB2_4:
0x62: {  	p0 =	sne.s32 s19, $0x13B00;
	v5 =	vld [tilespmem:s18+$0x30];
	_ =	sdelay $0x1  }
.Ltmp1:
0x63: {  	v4 =	vadd.s32 v0, v4;
	(pc) =	sbr.rel @p0 .LBB2_4-.Ltmp1, $4  }
0x64: {  	s20 =	sshra.s32 s19, $0x2;
	[tilespmem:s18+$0x0] =	vst v4;
	v3 =	vadd.s32 v0, v3  }
0x65: {  	v4 =	vld [tilespmem:s20+$0x0];
	[tilespmem:s18+$0x10] =	vst v3;
	v2 =	vadd.s32 v0, v2  }
0x66: {  	v3 =	vld [tilespmem:s20+$0x10];
	[tilespmem:s18+$0x20] =	vst v2;
	v5 =	vadd.s32 v0, v5  }
0x67: {  	s19 =	sadd.s32 $0x100, s19;
	v2 =	vld [tilespmem:s20+$0x20];
	[tilespmem:s18+$0x30] =	vst v5;
	s18 =	smov.u32 s20  }
0x68: {  	v5 =	vld [tilespmem:s18+$0x30];
	_ =	sdelay $0x1  }
0x69: {  	v4 =	vadd.s32 v0, v4  }
0x6a: {  	[tilespmem:s18+$0x0] =	vst v4;
	v3 =	vadd.s32 v0, v3  }
0x6b: {  	[tilespmem:s18+$0x10] =	vst v3;
	v2 =	vadd.s32 v0, v2  }
0x6c: {  	[tilespmem:s18+$0x20] =	vst v2;
	v2 =	vadd.s32 v0, v5  }
0x6d: {  	[tilespmem:s18+$0x30] =	vst v2  }
0x6e: {  	s21 =	simm.s32 $0x0;
	[bflag:$0x0] =	sbarrier.arrive $0xFFFF  }
0x6f: {  	[tilespmem:s7], [sflag:$0x1] =	stream.indirect.gather [hbm4b:s14+s9], $0x40, s21, s9, $0xb8;
	[tilespmem:$0x15E00] =	vst v63  }
0x70: {  	s19 =	simm.s32 $0x40  }
0x71: {  	[tilespmem:s12], [sflag:$0x2] =	stream.indirect.gather [hbm4b:s14+s9], $0x40, s19, s9, $0xb8;
	[tilespmem:$0x15E00] =	vst v63  }
0x72: {  	_ =	swait.ge [sflag:s13], $0x1000  }
0x73: {  	[sflag:s13] =	ssyncset.done $0x0  }
0x74: {  	s20 =	simm.s32 $0x4F00;
	[sflag:s13] =	ssyncadd.s32 $0xFFFFF000  }
0x75: {  	[spmem:s11] =	stream.indirect.scatter.add.f32 [tilespmem:s7], [sflag:$0x3], $0x40, s20, s9, $0xb8;
	[tilespmem:$0x15E00] =	vst v63  }
0x76: {  	_ =	swait.ge [sflag:s8], $0x1000  }
0x77: {  	[sflag:s8] =	ssyncset.done $0x0  }
0x78: {  	[sflag:s8] =	ssyncadd.s32 $0xFFFFF000  }
0x79: {  	_ =	swait.ge [sflag:s16], $0x1000  }
0x7a: {  	[sflag:s16] =	ssyncset.done $0x0  }
0x7b: {  	s21 =	simm.s32 $0x4F40;
	[sflag:s16] =	ssyncadd.s32 $0xFFFFF000  }
0x7c: {  	[spmem:s11] =	stream.indirect.scatter.add.f32 [tilespmem:s12], [sflag:$0x3], $0x40, s21, s9, $0xb8;
	[tilespmem:$0x15E00] =	vst v63  }
0x7d: {  	_ =	swait.ge [sflag:s8], $0x1000  }
0x7e: {  	s18 =	simm.s32 $0x200;
	s19 =	simm.s32 $0x400;
	[sflag:s8] =	ssyncset.done $0x0  }
.LBB2_6:
0x7f: {  	s20 =	sshra.s32 s18, $0x2  }
0x80: {  	[sflag:s8] =	ssyncadd.s32 $0xFFFFF000;
	s18 =	smov.u32 s19;
	s21 =	sadd.s32 $0x200, s19  }
0x81: {  	[tilespmem:s7], [sflag:$0x1] =	stream.indirect.gather [hbm4b:s14+s9], $0x40, s20, s9, $0xb8;
	[tilespmem:$0x15E00] =	vst v63  }
0x82: {  	p0 =	sne.s32 s19, $0x13A00;
	s19 =	sadd.s32 $0x40, s20  }
0x83: {  	[tilespmem:s12], [sflag:$0x2] =	stream.indirect.gather [hbm4b:s14+s9], $0x40, s19, s9, $0xb8;
	[tilespmem:$0x15E00] =	vst v63  }
0x84: {  	_ =	swait.ge [sflag:s13], $0x1000  }
0x85: {  	[sflag:s13] =	ssyncset.done $0x0  }
0x86: {  	s19 =	sadd.s32 $0x4F00, s20;
	[sflag:s13] =	ssyncadd.s32 $0xFFFFF000  }
0x87: {  	[spmem:s11] =	stream.indirect.scatter.add.f32 [tilespmem:s7], [sflag:$0x3], $0x40, s19, s9, $0xb8;
	[tilespmem:$0x15E00] =	vst v63  }
0x88: {  	_ =	swait.ge [sflag:s8], $0x1000  }
0x89: {  	[sflag:s8] =	ssyncset.done $0x0  }
0x8a: {  	[sflag:s8] =	ssyncadd.s32 $0xFFFFF000  }
0x8b: {  	_ =	swait.ge [sflag:s16], $0x1000  }
.Ltmp2:
0x8c: {  	[sflag:s16] =	ssyncset.done $0x0;
	(pc) =	sbr.rel @p0 .LBB2_6-.Ltmp2, $4  }
0x8d: {  	s19 =	sadd.s32 $0x4F40, s20;
	[sflag:s16] =	ssyncadd.s32 $0xFFFFF000  }
0x8e: {  	[spmem:s11] =	stream.indirect.scatter.add.f32 [tilespmem:s12], [sflag:$0x3], $0x40, s19, s9, $0xb8;
	[tilespmem:$0x15E00] =	vst v63  }
0x8f: {  	_ =	swait.ge [sflag:s8], $0x1000  }
0x90: {  	s19 =	smov.u32 s21;
	[sflag:s8] =	ssyncset.done $0x0  }
0x91: {  	s18 =	sshra.s32 s18, $0x2;
	[sflag:s8] =	ssyncadd.s32 $0xFFFFF000  }
0x92: {  	[tilespmem:s7], [sflag:$0x1] =	stream.indirect.gather [hbm4b:s14+s9], $0x40, s18, s9, $0xb8;
	[tilespmem:$0x15E00] =	vst v63  }
0x93: {  	s19 =	sadd.s32 $0x40, s18  }
0x94: {  	[tilespmem:s12], [sflag:$0x2] =	stream.indirect.gather [hbm4b:s14+s9], $0x40, s19, s9, $0xb8;
	[tilespmem:$0x15E00] =	vst v63  }
0x95: {  	_ =	swait.ge [sflag:s13], $0x1000  }
0x96: {  	[sflag:s13] =	ssyncset.done $0x0  }
0x97: {  	s21 =	sadd.s32 $0x4F00, s18;
	[sflag:s13] =	ssyncadd.s32 $0xFFFFF000  }
0x98: {  	[spmem:s11] =	stream.indirect.scatter.add.f32 [tilespmem:s7], [sflag:$0x3], $0x40, s21, s9, $0xb8;
	[tilespmem:$0x15E00] =	vst v63  }
0x99: {  	_ =	swait.ge [sflag:s8], $0x1000  }
0x9a: {  	[sflag:s8] =	ssyncset.done $0x0  }
0x9b: {  	[sflag:s8] =	ssyncadd.s32 $0xFFFFF000  }
0x9c: {  	_ =	swait.ge [sflag:s16], $0x1000  }
0x9d: {  	[sflag:s16] =	ssyncset.done $0x0  }
0x9e: {  	s18 =	sadd.s32 $0x4F40, s18;
	[sflag:s16] =	ssyncadd.s32 $0xFFFFF000  }
0x9f: {  	[spmem:s11] =	stream.indirect.scatter.add.f32 [tilespmem:s12], [sflag:$0x3], $0x40, s18, s9, $0xb8;
	[tilespmem:$0x15E00] =	vst v63  }
0xa0: {  	_ =	swait.ge [sflag:s8], $0x1000  }
0xa1: {  	[sflag:s8] =	ssyncset.done $0x0  }
0xa2: {  	[sflag:s8] =	ssyncadd.s32 $0xFFFFF000  }
0xa3: {  	[bflag:$0x0] =	sbarrier.arrive $0xFFFF  }
0xa4: {  	s20 =	rddreg [dreg:$0xf]  }
0xa5: {  	[tilespmem:s7], [sflag:$0x3] =	stream.linear.gather [spmem:s20], $0x1000, $0x38;
	[tilespmem:$0x15E00] =	vst v63  }
0xa6: {  	_ =	swait.ge [sflag:s8], $0x1000  }
0xa7: {  	[sflag:s8] =	ssyncset.done $0x0  }
0xa8: {  	s21 =	rddreg [dreg:$0x3];
	[sflag:s8] =	ssyncadd.s32 $0xFFFFF000  }
0xa9: {  	[hbm4b:s21+s1] =	stream.linear.scatter [tilespmem:s7], [sflag:$0x3], $0x1000, $0x38;
	[tilespmem:$0x15E00] =	vst v63  }
0xaa: {  	_ =	swait.ge [sflag:s8], $0x1000  }
0xab: {  	[sflag:s8] =	ssyncset.done $0x0  }
0xac: {  	s19 =	rddreg [dreg:$0x11];
	[sflag:s8] =	ssyncadd.s32 $0xFFFFF000  }
0xad: {  	[tilespmem:s7], [sflag:$0x3] =	stream.linear.gather [spmem:s19], $0x1000, $0x38;
	[tilespmem:$0x15E00] =	vst v63  }
0xae: {  	_ =	swait.ge [sflag:s8], $0x1000  }
0xaf: {  	[sflag:s8] =	ssyncset.done $0x0  }
0xb0: {  	s20 =	rddreg [dreg:$0x4];
	[sflag:s8] =	ssyncadd.s32 $0xFFFFF000  }
0xb1: {  	[hbm4b:s20+s1] =	stream.linear.scatter [tilespmem:s7], [sflag:$0x3], $0x1000, $0x38;
	[tilespmem:$0x15E00] =	vst v63  }
0xb2: {  	_ =	swait.ge [sflag:s8], $0x1000  }
0xb3: {  	[sflag:s8] =	ssyncset.done $0x0  }
0xb4: {  	s21 =	rddreg [dreg:$0x12];
	[sflag:s8] =	ssyncadd.s32 $0xFFFFF000  }
0xb5: {  	[tilespmem:s7], [sflag:$0x3] =	stream.linear.gather [spmem:s21], $0x1000, $0x38;
	[tilespmem:$0x15E00] =	vst v63  }
0xb6: {  	_ =	swait.ge [sflag:s8], $0x1000  }
0xb7: {  	[sflag:s8] =	ssyncset.done $0x0  }
0xb8: {  	s19 =	rddreg [dreg:$0x5];
	[sflag:s8] =	ssyncadd.s32 $0xFFFFF000  }
0xb9: {  	[hbm4b:s19+s1] =	stream.linear.scatter [tilespmem:s7], [sflag:$0x3], $0x1000, $0x38;
	[tilespmem:$0x15E00] =	vst v63  }
0xba: {  	_ =	swait.ge [sflag:s8], $0x1000  }
0xbb: {  	[sflag:s8] =	ssyncset.done $0x0  }
0xbc: {  	[sflag:s8] =	ssyncadd.s32 $0xFFFFF000  }
0xbd: {  	[tilespmem:s7], [sflag:$0x3] =	stream.linear.gather [spmem:s22], $0x1000, $0x38;
	[tilespmem:$0x15E00] =	vst v63  }
0xbe: {  	_ =	swait.ge [sflag:s8], $0x1000  }
0xbf: {  	[sflag:s8] =	ssyncset.done $0x0  }
0xc0: {  	s20 =	rddreg [dreg:$0x6];
	[sflag:s8] =	ssyncadd.s32 $0xFFFFF000  }
0xc1: {  	[hbm4b:s20+s1] =	stream.linear.scatter [tilespmem:s7], [sflag:$0x3], $0x1000, $0x38;
	[tilespmem:$0x15E00] =	vst v63  }
0xc2: {  	_ =	swait.ge [sflag:s8], $0x1000  }
0xc3: {  	[sflag:s8] =	ssyncset.done $0x0  }
0xc4: {  	[sflag:s8] =	ssyncadd.s32 $0xFFFFF000  }
0xc5: {  	[tilespmem:s7], [sflag:$0x3] =	stream.linear.gather [spmem:s23], $0x1000, $0x38;
	[tilespmem:$0x15E00] =	vst v63  }
0xc6: {  	_ =	swait.ge [sflag:s8], $0x1000  }
0xc7: {  	[sflag:s8] =	ssyncset.done $0x0  }
0xc8: {  	s21 =	rddreg [dreg:$0x7];
	[sflag:s8] =	ssyncadd.s32 $0xFFFFF000  }
0xc9: {  	[hbm4b:s21+s1] =	stream.linear.scatter [tilespmem:s7], [sflag:$0x3], $0x1000, $0x38;
	[tilespmem:$0x15E00] =	vst v63  }
0xca: {  	_ =	swait.ge [sflag:s8], $0x1000  }
0xcb: {  	[sflag:s8] =	ssyncset.done $0x0  }
0xcc: {  	[sflag:s8] =	ssyncadd.s32 $0xFFFFF000  }
0xcd: {  	[tilespmem:s7], [sflag:$0x3] =	stream.linear.gather [spmem:s24], $0x1000, $0x38;
	[tilespmem:$0x15E00] =	vst v63  }
0xce: {  	_ =	swait.ge [sflag:s8], $0x1000  }
0xcf: {  	[sflag:s8] =	ssyncset.done $0x0  }
0xd0: {  	s19 =	rddreg [dreg:$0x8];
	[sflag:s8] =	ssyncadd.s32 $0xFFFFF000  }
0xd1: {  	[hbm4b:s19+s1] =	stream.linear.scatter [tilespmem:s7], [sflag:$0x3], $0x1000, $0x38;
	[tilespmem:$0x15E00] =	vst v63  }
0xd2: {  	_ =	swait.ge [sflag:s8], $0x1000  }
0xd3: {  	[sflag:s8] =	ssyncset.done $0x0  }
0xd4: {  	[sflag:s8] =	ssyncadd.s32 $0xFFFFF000  }
0xd5: {  	[tilespmem:s7], [sflag:$0x3] =	stream.linear.gather [spmem:s25], $0x1000, $0x38;
	[tilespmem:$0x15E00] =	vst v63  }
0xd6: {  	_ =	swait.ge [sflag:s8], $0x1000  }
0xd7: {  	[sflag:s8] =	ssyncset.done $0x0  }
0xd8: {  	s20 =	rddreg [dreg:$0x9];
	[sflag:s8] =	ssyncadd.s32 $0xFFFFF000  }
0xd9: {  	[hbm4b:s20+s1] =	stream.linear.scatter [tilespmem:s7], [sflag:$0x3], $0x1000, $0x38;
	[tilespmem:$0x15E00] =	vst v63  }
0xda: {  	_ =	swait.ge [sflag:s8], $0x1000  }
0xdb: {  	[sflag:s8] =	ssyncset.done $0x0  }
0xdc: {  	[sflag:s8] =	ssyncadd.s32 $0xFFFFF000  }
0xdd: {  	[tilespmem:s7], [sflag:$0x3] =	stream.linear.gather [spmem:s26], $0x1000, $0x38;
	[tilespmem:$0x15E00] =	vst v63  }
0xde: {  	_ =	swait.ge [sflag:s8], $0x1000  }
0xdf: {  	[sflag:s8] =	ssyncset.done $0x0  }
0xe0: {  	s21 =	rddreg [dreg:$0xa];
	[sflag:s8] =	ssyncadd.s32 $0xFFFFF000  }
0xe1: {  	[hbm4b:s21+s1] =	stream.linear.scatter [tilespmem:s7], [sflag:$0x3], $0x1000, $0x38;
	[tilespmem:$0x15E00] =	vst v63  }
0xe2: {  	_ =	swait.ge [sflag:s8], $0x1000  }
0xe3: {  	[sflag:s8] =	ssyncset.done $0x0  }
0xe4: {  	[sflag:s8] =	ssyncadd.s32 $0xFFFFF000  }
0xe5: {  	[tilespmem:s7], [sflag:$0x3] =	stream.linear.gather [spmem:s28], $0x1000, $0x38;
	[tilespmem:$0x15E00] =	vst v63  }
0xe6: {  	_ =	swait.ge [sflag:s8], $0x1000  }
0xe7: {  	[sflag:s8] =	ssyncset.done $0x0  }
0xe8: {  	s19 =	rddreg [dreg:$0xb];
	[sflag:s8] =	ssyncadd.s32 $0xFFFFF000  }
0xe9: {  	[hbm4b:s19+s1] =	stream.linear.scatter [tilespmem:s7], [sflag:$0x3], $0x1000, $0x38;
	[tilespmem:$0x15E00] =	vst v63  }
0xea: {  	_ =	swait.ge [sflag:s8], $0x1000  }
0xeb: {  	[sflag:s8] =	ssyncset.done $0x0  }
0xec: {  	[sflag:s8] =	ssyncadd.s32 $0xFFFFF000  }
0xed: {  	[tilespmem:s7], [sflag:$0x3] =	stream.linear.gather [spmem:s29], $0x1000, $0x38;
	[tilespmem:$0x15E00] =	vst v63  }
0xee: {  	_ =	swait.ge [sflag:s8], $0x1000  }
0xef: {  	[sflag:s8] =	ssyncset.done $0x0  }
0xf0: {  	s20 =	rddreg [dreg:$0xc];
	[sflag:s8] =	ssyncadd.s32 $0xFFFFF000  }
0xf1: {  	[hbm4b:s20+s1] =	stream.linear.scatter [tilespmem:s7], [sflag:$0x3], $0x1000, $0x38;
	[tilespmem:$0x15E00] =	vst v63  }
0xf2: {  	_ =	swait.ge [sflag:s8], $0x1000  }
0xf3: {  	s17 =	sadd.s32 $0x1, s17;
	s21 =	rddreg [dreg:$0x10]  }
0xf4: {  	p0 =	sne.s32 s17, s21  }
.Ltmp3:
0xf5: {  	_ = 	snop;
	(pc) =	sbr.rel @p0 .LBB2_1-.Ltmp3, $3  }
0xf6: {  	_ =	sdelay $0x1  }
0xf7: {  	[sflag:s8] =	ssyncset.done $0x0  }
0xf8: {  	[sflag:s8] =	ssyncadd.s32 $0xFFFFF000  }
0xf9: {  	_ =	sfence.sel $0x180000  }
0xfa: {  	[bflag:$0x0] =	sbarrier.arrive $0xFFFF  }
0xfb: {  	_ =	strace $0x90000053  }
0xfc: {  	s0 =	stileid.u32;
	[bflag:$0x2] =	sbarrier.arrive $0xFFFF  }
0xfd: {  	p0 =	sne.s32 s0, $0x0;
	s0 =	rddreg [dreg:$0x2]  }
0xfe: {  	s0 =	sadd.s32 @!p0 $0x100000, s0  }
0xff: {  	[sflag:s0] =	ssyncadd.tile.s32 @!p0 $0x1;
	_ =	shalt  }
.Lfunc_end2:
_tile_overlayer_lowered:
.L_overlay_start_2:
0x100: {  	(tag) =	ssettag $0x2  }
0x101: {  	s0 =	rddreg [dreg:$0x0];
	s2 =	stileid.u32  }
0x102: {  	s1 =	rddreg [dreg:$0x1];
	p0 =	sne.s32 s2, $0x0  }
0x103: {  	s3 =	rddreg [dreg:$0x2];
	[bflag:$0x3] =	sbarrier.arrive $0xFFFF;
	s2 =	simm.s32 @!p0 $0x1C03  }
0x104: {  	[timem:s3], [sflag:s2] =	dma.local @!p0 [hbm:s0], s1  }
0x105: {  	s0 =	simm.s32 @!p0 $0x3  }
0x106: {  	_ =	swait.ge @!p0 [sflag:s0], s1  }
0x107: {  	s1 =	ssub.s32 @!p0 $0x0, s1;
	[sflag:s0] =	ssyncset.done @!p0 $0x0  }
0x108: {  	[sflag:s0] =	ssyncadd.s32 @!p0 s1  }
0x109: {  	[bflag:$0x3] =	sbarrier.arrive $0xFFFF  }
0x10a: {  	_ =	shalt  }

</sc_bundles>
